<compile_context>
chip_gen: v7x
topology: tpu7x:2x2x1
jax: 0.10.2.dev20260603
libtpu: 0.0.44.dev20260713+nightly
codegen_flags: <defaults>
</compile_context>

<pallas_src>
import functools

import jax
import jax.numpy as jnp
from jax import lax
from jax.experimental import pallas as pl
from jax.experimental.pallas import tpu as pltpu
from jax.experimental.pallas import tpu_sc as plsc

N = 10000
D = 128
E = 320000

NPAD = 10240
BLK = 1024
NBLK = NPAD // BLK

NC = 2
NS = 16
NW = NC * NS
CHUNK = 128
DW = D + 16
CPW = 80
GROUP = 8
NGRP = CPW // GROUP
EPAD = NW * CPW * CHUNK
ROWS_PER_S = NPAD // NS
RPS_CHUNKS = ROWS_PER_S // CHUNK

_f32 = jnp.float32



@functools.cache
def _build_sc_segsum(width):
    mesh = plsc.VectorSubcoreMesh(core_axis_name="c", subcore_axis_name="s")

    def _body(table_hbm, srcw_hbm, dstw_hbm, zeros_hbm, iota_hbm,
              out_parts,
              src_v, dst_v, iota_v, rows_v, acc_sh, sem):
        c = lax.axis_index("c")
        s = lax.axis_index("s")
        wid = c * NS + s
        rlo = s * ROWS_PER_S

        pltpu.sync_copy(zeros_hbm, rows_v)
        pltpu.sync_copy(iota_hbm.at[s], iota_v)

        def _init(i, carry):
            pltpu.sync_copy(rows_v, acc_sh.at[iota_v.at[i]])
            return carry

        lax.fori_loop(0, RPS_CHUNKS, _init, 0)
        plsc.subcore_barrier()

        def _grp(g, carry):
            pltpu.sync_copy(srcw_hbm.at[wid, pl.ds(g * GROUP, GROUP)], src_v)
            pltpu.sync_copy(dstw_hbm.at[wid, pl.ds(g * GROUP, GROUP)], dst_v)

            def _chunk(k, inner):
                pltpu.async_copy(table_hbm.at[src_v.at[k]], rows_v,
                                 sem).wait()
                pltpu.sync_copy(rows_v, acc_sh.at[dst_v.at[k]], add=True)
                return inner

            lax.fori_loop(0, GROUP, _chunk, 0)
            return carry

        lax.fori_loop(0, NGRP, _grp, 0)
        plsc.subcore_barrier()

        def _flush(i, carry):
            r = rlo + i * CHUNK
            pltpu.async_copy(acc_sh.at[iota_v.at[i]], rows_v, sem).wait()
            pltpu.sync_copy(rows_v, out_parts.at[c, pl.ds(r, CHUNK)])
            return carry

        lax.fori_loop(0, RPS_CHUNKS, _flush, 0)

    return pl.kernel(
        _body,
        mesh=mesh,
        out_type=jax.ShapeDtypeStruct((NC, NPAD, width), _f32),
        scratch_types=[
            pltpu.VMEM((GROUP, CHUNK), jnp.int32),
            pltpu.VMEM((GROUP, CHUNK), jnp.int32),
            pltpu.VMEM((RPS_CHUNKS, CHUNK), jnp.int32),
            pltpu.VMEM((CHUNK, width), _f32),
            pltpu.VMEM_SHARED((NPAD, width), _f32),
            pltpu.SemaphoreType.DMA,
        ],
    )


def _sc_segsum(table, src_p, dst_p, zeros, iota):
    return _build_sc_segsum(table.shape[1])(table, src_p, dst_p, zeros, iota)


@functools.cache
def _build_sc_counts():
    mesh = plsc.VectorSubcoreMesh(core_axis_name="c", subcore_axis_name="s")

    def _body(dstw_hbm, zeros_hbm, ones_hbm, iota_hbm,
              out_cnt,
              dst_v, iota_v, rows_v, acc_sh, sem):
        c = lax.axis_index("c")
        s = lax.axis_index("s")
        wid = c * NS + s
        rlo = s * ROWS_PER_S

        pltpu.sync_copy(zeros_hbm, rows_v)
        pltpu.sync_copy(iota_hbm.at[s], iota_v)

        def _init(i, carry):
            pltpu.sync_copy(rows_v, acc_sh.at[iota_v.at[i]])
            return carry

        lax.fori_loop(0, RPS_CHUNKS, _init, 0)
        pltpu.sync_copy(ones_hbm, rows_v)
        plsc.subcore_barrier()

        def _grp(g, carry):
            pltpu.sync_copy(dstw_hbm.at[wid, pl.ds(g * GROUP, GROUP)], dst_v)

            def _chunk(k, inner):
                pltpu.sync_copy(rows_v, acc_sh.at[dst_v.at[k]], add=True)
                return inner

            lax.fori_loop(0, GROUP, _chunk, 0)
            return carry

        lax.fori_loop(0, NGRP, _grp, 0)
        plsc.subcore_barrier()

        def _flush(i, carry):
            r = rlo + i * CHUNK
            pltpu.async_copy(acc_sh.at[iota_v.at[i]], rows_v, sem).wait()
            pltpu.sync_copy(rows_v, out_cnt.at[c, pl.ds(r, CHUNK)])
            return carry

        lax.fori_loop(0, RPS_CHUNKS, _flush, 0)

    return pl.kernel(
        _body,
        mesh=mesh,
        out_type=jax.ShapeDtypeStruct((NC, NPAD, D), _f32),
        scratch_types=[
            pltpu.VMEM((GROUP, CHUNK), jnp.int32),
            pltpu.VMEM((RPS_CHUNKS, CHUNK), jnp.int32),
            pltpu.VMEM((CHUNK, D), _f32),
            pltpu.VMEM_SHARED((NPAD, D), _f32),
            pltpu.SemaphoreType.DMA,
        ],
    )



def _conv_tail(agg, h_ref, wl_ref, wr_ref, b_ref):
    out = jnp.dot(agg, wl_ref[...], preferred_element_type=_f32)
    out += jnp.dot(h_ref[...], wr_ref[...], preferred_element_type=_f32)
    return out + b_ref[...]


def _k1_body(parts_ref, cntp_ref, x_ref, wl_ref, wr_ref, b_ref, o_ref,
             inv_ref):
    cnt = cntp_ref[0, :, 0] + cntp_ref[1, :, 0]
    inv = (1.0 / jnp.maximum(cnt, 1.0))[:, None]
    inv_ref[...] = inv
    agg = (parts_ref[0] + parts_ref[1]) * inv
    h = _conv_tail(agg, x_ref, wl_ref, wr_ref, b_ref)
    o_ref[...] = jnp.maximum(h, 0.0)


def _k2a_body(parts_ref, inv_ref, h_ref, wl_ref, wr_ref, b_ref,
              g_ref, s1_ref, s2_ref):
    agg = (parts_ref[0] + parts_ref[1]) * inv_ref[...]
    g = _conv_tail(agg, h_ref, wl_ref, wr_ref, b_ref)
    g_ref[...] = g
    row = lax.broadcasted_iota(jnp.int32, (BLK, 1), 0) + pl.program_id(0) * BLK
    gm = jnp.where(row < N, g, 0.0)
    s1_ref[...] = jnp.sum(gm, axis=0, keepdims=True)[None]
    s2_ref[...] = jnp.sum(gm * gm, axis=0, keepdims=True)[None]


def _k2b_body(g_ref, s1_ref, s2_ref, gamma_ref, beta_ref, x_ref, o_ref):
    mean = jnp.sum(s1_ref[...], axis=0) / N
    ex2 = jnp.sum(s2_ref[...], axis=0) / N
    var = ex2 - mean * mean
    h = (g_ref[...] - mean) * lax.rsqrt(var + 1e-5) * gamma_ref[...]
    h = h + beta_ref[...]
    o_ref[...] = jnp.maximum(h, 0.0) + x_ref[...]


def _k3_body(parts_ref, inv_ref, h_ref, wl_ref, wr_ref, b_ref, o_ref):
    agg = (parts_ref[0] + parts_ref[1]) * inv_ref[...]
    o = _conv_tail(agg, h_ref, wl_ref, wr_ref, b_ref)
    m = jnp.max(o, axis=1, keepdims=True)
    lse = jnp.log(jnp.sum(jnp.exp(o - m), axis=1, keepdims=True)) + m
    o_ref[...] = o - lse


_PARTS_SPEC = pl.BlockSpec((NC, BLK, D), lambda i: (0, i, 0))
_INV_SPEC = pl.BlockSpec((BLK, 1), lambda i: (i, 0))
_H_SPEC = pl.BlockSpec((BLK, D), lambda i: (i, 0))
_W_SPEC = pl.BlockSpec((D, D), lambda i: (0, 0))
_B_SPEC = pl.BlockSpec((1, D), lambda i: (0, 0))
_COL_SPEC = pl.BlockSpec((1, 1, D), lambda i: (i, 0, 0))
_COL_FULL_SPEC = pl.BlockSpec((NBLK, 1, D), lambda i: (0, 0, 0))

_HD = jax.ShapeDtypeStruct((NPAD, D), _f32)


def _k1(parts, cntp, x, wl, wr, b):
    return pl.pallas_call(
        _k1_body, grid=(NBLK,),
        in_specs=[_PARTS_SPEC, _PARTS_SPEC, _H_SPEC, _W_SPEC, _W_SPEC,
                  _B_SPEC],
        out_specs=[_H_SPEC, _INV_SPEC],
        out_shape=[_HD, jax.ShapeDtypeStruct((NPAD, 1), _f32)],
    )(parts, cntp, x, wl, wr, b)


def _k2a(parts, inv, h, wl, wr, b):
    return pl.pallas_call(
        _k2a_body, grid=(NBLK,),
        in_specs=[_PARTS_SPEC, _INV_SPEC, _H_SPEC, _W_SPEC, _W_SPEC, _B_SPEC],
        out_specs=[_H_SPEC, _COL_SPEC, _COL_SPEC],
        out_shape=[_HD,
                   jax.ShapeDtypeStruct((NBLK, 1, D), _f32),
                   jax.ShapeDtypeStruct((NBLK, 1, D), _f32)],
    )(parts, inv, h, wl, wr, b)


def _k2b(g, s1, s2, gamma, beta, x):
    return pl.pallas_call(
        _k2b_body, grid=(NBLK,),
        in_specs=[_H_SPEC, _COL_FULL_SPEC, _COL_FULL_SPEC,
                  _B_SPEC, _B_SPEC, _H_SPEC],
        out_specs=_H_SPEC, out_shape=_HD,
    )(g, s1, s2, gamma, beta, x)


def _k3(parts, inv, h, wl, wr, b):
    return pl.pallas_call(
        _k3_body, grid=(NBLK,),
        in_specs=[_PARTS_SPEC, _INV_SPEC, _H_SPEC, _W_SPEC, _W_SPEC, _B_SPEC],
        out_specs=_H_SPEC, out_shape=_HD,
    )(parts, inv, h, wl, wr, b)



def kernel(x, edge_index, W1l, b1l, W1r, W2l, b2l, W2r, gamma, beta,
           W3l, b3l, W3r):
    src = edge_index[0].astype(jnp.int32)
    dst = edge_index[1].astype(jnp.int32)

    x_pad = jnp.pad(x, ((0, NPAD - N), (0, 0)))
    src_p = jnp.concatenate(
        [src, jnp.zeros((EPAD - E,), jnp.int32)]).reshape(NW, CPW, CHUNK)
    dst_p = jnp.concatenate(
        [dst, jnp.full((EPAD - E,), N, jnp.int32)]).reshape(NW, CPW, CHUNK)
    zeros_d = jnp.zeros((CHUNK, D), _f32)
    ones_d = jnp.ones((CHUNK, D), _f32)
    iota = jnp.arange(NPAD, dtype=jnp.int32).reshape(NS, RPS_CHUNKS, CHUNK)

    w1l, w1r = W1l.T, W1r.T
    w2l, w2r = W2l.T, W2r.T
    w3l, w3r = W3l.T, W3r.T
    b1 = b1l.reshape(1, D)
    b2 = b2l.reshape(1, D)
    b3 = b3l.reshape(1, D)

    cntp = _build_sc_counts()(dst_p, zeros_d, ones_d, iota)
    parts1 = _sc_segsum(x_pad, src_p, dst_p, zeros_d, iota)
    h1, inv = _k1(parts1, cntp, x_pad, w1l, w1r, b1)

    parts2 = _sc_segsum(h1, src_p, dst_p, zeros_d, iota)
    g, s1, s2 = _k2a(parts2, inv, h1, w2l, w2r, b2)
    h2 = _k2b(g, s1, s2, gamma.reshape(1, D), beta.reshape(1, D), x_pad)

    parts3 = _sc_segsum(h2, src_p, dst_p, zeros_d, iota)
    o = _k3(parts3, inv, h2, w3l, w3r, b3)
    return o[:N]

# --- scband reference (transcript-rebuilt; emitter-appended) ---
"""Pipeline reference for scband-optimized-graph-sage-20512763806339 (READ-ONLY COPY).

The authoritative reference and input builder live on the scoring server;
editing this copy changes nothing except your own understanding.
"""

import jax, jax.numpy as jnp
import numpy as np

N_NODES = 10000
D_IN = 128
D_HID = 128
D_OUT = 128
N_EDGES = 320000


def _sage_conv(x, src, dst, Wl, bl, Wr, n_nodes):
    # PyG SAGEConv with mean aggregation:
    # out = lin_l(mean_{j in N(i)} x_j) + lin_r(x_i)
    msgs = x[src]
    agg = jax.ops.segment_sum(msgs, dst, num_segments=n_nodes)
    cnt = jax.ops.segment_sum(jnp.ones((src.shape[0],), x.dtype), dst, num_segments=n_nodes)
    agg = agg / jnp.clip(cnt, 1.0, None)[:, None]
    return agg @ Wl.T + bl + x @ Wr.T


def setup_inputs(seed: int = 0) -> dict:
    key = jax.random.key(seed)
    ks = jax.random.split(key, 16)
    x = jax.random.normal(ks[0], (N_NODES, D_IN), dtype=jnp.float32)
    edge_index = jax.random.randint(ks[1], (2, N_EDGES), 0, N_NODES, dtype=jnp.int64 if jax.config.jax_enable_x64 else jnp.int32).astype(jnp.int32)
    s = 0.05
    params = {
        'W1l': jax.random.normal(ks[2], (D_HID, D_IN), dtype=jnp.float32) * s,
        'b1l': jnp.zeros((D_HID,), dtype=jnp.float32),
        'W1r': jax.random.normal(ks[3], (D_HID, D_IN), dtype=jnp.float32) * s,
        'W2l': jax.random.normal(ks[4], (D_HID, D_HID), dtype=jnp.float32) * s,
        'b2l': jnp.zeros((D_HID,), dtype=jnp.float32),
        'W2r': jax.random.normal(ks[5], (D_HID, D_HID), dtype=jnp.float32) * s,
        'gamma': jnp.ones((D_HID,), dtype=jnp.float32),
        'beta': jnp.zeros((D_HID,), dtype=jnp.float32),
        'W3l': jax.random.normal(ks[6], (D_OUT, D_HID), dtype=jnp.float32) * s,
        'b3l': jnp.zeros((D_OUT,), dtype=jnp.float32),
        'W3r': jax.random.normal(ks[7], (D_OUT, D_HID), dtype=jnp.float32) * s,
    }
    return {'x': x, 'edge_index': edge_index, **params}


def reference(x, edge_index, W1l, b1l, W1r, W2l, b2l, W2r, gamma, beta, W3l, b3l, W3r):
    n = x.shape[0]
    src = edge_index[0]
    dst = edge_index[1]
    # in_channels == hidden_channels -> residual_transform is None
    residual = x
    # layer 1
    h = _sage_conv(x, src, dst, W1l, b1l, W1r, n)
    h = jax.nn.relu(h)
    # dropout p=0.0 -> no-op
    # middle layer (num_layers=3 -> one middle conv + BN)
    h = _sage_conv(h, src, dst, W2l, b2l, W2r, n)
    mean = jnp.mean(h, axis=0)
    var = jnp.var(h, axis=0)
    h = (h - mean) / jnp.sqrt(var + 1e-5) * gamma + beta
    h = jax.nn.relu(h)
    # dropout p=0.0 -> no-op
    h = h + residual  # use_residual=True
    # final layer
    h = _sage_conv(h, src, dst, W3l, b3l, W3r, n)
    return jax.nn.log_softmax(h, axis=-1)

if __name__ == "__main__":
    import jax
    _d = setup_inputs()
    print(jax.jit(kernel)(*tuple(_d.values())))

</pallas_src>

<mosaic_0001>
#map = affine_map<(d0, d1) -> (0, 0)>
#map1 = affine_map<(d0, d1) -> (0, 0, 0)>
module attributes {stable_mosaic.version = 14 : i64} {
  func.func @_body(%arg0: i32, %arg1: i32, %arg2: memref<10240x128xf32, #tpu.memory_space<hbm>>, %arg3: memref<32x80x128xi32, #tpu.memory_space<hbm>>, %arg4: memref<32x80x128xi32, #tpu.memory_space<hbm>>, %arg5: memref<128x128xf32, #tpu.memory_space<hbm>>, %arg6: memref<16x5x128xi32, #tpu.memory_space<hbm>>, %arg7: memref<2x10240x128xf32, #tpu.memory_space<hbm>>, %arg8: memref<8x128xi32, #tpu.memory_space<vmem>>, %arg9: memref<8x128xi32, #tpu.memory_space<vmem>>, %arg10: memref<5x128xi32, #tpu.memory_space<vmem>>, %arg11: memref<128x128xf32, #tpu.memory_space<vmem>>, %arg12: memref<10240x128xf32, #tpu.memory_space<vmem_shared>>, %arg13: memref<!tpu.dma_semaphore, #tpu.memory_space<semaphore_mem>>) attributes {dimension_semantics = [#tpu.dimension_semantics<core_parallel>, #tpu.dimension_semantics<subcore_parallel>], iteration_bounds = array<i64: 2, 16>, scalar_prefetch = 0 : i64, scratch_operands = 6 : i64, tpu.core_type = #tpu.core_type<sc_vector_subcore>, window_params = [{transform_indices = #map}, {transform_indices = #map1}, {transform_indices = #map1}, {transform_indices = #map}, {transform_indices = #map1}, {transform_indices = #map1}]} {
    %mul3A = arith.constant 16 : i32
    %mul3A_0 = arith.muli %arg0, %mul3A : i32
    %add3A = arith.addi %mul3A_0, %arg1 : i32
    %mul3A_1 = arith.constant 640 : i32
    %mul3A_2 = arith.muli %arg1, %mul3A_1 : i32
    "tpu.region"() ({
      %run_scoped3A = tpu.sem_alloc : memref<!tpu.dma_semaphore, #tpu.memory_space<semaphore_mem>>
      tpu.enqueue_dma source(%arg5 : memref<128x128xf32, #tpu.memory_space<hbm>>) target(%arg11 : memref<128x128xf32, #tpu.memory_space<vmem>>) target_semaphore(%run_scoped3A : memref<!tpu.dma_semaphore, #tpu.memory_space<semaphore_mem>>)
      tpu.wait_dma2 semaphore(%run_scoped3A : memref<!tpu.dma_semaphore, #tpu.memory_space<semaphore_mem>>) src(%arg5 : memref<128x128xf32, #tpu.memory_space<hbm>>) dst(%arg11 : memref<128x128xf32, #tpu.memory_space<vmem>>)
      tpu.yield
    }) : () -> ()
    "tpu.region"() ({
      %run_scoped3A = tpu.sem_alloc : memref<!tpu.dma_semaphore, #tpu.memory_space<semaphore_mem>>
      %dma_start3A = arith.constant 0 : i32
      %dma_start3A_21 = arith.constant 0 : i32
      %dma_start3A_22 = tpu.memref_slice %arg6[%arg1, %dma_start3A, %dma_start3A_21] : memref<16x5x128xi32, #tpu.memory_space<hbm>> -> memref<1x5x128xi32, #tpu.memory_space<hbm>>
      %dma_start3A_23 = tpu.memref_squeeze %dma_start3A_22 : memref<1x5x128xi32, #tpu.memory_space<hbm>> -> memref<5x128xi32, #tpu.memory_space<hbm>>
      %dma_start3A_24 = arith.constant 0 : i32
      %dma_start3A_25 = arith.constant 0 : i32
      %dma_start3A_26 = tpu.memref_slice %arg6[%arg1, %dma_start3A_24, %dma_start3A_25] : memref<16x5x128xi32, #tpu.memory_space<hbm>> -> memref<1x5x128xi32, #tpu.memory_space<hbm>>
      %dma_start3A_27 = tpu.memref_squeeze %dma_start3A_26 : memref<1x5x128xi32, #tpu.memory_space<hbm>> -> memref<5x128xi32, #tpu.memory_space<hbm>>
      tpu.enqueue_dma source(%dma_start3A_27 : memref<5x128xi32, #tpu.memory_space<hbm>>) target(%arg10 : memref<5x128xi32, #tpu.memory_space<vmem>>) target_semaphore(%run_scoped3A : memref<!tpu.dma_semaphore, #tpu.memory_space<semaphore_mem>>)
      %dma_wait3A = arith.constant 0 : i32
      %dma_wait3A_28 = arith.constant 0 : i32
      %dma_wait3A_29 = tpu.memref_slice %arg6[%arg1, %dma_wait3A, %dma_wait3A_28] : memref<16x5x128xi32, #tpu.memory_space<hbm>> -> memref<1x5x128xi32, #tpu.memory_space<hbm>>
      %dma_wait3A_30 = tpu.memref_squeeze %dma_wait3A_29 : memref<1x5x128xi32, #tpu.memory_space<hbm>> -> memref<5x128xi32, #tpu.memory_space<hbm>>
      %dma_wait3A_31 = arith.constant 0 : i32
      %dma_wait3A_32 = arith.constant 0 : i32
      %dma_wait3A_33 = tpu.memref_slice %arg6[%arg1, %dma_wait3A_31, %dma_wait3A_32] : memref<16x5x128xi32, #tpu.memory_space<hbm>> -> memref<1x5x128xi32, #tpu.memory_space<hbm>>
      %dma_wait3A_34 = tpu.memref_squeeze %dma_wait3A_33 : memref<1x5x128xi32, #tpu.memory_space<hbm>> -> memref<5x128xi32, #tpu.memory_space<hbm>>
      tpu.wait_dma2 semaphore(%run_scoped3A : memref<!tpu.dma_semaphore, #tpu.memory_space<semaphore_mem>>) src(%dma_wait3A_34 : memref<5x128xi32, #tpu.memory_space<hbm>>) dst(%arg10 : memref<5x128xi32, #tpu.memory_space<vmem>>)
      tpu.yield
    }) : () -> ()
    %scan3A = arith.constant 0 : i32
    %scan3A_3 = arith.constant 0 : i32
    %scan3A_4 = arith.constant 5 : i32
    %scan3A_5 = arith.addi %scan3A_3, %scan3A_4 : i32
    %scan3A_6 = arith.constant 1 : i32
    scf.for %scan3A_21 = %scan3A_3 to %scan3A_5 step %scan3A_6  : i32 {
      "tpu.region"() ({
        %run_scoped3A = tpu.sem_alloc : memref<!tpu.dma_semaphore, #tpu.memory_space<semaphore_mem>>
        %dma_start3A = arith.constant 0 : i32
        %dma_start3A_22 = tpu.memref_slice %arg10[%scan3A_21, %dma_start3A] : memref<5x128xi32, #tpu.memory_space<vmem>> -> memref<1x128xi32, #tpu.memory_space<vmem>>
        %dma_start3A_23 = tpu.memref_squeeze %dma_start3A_22 : memref<1x128xi32, #tpu.memory_space<vmem>> -> memref<128xi32, #tpu.memory_space<vmem>>
        %dma_start3A_24 = arith.constant 0 : i32
        %dma_start3A_25 = arith.constant 0 : i32
        %dma_start3A_26 = tpu.memref_slice %arg12[%dma_start3A_24, %dma_start3A_25] : memref<10240x128xf32, #tpu.memory_space<vmem_shared>> -> memref<10240x128xf32, #tpu.memory_space<vmem_shared>>
        tpu.enqueue_indirect_dma source(%arg11 : memref<128x128xf32, #tpu.memory_space<vmem>>) target(%dma_start3A_26 : memref<10240x128xf32, #tpu.memory_space<vmem_shared>>) offsets(%dma_start3A_23 : memref<128xi32, #tpu.memory_space<vmem>>) semaphore(%run_scoped3A : memref<!tpu.dma_semaphore, #tpu.memory_space<semaphore_mem>>)
        %dma_wait3A = arith.constant 0 : i32
        %dma_wait3A_27 = tpu.memref_slice %arg10[%scan3A_21, %dma_wait3A] : memref<5x128xi32, #tpu.memory_space<vmem>> -> memref<1x128xi32, #tpu.memory_space<vmem>>
        %dma_wait3A_28 = tpu.memref_squeeze %dma_wait3A_27 : memref<1x128xi32, #tpu.memory_space<vmem>> -> memref<128xi32, #tpu.memory_space<vmem>>
        %dma_wait3A_29 = arith.constant 0 : i32
        %dma_wait3A_30 = arith.constant 0 : i32
        %dma_wait3A_31 = tpu.memref_slice %arg12[%dma_wait3A_29, %dma_wait3A_30] : memref<10240x128xf32, #tpu.memory_space<vmem_shared>> -> memref<10240x128xf32, #tpu.memory_space<vmem_shared>>
        tpu.wait_indirect_dma semaphore(%run_scoped3A : memref<!tpu.dma_semaphore, #tpu.memory_space<semaphore_mem>>) src(%arg11 : memref<128x128xf32, #tpu.memory_space<vmem>>) dst(%dma_wait3A_31 : memref<10240x128xf32, #tpu.memory_space<vmem_shared>>)
        tpu.yield
      }) : () -> ()
    }
    %scan3A_7 = arith.constant 5 : i32
    %barrier3A = arith.constant 0 : index
    tpu.barrier barrier_id(%barrier3A)
    %scan3A_8 = arith.constant 0 : i32
    %scan3A_9 = arith.constant 0 : i32
    %scan3A_10 = arith.constant 10 : i32
    %scan3A_11 = arith.addi %scan3A_9, %scan3A_10 : i32
    %scan3A_12 = arith.constant 1 : i32
    scf.for %scan3A_21 = %scan3A_9 to %scan3A_11 step %scan3A_12  : i32 {
      %mul3A_22 = arith.constant 8 : i32
      %mul3A_23 = arith.muli %scan3A_21, %mul3A_22 : i32
      "tpu.region"() ({
        %run_scoped3A = tpu.sem_alloc : memref<!tpu.dma_semaphore, #tpu.memory_space<semaphore_mem>>
        %dma_start3A = arith.constant 0 : i32
        %dma_start3A_32 = tpu.memref_slice %arg3[%add3A, %mul3A_23, %dma_start3A] : memref<32x80x128xi32, #tpu.memory_space<hbm>> -> memref<1x8x128xi32, #tpu.memory_space<hbm>>
        %dma_start3A_33 = tpu.memref_squeeze %dma_start3A_32 : memref<1x8x128xi32, #tpu.memory_space<hbm>> -> memref<8x128xi32, #tpu.memory_space<hbm>>
        %dma_start3A_34 = arith.constant 0 : i32
        %dma_start3A_35 = tpu.memref_slice %arg3[%add3A, %mul3A_23, %dma_start3A_34] : memref<32x80x128xi32, #tpu.memory_space<hbm>> -> memref<1x8x128xi32, #tpu.memory_space<hbm>>
        %dma_start3A_36 = tpu.memref_squeeze %dma_start3A_35 : memref<1x8x128xi32, #tpu.memory_space<hbm>> -> memref<8x128xi32, #tpu.memory_space<hbm>>
        tpu.enqueue_dma source(%dma_start3A_36 : memref<8x128xi32, #tpu.memory_space<hbm>>) target(%arg8 : memref<8x128xi32, #tpu.memory_space<vmem>>) target_semaphore(%run_scoped3A : memref<!tpu.dma_semaphore, #tpu.memory_space<semaphore_mem>>)
        %dma_wait3A = arith.constant 0 : i32
        %dma_wait3A_37 = tpu.memref_slice %arg3[%add3A, %mul3A_23, %dma_wait3A] : memref<32x80x128xi32, #tpu.memory_space<hbm>> -> memref<1x8x128xi32, #tpu.memory_space<hbm>>
        %dma_wait3A_38 = tpu.memref_squeeze %dma_wait3A_37 : memref<1x8x128xi32, #tpu.memory_space<hbm>> -> memref<8x128xi32, #tpu.memory_space<hbm>>
        %dma_wait3A_39 = arith.constant 0 : i32
        %dma_wait3A_40 = tpu.memref_slice %arg3[%add3A, %mul3A_23, %dma_wait3A_39] : memref<32x80x128xi32, #tpu.memory_space<hbm>> -> memref<1x8x128xi32, #tpu.memory_space<hbm>>
        %dma_wait3A_41 = tpu.memref_squeeze %dma_wait3A_40 : memref<1x8x128xi32, #tpu.memory_space<hbm>> -> memref<8x128xi32, #tpu.memory_space<hbm>>
        tpu.wait_dma2 semaphore(%run_scoped3A : memref<!tpu.dma_semaphore, #tpu.memory_space<semaphore_mem>>) src(%dma_wait3A_41 : memref<8x128xi32, #tpu.memory_space<hbm>>) dst(%arg8 : memref<8x128xi32, #tpu.memory_space<vmem>>)
        tpu.yield
      }) : () -> ()
      %mul3A_24 = arith.constant 8 : i32
      %mul3A_25 = arith.muli %scan3A_21, %mul3A_24 : i32
      "tpu.region"() ({
        %run_scoped3A = tpu.sem_alloc : memref<!tpu.dma_semaphore, #tpu.memory_space<semaphore_mem>>
        %dma_start3A = arith.constant 0 : i32
        %dma_start3A_32 = tpu.memref_slice %arg4[%add3A, %mul3A_25, %dma_start3A] : memref<32x80x128xi32, #tpu.memory_space<hbm>> -> memref<1x8x128xi32, #tpu.memory_space<hbm>>
        %dma_start3A_33 = tpu.memref_squeeze %dma_start3A_32 : memref<1x8x128xi32, #tpu.memory_space<hbm>> -> memref<8x128xi32, #tpu.memory_space<hbm>>
        %dma_start3A_34 = arith.constant 0 : i32
        %dma_start3A_35 = tpu.memref_slice %arg4[%add3A, %mul3A_25, %dma_start3A_34] : memref<32x80x128xi32, #tpu.memory_space<hbm>> -> memref<1x8x128xi32, #tpu.memory_space<hbm>>
        %dma_start3A_36 = tpu.memref_squeeze %dma_start3A_35 : memref<1x8x128xi32, #tpu.memory_space<hbm>> -> memref<8x128xi32, #tpu.memory_space<hbm>>
        tpu.enqueue_dma source(%dma_start3A_36 : memref<8x128xi32, #tpu.memory_space<hbm>>) target(%arg9 : memref<8x128xi32, #tpu.memory_space<vmem>>) target_semaphore(%run_scoped3A : memref<!tpu.dma_semaphore, #tpu.memory_space<semaphore_mem>>)
        %dma_wait3A = arith.constant 0 : i32
        %dma_wait3A_37 = tpu.memref_slice %arg4[%add3A, %mul3A_25, %dma_wait3A] : memref<32x80x128xi32, #tpu.memory_space<hbm>> -> memref<1x8x128xi32, #tpu.memory_space<hbm>>
        %dma_wait3A_38 = tpu.memref_squeeze %dma_wait3A_37 : memref<1x8x128xi32, #tpu.memory_space<hbm>> -> memref<8x128xi32, #tpu.memory_space<hbm>>
        %dma_wait3A_39 = arith.constant 0 : i32
        %dma_wait3A_40 = tpu.memref_slice %arg4[%add3A, %mul3A_25, %dma_wait3A_39] : memref<32x80x128xi32, #tpu.memory_space<hbm>> -> memref<1x8x128xi32, #tpu.memory_space<hbm>>
        %dma_wait3A_41 = tpu.memref_squeeze %dma_wait3A_40 : memref<1x8x128xi32, #tpu.memory_space<hbm>> -> memref<8x128xi32, #tpu.memory_space<hbm>>
        tpu.wait_dma2 semaphore(%run_scoped3A : memref<!tpu.dma_semaphore, #tpu.memory_space<semaphore_mem>>) src(%dma_wait3A_41 : memref<8x128xi32, #tpu.memory_space<hbm>>) dst(%arg9 : memref<8x128xi32, #tpu.memory_space<vmem>>)
        tpu.yield
      }) : () -> ()
      %scan3A_26 = arith.constant 0 : i32
      %scan3A_27 = arith.constant 0 : i32
      %scan3A_28 = arith.constant 8 : i32
      %scan3A_29 = arith.addi %scan3A_27, %scan3A_28 : i32
      %scan3A_30 = arith.constant 1 : i32
      scf.for %scan3A_32 = %scan3A_27 to %scan3A_29 step %scan3A_30  : i32 {
        %dma_start3A = arith.constant 0 : i32
        %dma_start3A_33 = tpu.memref_slice %arg8[%scan3A_32, %dma_start3A] : memref<8x128xi32, #tpu.memory_space<vmem>> -> memref<1x128xi32, #tpu.memory_space<vmem>>
        %dma_start3A_34 = tpu.memref_squeeze %dma_start3A_33 : memref<1x128xi32, #tpu.memory_space<vmem>> -> memref<128xi32, #tpu.memory_space<vmem>>
        %dma_start3A_35 = arith.constant 0 : i32
        %dma_start3A_36 = arith.constant 0 : i32
        %dma_start3A_37 = tpu.memref_slice %arg2[%dma_start3A_35, %dma_start3A_36] : memref<10240x128xf32, #tpu.memory_space<hbm>> -> memref<10240x128xf32, #tpu.memory_space<hbm>>
        tpu.enqueue_indirect_dma source(%dma_start3A_37 : memref<10240x128xf32, #tpu.memory_space<hbm>>) target(%arg11 : memref<128x128xf32, #tpu.memory_space<vmem>>) offsets(%dma_start3A_34 : memref<128xi32, #tpu.memory_space<vmem>>) semaphore(%arg13 : memref<!tpu.dma_semaphore, #tpu.memory_space<semaphore_mem>>)
        %dma_wait3A = arith.constant 0 : i32
        %dma_wait3A_38 = tpu.memref_slice %arg8[%scan3A_32, %dma_wait3A] : memref<8x128xi32, #tpu.memory_space<vmem>> -> memref<1x128xi32, #tpu.memory_space<vmem>>
        %dma_wait3A_39 = tpu.memref_squeeze %dma_wait3A_38 : memref<1x128xi32, #tpu.memory_space<vmem>> -> memref<128xi32, #tpu.memory_space<vmem>>
        %dma_wait3A_40 = arith.constant 0 : i32
        %dma_wait3A_41 = arith.constant 0 : i32
        %dma_wait3A_42 = tpu.memref_slice %arg2[%dma_wait3A_40, %dma_wait3A_41] : memref<10240x128xf32, #tpu.memory_space<hbm>> -> memref<10240x128xf32, #tpu.memory_space<hbm>>
        tpu.wait_indirect_dma semaphore(%arg13 : memref<!tpu.dma_semaphore, #tpu.memory_space<semaphore_mem>>) src(%dma_wait3A_42 : memref<10240x128xf32, #tpu.memory_space<hbm>>) dst(%arg11 : memref<128x128xf32, #tpu.memory_space<vmem>>)
        "tpu.region"() ({
          %run_scoped3A = tpu.sem_alloc : memref<!tpu.dma_semaphore, #tpu.memory_space<semaphore_mem>>
          %dma_start3A_43 = arith.constant 0 : i32
          %dma_start3A_44 = tpu.memref_slice %arg9[%scan3A_32, %dma_start3A_43] : memref<8x128xi32, #tpu.memory_space<vmem>> -> memref<1x128xi32, #tpu.memory_space<vmem>>
          %dma_start3A_45 = tpu.memref_squeeze %dma_start3A_44 : memref<1x128xi32, #tpu.memory_space<vmem>> -> memref<128xi32, #tpu.memory_space<vmem>>
          %dma_start3A_46 = arith.constant 0 : i32
          %dma_start3A_47 = arith.constant 0 : i32
          %dma_start3A_48 = tpu.memref_slice %arg12[%dma_start3A_46, %dma_start3A_47] : memref<10240x128xf32, #tpu.memory_space<vmem_shared>> -> memref<10240x128xf32, #tpu.memory_space<vmem_shared>>
          tpu.enqueue_indirect_dma source(%arg11 : memref<128x128xf32, #tpu.memory_space<vmem>>) target(%dma_start3A_48 : memref<10240x128xf32, #tpu.memory_space<vmem_shared>>) offsets(%dma_start3A_45 : memref<128xi32, #tpu.memory_space<vmem>>) semaphore(%run_scoped3A : memref<!tpu.dma_semaphore, #tpu.memory_space<semaphore_mem>>) {add = true}
          %dma_wait3A_49 = arith.constant 0 : i32
          %dma_wait3A_50 = tpu.memref_slice %arg9[%scan3A_32, %dma_wait3A_49] : memref<8x128xi32, #tpu.memory_space<vmem>> -> memref<1x128xi32, #tpu.memory_space<vmem>>
          %dma_wait3A_51 = tpu.memref_squeeze %dma_wait3A_50 : memref<1x128xi32, #tpu.memory_space<vmem>> -> memref<128xi32, #tpu.memory_space<vmem>>
          %dma_wait3A_52 = arith.constant 0 : i32
          %dma_wait3A_53 = arith.constant 0 : i32
          %dma_wait3A_54 = tpu.memref_slice %arg12[%dma_wait3A_52, %dma_wait3A_53] : memref<10240x128xf32, #tpu.memory_space<vmem_shared>> -> memref<10240x128xf32, #tpu.memory_space<vmem_shared>>
          tpu.wait_indirect_dma semaphore(%run_scoped3A : memref<!tpu.dma_semaphore, #tpu.memory_space<semaphore_mem>>) src(%arg11 : memref<128x128xf32, #tpu.memory_space<vmem>>) dst(%dma_wait3A_54 : memref<10240x128xf32, #tpu.memory_space<vmem_shared>>)
          tpu.yield
        }) : () -> ()
      }
      %scan3A_31 = arith.constant 8 : i32
    }
    %scan3A_13 = arith.constant 10 : i32
    %barrier3A_14 = arith.constant 0 : index
    tpu.barrier barrier_id(%barrier3A_14)
    %scan3A_15 = arith.constant 0 : i32
    %scan3A_16 = arith.constant 0 : i32
    %scan3A_17 = arith.constant 5 : i32
    %scan3A_18 = arith.addi %scan3A_16, %scan3A_17 : i32
    %scan3A_19 = arith.constant 1 : i32
    scf.for %scan3A_21 = %scan3A_16 to %scan3A_18 step %scan3A_19  : i32 {
      %mul3A_22 = arith.constant 128 : i32
      %mul3A_23 = arith.muli %scan3A_21, %mul3A_22 : i32
      %add3A_24 = arith.addi %mul3A_2, %mul3A_23 : i32
      %dma_start3A = arith.constant 0 : i32
      %dma_start3A_25 = tpu.memref_slice %arg10[%scan3A_21, %dma_start3A] : memref<5x128xi32, #tpu.memory_space<vmem>> -> memref<1x128xi32, #tpu.memory_space<vmem>>
      %dma_start3A_26 = tpu.memref_squeeze %dma_start3A_25 : memref<1x128xi32, #tpu.memory_space<vmem>> -> memref<128xi32, #tpu.memory_space<vmem>>
      %dma_start3A_27 = arith.constant 0 : i32
      %dma_start3A_28 = arith.constant 0 : i32
      %dma_start3A_29 = tpu.memref_slice %arg12[%dma_start3A_27, %dma_start3A_28] : memref<10240x128xf32, #tpu.memory_space<vmem_shared>> -> memref<10240x128xf32, #tpu.memory_space<vmem_shared>>
      tpu.enqueue_indirect_dma source(%dma_start3A_29 : memref<10240x128xf32, #tpu.memory_space<vmem_shared>>) target(%arg11 : memref<128x128xf32, #tpu.memory_space<vmem>>) offsets(%dma_start3A_26 : memref<128xi32, #tpu.memory_space<vmem>>) semaphore(%arg13 : memref<!tpu.dma_semaphore, #tpu.memory_space<semaphore_mem>>)
      %dma_wait3A = arith.constant 0 : i32
      %dma_wait3A_30 = tpu.memref_slice %arg10[%scan3A_21, %dma_wait3A] : memref<5x128xi32, #tpu.memory_space<vmem>> -> memref<1x128xi32, #tpu.memory_space<vmem>>
      %dma_wait3A_31 = tpu.memref_squeeze %dma_wait3A_30 : memref<1x128xi32, #tpu.memory_space<vmem>> -> memref<128xi32, #tpu.memory_space<vmem>>
      %dma_wait3A_32 = arith.constant 0 : i32
      %dma_wait3A_33 = arith.constant 0 : i32
      %dma_wait3A_34 = tpu.memref_slice %arg12[%dma_wait3A_32, %dma_wait3A_33] : memref<10240x128xf32, #tpu.memory_space<vmem_shared>> -> memref<10240x128xf32, #tpu.memory_space<vmem_shared>>
      tpu.wait_indirect_dma semaphore(%arg13 : memref<!tpu.dma_semaphore, #tpu.memory_space<semaphore_mem>>) src(%dma_wait3A_34 : memref<10240x128xf32, #tpu.memory_space<vmem_shared>>) dst(%arg11 : memref<128x128xf32, #tpu.memory_space<vmem>>)
      "tpu.region"() ({
        %run_scoped3A = tpu.sem_alloc : memref<!tpu.dma_semaphore, #tpu.memory_space<semaphore_mem>>
        %dma_start3A_35 = arith.constant 0 : i32
        %dma_start3A_36 = tpu.memref_slice %arg7[%arg0, %add3A_24, %dma_start3A_35] : memref<2x10240x128xf32, #tpu.memory_space<hbm>> -> memref<1x128x128xf32, #tpu.memory_space<hbm>>
        %dma_start3A_37 = tpu.memref_squeeze %dma_start3A_36 : memref<1x128x128xf32, #tpu.memory_space<hbm>> -> memref<128x128xf32, #tpu.memory_space<hbm>>
        %dma_start3A_38 = arith.constant 0 : i32
        %dma_start3A_39 = tpu.memref_slice %arg7[%arg0, %add3A_24, %dma_start3A_38] : memref<2x10240x128xf32, #tpu.memory_space<hbm>> -> memref<1x128x128xf32, #tpu.memory_space<hbm>>
        %dma_start3A_40 = tpu.memref_squeeze %dma_start3A_39 : memref<1x128x128xf32, #tpu.memory_space<hbm>> -> memref<128x128xf32, #tpu.memory_space<hbm>>
        tpu.enqueue_dma source(%arg11 : memref<128x128xf32, #tpu.memory_space<vmem>>) target(%dma_start3A_40 : memref<128x128xf32, #tpu.memory_space<hbm>>) target_semaphore(%run_scoped3A : memref<!tpu.dma_semaphore, #tpu.memory_space<semaphore_mem>>)
        %dma_wait3A_41 = arith.constant 0 : i32
        %dma_wait3A_42 = tpu.memref_slice %arg7[%arg0, %add3A_24, %dma_wait3A_41] : memref<2x10240x128xf32, #tpu.memory_space<hbm>> -> memref<1x128x128xf32, #tpu.memory_space<hbm>>
        %dma_wait3A_43 = tpu.memref_squeeze %dma_wait3A_42 : memref<1x128x128xf32, #tpu.memory_space<hbm>> -> memref<128x128xf32, #tpu.memory_space<hbm>>
        %dma_wait3A_44 = arith.constant 0 : i32
        %dma_wait3A_45 = tpu.memref_slice %arg7[%arg0, %add3A_24, %dma_wait3A_44] : memref<2x10240x128xf32, #tpu.memory_space<hbm>> -> memref<1x128x128xf32, #tpu.memory_space<hbm>>
        %dma_wait3A_46 = tpu.memref_squeeze %dma_wait3A_45 : memref<1x128x128xf32, #tpu.memory_space<hbm>> -> memref<128x128xf32, #tpu.memory_space<hbm>>
        tpu.wait_dma2 semaphore(%run_scoped3A : memref<!tpu.dma_semaphore, #tpu.memory_space<semaphore_mem>>) src(%arg11 : memref<128x128xf32, #tpu.memory_space<vmem>>) dst(%dma_wait3A_46 : memref<128x128xf32, #tpu.memory_space<hbm>>)
        tpu.yield
      }) : () -> ()
    }
    %scan3A_20 = arith.constant 5 : i32
    return
  }
}

#map = affine_map<(d0, d1) -> (0, 0)>
#map1 = affine_map<(d0, d1) -> (0, 0, 0)>
module attributes {stable_mosaic.version = 14 : i64} {
  func.func @_body(%arg0: i32, %arg1: i32, %arg2: memref<10240x128xf32, #tpu.memory_space<hbm>>, %arg3: memref<32x80x128xi32, #tpu.memory_space<hbm>>, %arg4: memref<32x80x128xi32, #tpu.memory_space<hbm>>, %arg5: memref<128x128xf32, #tpu.memory_space<hbm>>, %arg6: memref<16x5x128xi32, #tpu.memory_space<hbm>>, %arg7: memref<2x10240x128xf32, #tpu.memory_space<hbm>>, %arg8: memref<8x128xi32, #tpu.memory_space<vmem>>, %arg9: memref<8x128xi32, #tpu.memory_space<vmem>>, %arg10: memref<5x128xi32, #tpu.memory_space<vmem>>, %arg11: memref<128x128xf32, #tpu.memory_space<vmem>>, %arg12: memref<10240x128xf32, #tpu.memory_space<vmem_shared>>, %arg13: memref<!tpu.dma_semaphore, #tpu.memory_space<semaphore_mem>>) attributes {dimension_semantics = [#tpu.dimension_semantics<core_parallel>, #tpu.dimension_semantics<subcore_parallel>], iteration_bounds = array<i64: 2, 16>, scalar_prefetch = 0 : i64, scratch_operands = 6 : i64, tpu.core_type = #tpu.core_type<sc_vector_subcore>, window_params = [{transform_indices = #map}, {transform_indices = #map1}, {transform_indices = #map1}, {transform_indices = #map}, {transform_indices = #map1}, {transform_indices = #map1}]} {
    %mul3A = arith.constant 16 : i32
    %mul3A_0 = arith.muli %arg0, %mul3A : i32
    %add3A = arith.addi %mul3A_0, %arg1 : i32
    %mul3A_1 = arith.constant 640 : i32
    %mul3A_2 = arith.muli %arg1, %mul3A_1 : i32
    "tpu.region"() ({
      %run_scoped3A = tpu.sem_alloc : memref<!tpu.dma_semaphore, #tpu.memory_space<semaphore_mem>>
      tpu.enqueue_dma source(%arg5 : memref<128x128xf32, #tpu.memory_space<hbm>>) target(%arg11 : memref<128x128xf32, #tpu.memory_space<vmem>>) target_semaphore(%run_scoped3A : memref<!tpu.dma_semaphore, #tpu.memory_space<semaphore_mem>>)
      tpu.wait_dma2 semaphore(%run_scoped3A : memref<!tpu.dma_semaphore, #tpu.memory_space<semaphore_mem>>) src(%arg5 : memref<128x128xf32, #tpu.memory_space<hbm>>) dst(%arg11 : memref<128x128xf32, #tpu.memory_space<vmem>>)
      tpu.yield
    }) : () -> ()
    "tpu.region"() ({
      %run_scoped3A = tpu.sem_alloc : memref<!tpu.dma_semaphore, #tpu.memory_space<semaphore_mem>>
      %dma_start3A = arith.constant 0 : i32
      %dma_start3A_21 = arith.constant 0 : i32
      %dma_start3A_22 = tpu.memref_slice %arg6[%arg1, %dma_start3A, %dma_start3A_21] : memref<16x5x128xi32, #tpu.memory_space<hbm>> -> memref<1x5x128xi32, #tpu.memory_space<hbm>>
      %dma_start3A_23 = tpu.memref_squeeze %dma_start3A_22 : memref<1x5x128xi32, #tpu.memory_space<hbm>> -> memref<5x128xi32, #tpu.memory_space<hbm>>
      %dma_start3A_24 = arith.constant 0 : i32
      %dma_start3A_25 = arith.constant 0 : i32
      %dma_start3A_26 = tpu.memref_slice %arg6[%arg1, %dma_start3A_24, %dma_start3A_25] : memref<16x5x128xi32, #tpu.memory_space<hbm>> -> memref<1x5x128xi32, #tpu.memory_space<hbm>>
      %dma_start3A_27 = tpu.memref_squeeze %dma_start3A_26 : memref<1x5x128xi32, #tpu.memory_space<hbm>> -> memref<5x128xi32, #tpu.memory_space<hbm>>
      tpu.enqueue_dma source(%dma_start3A_27 : memref<5x128xi32, #tpu.memory_space<hbm>>) target(%arg10 : memref<5x128xi32, #tpu.memory_space<vmem>>) target_semaphore(%run_scoped3A : memref<!tpu.dma_semaphore, #tpu.memory_space<semaphore_mem>>)
      %dma_wait3A = arith.constant 0 : i32
      %dma_wait3A_28 = arith.constant 0 : i32
      %dma_wait3A_29 = tpu.memref_slice %arg6[%arg1, %dma_wait3A, %dma_wait3A_28] : memref<16x5x128xi32, #tpu.memory_space<hbm>> -> memref<1x5x128xi32, #tpu.memory_space<hbm>>
      %dma_wait3A_30 = tpu.memref_squeeze %dma_wait3A_29 : memref<1x5x128xi32, #tpu.memory_space<hbm>> -> memref<5x128xi32, #tpu.memory_space<hbm>>
      %dma_wait3A_31 = arith.constant 0 : i32
      %dma_wait3A_32 = arith.constant 0 : i32
      %dma_wait3A_33 = tpu.memref_slice %arg6[%arg1, %dma_wait3A_31, %dma_wait3A_32] : memref<16x5x128xi32, #tpu.memory_space<hbm>> -> memref<1x5x128xi32, #tpu.memory_space<hbm>>
      %dma_wait3A_34 = tpu.memref_squeeze %dma_wait3A_33 : memref<1x5x128xi32, #tpu.memory_space<hbm>> -> memref<5x128xi32, #tpu.memory_space<hbm>>
      tpu.wait_dma2 semaphore(%run_scoped3A : memref<!tpu.dma_semaphore, #tpu.memory_space<semaphore_mem>>) src(%dma_wait3A_34 : memref<5x128xi32, #tpu.memory_space<hbm>>) dst(%arg10 : memref<5x128xi32, #tpu.memory_space<vmem>>)
      tpu.yield
    }) : () -> ()
    %scan3A = arith.constant 0 : i32
    %scan3A_3 = arith.constant 0 : i32
    %scan3A_4 = arith.constant 5 : i32
    %scan3A_5 = arith.addi %scan3A_3, %scan3A_4 : i32
    %scan3A_6 = arith.constant 1 : i32
    scf.for %scan3A_21 = %scan3A_3 to %scan3A_5 step %scan3A_6  : i32 {
      "tpu.region"() ({
        %run_scoped3A = tpu.sem_alloc : memref<!tpu.dma_semaphore, #tpu.memory_space<semaphore_mem>>
        %dma_start3A = arith.constant 0 : i32
        %dma_start3A_22 = tpu.memref_slice %arg10[%scan3A_21, %dma_start3A] : memref<5x128xi32, #tpu.memory_space<vmem>> -> memref<1x128xi32, #tpu.memory_space<vmem>>
        %dma_start3A_23 = tpu.memref_squeeze %dma_start3A_22 : memref<1x128xi32, #tpu.memory_space<vmem>> -> memref<128xi32, #tpu.memory_space<vmem>>
        %dma_start3A_24 = arith.constant 0 : i32
        %dma_start3A_25 = arith.constant 0 : i32
        %dma_start3A_26 = tpu.memref_slice %arg12[%dma_start3A_24, %dma_start3A_25] : memref<10240x128xf32, #tpu.memory_space<vmem_shared>> -> memref<10240x128xf32, #tpu.memory_space<vmem_shared>>
        tpu.enqueue_indirect_dma source(%arg11 : memref<128x128xf32, #tpu.memory_space<vmem>>) target(%dma_start3A_26 : memref<10240x128xf32, #tpu.memory_space<vmem_shared>>) offsets(%dma_start3A_23 : memref<128xi32, #tpu.memory_space<vmem>>) semaphore(%run_scoped3A : memref<!tpu.dma_semaphore, #tpu.memory_space<semaphore_mem>>)
        %dma_wait3A = arith.constant 0 : i32
        %dma_wait3A_27 = tpu.memref_slice %arg10[%scan3A_21, %dma_wait3A] : memref<5x128xi32, #tpu.memory_space<vmem>> -> memref<1x128xi32, #tpu.memory_space<vmem>>
        %dma_wait3A_28 = tpu.memref_squeeze %dma_wait3A_27 : memref<1x128xi32, #tpu.memory_space<vmem>> -> memref<128xi32, #tpu.memory_space<vmem>>
        %dma_wait3A_29 = arith.constant 0 : i32
        %dma_wait3A_30 = arith.constant 0 : i32
        %dma_wait3A_31 = tpu.memref_slice %arg12[%dma_wait3A_29, %dma_wait3A_30] : memref<10240x128xf32, #tpu.memory_space<vmem_shared>> -> memref<10240x128xf32, #tpu.memory_space<vmem_shared>>
        tpu.wait_indirect_dma semaphore(%run_scoped3A : memref<!tpu.dma_semaphore, #tpu.memory_space<semaphore_mem>>) src(%arg11 : memref<128x128xf32, #tpu.memory_space<vmem>>) dst(%dma_wait3A_31 : memref<10240x128xf32, #tpu.memory_space<vmem_shared>>)
        tpu.yield
      }) : () -> ()
    }
    %scan3A_7 = arith.constant 5 : i32
    %barrier3A = arith.constant 0 : index
    tpu.barrier barrier_id(%barrier3A)
    %scan3A_8 = arith.constant 0 : i32
    %scan3A_9 = arith.constant 0 : i32
    %scan3A_10 = arith.constant 10 : i32
    %scan3A_11 = arith.addi %scan3A_9, %scan3A_10 : i32
    %scan3A_12 = arith.constant 1 : i32
    scf.for %scan3A_21 = %scan3A_9 to %scan3A_11 step %scan3A_12  : i32 {
      %mul3A_22 = arith.constant 8 : i32
      %mul3A_23 = arith.muli %scan3A_21, %mul3A_22 : i32
      "tpu.region"() ({
        %run_scoped3A = tpu.sem_alloc : memref<!tpu.dma_semaphore, #tpu.memory_space<semaphore_mem>>
        %dma_start3A = arith.constant 0 : i32
        %dma_start3A_32 = tpu.memref_slice %arg3[%add3A, %mul3A_23, %dma_start3A] : memref<32x80x128xi32, #tpu.memory_space<hbm>> -> memref<1x8x128xi32, #tpu.memory_space<hbm>>
        %dma_start3A_33 = tpu.memref_squeeze %dma_start3A_32 : memref<1x8x128xi32, #tpu.memory_space<hbm>> -> memref<8x128xi32, #tpu.memory_space<hbm>>
        %dma_start3A_34 = arith.constant 0 : i32
        %dma_start3A_35 = tpu.memref_slice %arg3[%add3A, %mul3A_23, %dma_start3A_34] : memref<32x80x128xi32, #tpu.memory_space<hbm>> -> memref<1x8x128xi32, #tpu.memory_space<hbm>>
        %dma_start3A_36 = tpu.memref_squeeze %dma_start3A_35 : memref<1x8x128xi32, #tpu.memory_space<hbm>> -> memref<8x128xi32, #tpu.memory_space<hbm>>
        tpu.enqueue_dma source(%dma_start3A_36 : memref<8x128xi32, #tpu.memory_space<hbm>>) target(%arg8 : memref<8x128xi32, #tpu.memory_space<vmem>>) target_semaphore(%run_scoped3A : memref<!tpu.dma_semaphore, #tpu.memory_space<semaphore_mem>>)
        %dma_wait3A = arith.constant 0 : i32
        %dma_wait3A_37 = tpu.memref_slice %arg3[%add3A, %mul3A_23, %dma_wait3A] : memref<32x80x128xi32, #tpu.memory_space<hbm>> -> memref<1x8x128xi32, #tpu.memory_space<hbm>>
        %dma_wait3A_38 = tpu.memref_squeeze %dma_wait3A_37 : memref<1x8x128xi32, #tpu.memory_space<hbm>> -> memref<8x128xi32, #tpu.memory_space<hbm>>
        %dma_wait3A_39 = arith.constant 0 : i32
        %dma_wait3A_40 = tpu.memref_slice %arg3[%add3A, %mul3A_23, %dma_wait3A_39] : memref<32x80x128xi32, #tpu.memory_space<hbm>> -> memref<1x8x128xi32, #tpu.memory_space<hbm>>
        %dma_wait3A_41 = tpu.memref_squeeze %dma_wait3A_40 : memref<1x8x128xi32, #tpu.memory_space<hbm>> -> memref<8x128xi32, #tpu.memory_space<hbm>>
        tpu.wait_dma2 semaphore(%run_scoped3A : memref<!tpu.dma_semaphore, #tpu.memory_space<semaphore_mem>>) src(%dma_wait3A_41 : memref<8x128xi32, #tpu.memory_space<hbm>>) dst(%arg8 : memref<8x128xi32, #tpu.memory_space<vmem>>)
        tpu.yield
      }) : () -> ()
      %mul3A_24 = arith.constant 8 : i32
      %mul3A_25 = arith.muli %scan3A_21, %mul3A_24 : i32
      "tpu.region"() ({
        %run_scoped3A = tpu.sem_alloc : memref<!tpu.dma_semaphore, #tpu.memory_space<semaphore_mem>>
        %dma_start3A = arith.constant 0 : i32
        %dma_start3A_32 = tpu.memref_slice %arg4[%add3A, %mul3A_25, %dma_start3A] : memref<32x80x128xi32, #tpu.memory_space<hbm>> -> memref<1x8x128xi32, #tpu.memory_space<hbm>>
        %dma_start3A_33 = tpu.memref_squeeze %dma_start3A_32 : memref<1x8x128xi32, #tpu.memory_space<hbm>> -> memref<8x128xi32, #tpu.memory_space<hbm>>
        %dma_start3A_34 = arith.constant 0 : i32
        %dma_start3A_35 = tpu.memref_slice %arg4[%add3A, %mul3A_25, %dma_start3A_34] : memref<32x80x128xi32, #tpu.memory_space<hbm>> -> memref<1x8x128xi32, #tpu.memory_space<hbm>>
        %dma_start3A_36 = tpu.memref_squeeze %dma_start3A_35 : memref<1x8x128xi32, #tpu.memory_space<hbm>> -> memref<8x128xi32, #tpu.memory_space<hbm>>
        tpu.enqueue_dma source(%dma_start3A_36 : memref<8x128xi32, #tpu.memory_space<hbm>>) target(%arg9 : memref<8x128xi32, #tpu.memory_space<vmem>>) target_semaphore(%run_scoped3A : memref<!tpu.dma_semaphore, #tpu.memory_space<semaphore_mem>>)
        %dma_wait3A = arith.constant 0 : i32
        %dma_wait3A_37 = tpu.memref_slice %arg4[%add3A, %mul3A_25, %dma_wait3A] : memref<32x80x128xi32, #tpu.memory_space<hbm>> -> memref<1x8x128xi32, #tpu.memory_space<hbm>>
        %dma_wait3A_38 = tpu.memref_squeeze %dma_wait3A_37 : memref<1x8x128xi32, #tpu.memory_space<hbm>> -> memref<8x128xi32, #tpu.memory_space<hbm>>
        %dma_wait3A_39 = arith.constant 0 : i32
        %dma_wait3A_40 = tpu.memref_slice %arg4[%add3A, %mul3A_25, %dma_wait3A_39] : memref<32x80x128xi32, #tpu.memory_space<hbm>> -> memref<1x8x128xi32, #tpu.memory_space<hbm>>
        %dma_wait3A_41 = tpu.memref_squeeze %dma_wait3A_40 : memref<1x8x128xi32, #tpu.memory_space<hbm>> -> memref<8x128xi32, #tpu.memory_space<hbm>>
        tpu.wait_dma2 semaphore(%run_scoped3A : memref<!tpu.dma_semaphore, #tpu.memory_space<semaphore_mem>>) src(%dma_wait3A_41 : memref<8x128xi32, #tpu.memory_space<hbm>>) dst(%arg9 : memref<8x128xi32, #tpu.memory_space<vmem>>)
        tpu.yield
      }) : () -> ()
      %scan3A_26 = arith.constant 0 : i32
      %scan3A_27 = arith.constant 0 : i32
      %scan3A_28 = arith.constant 8 : i32
      %scan3A_29 = arith.addi %scan3A_27, %scan3A_28 : i32
      %scan3A_30 = arith.constant 1 : i32
      scf.for %scan3A_32 = %scan3A_27 to %scan3A_29 step %scan3A_30  : i32 {
        %dma_start3A = arith.constant 0 : i32
        %dma_start3A_33 = tpu.memref_slice %arg8[%scan3A_32, %dma_start3A] : memref<8x128xi32, #tpu.memory_space<vmem>> -> memref<1x128xi32, #tpu.memory_space<vmem>>
        %dma_start3A_34 = tpu.memref_squeeze %dma_start3A_33 : memref<1x128xi32, #tpu.memory_space<vmem>> -> memref<128xi32, #tpu.memory_space<vmem>>
        %dma_start3A_35 = arith.constant 0 : i32
        %dma_start3A_36 = arith.constant 0 : i32
        %dma_start3A_37 = tpu.memref_slice %arg2[%dma_start3A_35, %dma_start3A_36] : memref<10240x128xf32, #tpu.memory_space<hbm>> -> memref<10240x128xf32, #tpu.memory_space<hbm>>
        tpu.enqueue_indirect_dma source(%dma_start3A_37 : memref<10240x128xf32, #tpu.memory_space<hbm>>) target(%arg11 : memref<128x128xf32, #tpu.memory_space<vmem>>) offsets(%dma_start3A_34 : memref<128xi32, #tpu.memory_space<vmem>>) semaphore(%arg13 : memref<!tpu.dma_semaphore, #tpu.memory_space<semaphore_mem>>)
        %dma_wait3A = arith.constant 0 : i32
        %dma_wait3A_38 = tpu.memref_slice %arg8[%scan3A_32, %dma_wait3A] : memref<8x128xi32, #tpu.memory_space<vmem>> -> memref<1x128xi32, #tpu.memory_space<vmem>>
        %dma_wait3A_39 = tpu.memref_squeeze %dma_wait3A_38 : memref<1x128xi32, #tpu.memory_space<vmem>> -> memref<128xi32, #tpu.memory_space<vmem>>
        %dma_wait3A_40 = arith.constant 0 : i32
        %dma_wait3A_41 = arith.constant 0 : i32
        %dma_wait3A_42 = tpu.memref_slice %arg2[%dma_wait3A_40, %dma_wait3A_41] : memref<10240x128xf32, #tpu.memory_space<hbm>> -> memref<10240x128xf32, #tpu.memory_space<hbm>>
        tpu.wait_indirect_dma semaphore(%arg13 : memref<!tpu.dma_semaphore, #tpu.memory_space<semaphore_mem>>) src(%dma_wait3A_42 : memref<10240x128xf32, #tpu.memory_space<hbm>>) dst(%arg11 : memref<128x128xf32, #tpu.memory_space<vmem>>)
        "tpu.region"() ({
          %run_scoped3A = tpu.sem_alloc : memref<!tpu.dma_semaphore, #tpu.memory_space<semaphore_mem>>
          %dma_start3A_43 = arith.constant 0 : i32
          %dma_start3A_44 = tpu.memref_slice %arg9[%scan3A_32, %dma_start3A_43] : memref<8x128xi32, #tpu.memory_space<vmem>> -> memref<1x128xi32, #tpu.memory_space<vmem>>
          %dma_start3A_45 = tpu.memref_squeeze %dma_start3A_44 : memref<1x128xi32, #tpu.memory_space<vmem>> -> memref<128xi32, #tpu.memory_space<vmem>>
          %dma_start3A_46 = arith.constant 0 : i32
          %dma_start3A_47 = arith.constant 0 : i32
          %dma_start3A_48 = tpu.memref_slice %arg12[%dma_start3A_46, %dma_start3A_47] : memref<10240x128xf32, #tpu.memory_space<vmem_shared>> -> memref<10240x128xf32, #tpu.memory_space<vmem_shared>>
          tpu.enqueue_indirect_dma source(%arg11 : memref<128x128xf32, #tpu.memory_space<vmem>>) target(%dma_start3A_48 : memref<10240x128xf32, #tpu.memory_space<vmem_shared>>) offsets(%dma_start3A_45 : memref<128xi32, #tpu.memory_space<vmem>>) semaphore(%run_scoped3A : memref<!tpu.dma_semaphore, #tpu.memory_space<semaphore_mem>>) {add = true}
          %dma_wait3A_49 = arith.constant 0 : i32
          %dma_wait3A_50 = tpu.memref_slice %arg9[%scan3A_32, %dma_wait3A_49] : memref<8x128xi32, #tpu.memory_space<vmem>> -> memref<1x128xi32, #tpu.memory_space<vmem>>
          %dma_wait3A_51 = tpu.memref_squeeze %dma_wait3A_50 : memref<1x128xi32, #tpu.memory_space<vmem>> -> memref<128xi32, #tpu.memory_space<vmem>>
          %dma_wait3A_52 = arith.constant 0 : i32
          %dma_wait3A_53 = arith.constant 0 : i32
          %dma_wait3A_54 = tpu.memref_slice %arg12[%dma_wait3A_52, %dma_wait3A_53] : memref<10240x128xf32, #tpu.memory_space<vmem_shared>> -> memref<10240x128xf32, #tpu.memory_space<vmem_shared>>
          tpu.wait_indirect_dma semaphore(%run_scoped3A : memref<!tpu.dma_semaphore, #tpu.memory_space<semaphore_mem>>) src(%arg11 : memref<128x128xf32, #tpu.memory_space<vmem>>) dst(%dma_wait3A_54 : memref<10240x128xf32, #tpu.memory_space<vmem_shared>>)
          tpu.yield
        }) : () -> ()
      }
      %scan3A_31 = arith.constant 8 : i32
    }
    %scan3A_13 = arith.constant 10 : i32
    %barrier3A_14 = arith.constant 0 : index
    tpu.barrier barrier_id(%barrier3A_14)
    %scan3A_15 = arith.constant 0 : i32
    %scan3A_16 = arith.constant 0 : i32
    %scan3A_17 = arith.constant 5 : i32
    %scan3A_18 = arith.addi %scan3A_16, %scan3A_17 : i32
    %scan3A_19 = arith.constant 1 : i32
    scf.for %scan3A_21 = %scan3A_16 to %scan3A_18 step %scan3A_19  : i32 {
      %mul3A_22 = arith.constant 128 : i32
      %mul3A_23 = arith.muli %scan3A_21, %mul3A_22 : i32
      %add3A_24 = arith.addi %mul3A_2, %mul3A_23 : i32
      %dma_start3A = arith.constant 0 : i32
      %dma_start3A_25 = tpu.memref_slice %arg10[%scan3A_21, %dma_start3A] : memref<5x128xi32, #tpu.memory_space<vmem>> -> memref<1x128xi32, #tpu.memory_space<vmem>>
      %dma_start3A_26 = tpu.memref_squeeze %dma_start3A_25 : memref<1x128xi32, #tpu.memory_space<vmem>> -> memref<128xi32, #tpu.memory_space<vmem>>
      %dma_start3A_27 = arith.constant 0 : i32
      %dma_start3A_28 = arith.constant 0 : i32
      %dma_start3A_29 = tpu.memref_slice %arg12[%dma_start3A_27, %dma_start3A_28] : memref<10240x128xf32, #tpu.memory_space<vmem_shared>> -> memref<10240x128xf32, #tpu.memory_space<vmem_shared>>
      tpu.enqueue_indirect_dma source(%dma_start3A_29 : memref<10240x128xf32, #tpu.memory_space<vmem_shared>>) target(%arg11 : memref<128x128xf32, #tpu.memory_space<vmem>>) offsets(%dma_start3A_26 : memref<128xi32, #tpu.memory_space<vmem>>) semaphore(%arg13 : memref<!tpu.dma_semaphore, #tpu.memory_space<semaphore_mem>>)
      %dma_wait3A = arith.constant 0 : i32
      %dma_wait3A_30 = tpu.memref_slice %arg10[%scan3A_21, %dma_wait3A] : memref<5x128xi32, #tpu.memory_space<vmem>> -> memref<1x128xi32, #tpu.memory_space<vmem>>
      %dma_wait3A_31 = tpu.memref_squeeze %dma_wait3A_30 : memref<1x128xi32, #tpu.memory_space<vmem>> -> memref<128xi32, #tpu.memory_space<vmem>>
      %dma_wait3A_32 = arith.constant 0 : i32
      %dma_wait3A_33 = arith.constant 0 : i32
      %dma_wait3A_34 = tpu.memref_slice %arg12[%dma_wait3A_32, %dma_wait3A_33] : memref<10240x128xf32, #tpu.memory_space<vmem_shared>> -> memref<10240x128xf32, #tpu.memory_space<vmem_shared>>
      tpu.wait_indirect_dma semaphore(%arg13 : memref<!tpu.dma_semaphore, #tpu.memory_space<semaphore_mem>>) src(%dma_wait3A_34 : memref<10240x128xf32, #tpu.memory_space<vmem_shared>>) dst(%arg11 : memref<128x128xf32, #tpu.memory_space<vmem>>)
      "tpu.region"() ({
        %run_scoped3A = tpu.sem_alloc : memref<!tpu.dma_semaphore, #tpu.memory_space<semaphore_mem>>
        %dma_start3A_35 = arith.constant 0 : i32
        %dma_start3A_36 = tpu.memref_slice %arg7[%arg0, %add3A_24, %dma_start3A_35] : memref<2x10240x128xf32, #tpu.memory_space<hbm>> -> memref<1x128x128xf32, #tpu.memory_space<hbm>>
        %dma_start3A_37 = tpu.memref_squeeze %dma_start3A_36 : memref<1x128x128xf32, #tpu.memory_space<hbm>> -> memref<128x128xf32, #tpu.memory_space<hbm>>
        %dma_start3A_38 = arith.constant 0 : i32
        %dma_start3A_39 = tpu.memref_slice %arg7[%arg0, %add3A_24, %dma_start3A_38] : memref<2x10240x128xf32, #tpu.memory_space<hbm>> -> memref<1x128x128xf32, #tpu.memory_space<hbm>>
        %dma_start3A_40 = tpu.memref_squeeze %dma_start3A_39 : memref<1x128x128xf32, #tpu.memory_space<hbm>> -> memref<128x128xf32, #tpu.memory_space<hbm>>
        tpu.enqueue_dma source(%arg11 : memref<128x128xf32, #tpu.memory_space<vmem>>) target(%dma_start3A_40 : memref<128x128xf32, #tpu.memory_space<hbm>>) target_semaphore(%run_scoped3A : memref<!tpu.dma_semaphore, #tpu.memory_space<semaphore_mem>>)
        %dma_wait3A_41 = arith.constant 0 : i32
        %dma_wait3A_42 = tpu.memref_slice %arg7[%arg0, %add3A_24, %dma_wait3A_41] : memref<2x10240x128xf32, #tpu.memory_space<hbm>> -> memref<1x128x128xf32, #tpu.memory_space<hbm>>
        %dma_wait3A_43 = tpu.memref_squeeze %dma_wait3A_42 : memref<1x128x128xf32, #tpu.memory_space<hbm>> -> memref<128x128xf32, #tpu.memory_space<hbm>>
        %dma_wait3A_44 = arith.constant 0 : i32
        %dma_wait3A_45 = tpu.memref_slice %arg7[%arg0, %add3A_24, %dma_wait3A_44] : memref<2x10240x128xf32, #tpu.memory_space<hbm>> -> memref<1x128x128xf32, #tpu.memory_space<hbm>>
        %dma_wait3A_46 = tpu.memref_squeeze %dma_wait3A_45 : memref<1x128x128xf32, #tpu.memory_space<hbm>> -> memref<128x128xf32, #tpu.memory_space<hbm>>
        tpu.wait_dma2 semaphore(%run_scoped3A : memref<!tpu.dma_semaphore, #tpu.memory_space<semaphore_mem>>) src(%arg11 : memref<128x128xf32, #tpu.memory_space<vmem>>) dst(%dma_wait3A_46 : memref<128x128xf32, #tpu.memory_space<hbm>>)
        tpu.yield
      }) : () -> ()
    }
    %scan3A_20 = arith.constant 5 : i32
    return
  }
}

#map = affine_map<(d0, d1) -> (0, 0)>
#map1 = affine_map<(d0, d1) -> (0, 0, 0)>
module attributes {stable_mosaic.version = 14 : i64} {
  func.func @_body(%arg0: i32, %arg1: i32, %arg2: memref<10240x128xf32, #tpu.memory_space<hbm>>, %arg3: memref<32x80x128xi32, #tpu.memory_space<hbm>>, %arg4: memref<32x80x128xi32, #tpu.memory_space<hbm>>, %arg5: memref<128x128xf32, #tpu.memory_space<hbm>>, %arg6: memref<16x5x128xi32, #tpu.memory_space<hbm>>, %arg7: memref<2x10240x128xf32, #tpu.memory_space<hbm>>, %arg8: memref<8x128xi32, #tpu.memory_space<vmem>>, %arg9: memref<8x128xi32, #tpu.memory_space<vmem>>, %arg10: memref<5x128xi32, #tpu.memory_space<vmem>>, %arg11: memref<128x128xf32, #tpu.memory_space<vmem>>, %arg12: memref<10240x128xf32, #tpu.memory_space<vmem_shared>>, %arg13: memref<!tpu.dma_semaphore, #tpu.memory_space<semaphore_mem>>) attributes {dimension_semantics = [#tpu.dimension_semantics<core_parallel>, #tpu.dimension_semantics<subcore_parallel>], iteration_bounds = array<i64: 2, 16>, scalar_prefetch = 0 : i64, scratch_operands = 6 : i64, tpu.core_type = #tpu.core_type<sc_vector_subcore>, window_params = [{transform_indices = #map}, {transform_indices = #map1}, {transform_indices = #map1}, {transform_indices = #map}, {transform_indices = #map1}, {transform_indices = #map1}]} {
    %mul3A = arith.constant 16 : i32
    %mul3A_0 = arith.muli %arg0, %mul3A : i32
    %add3A = arith.addi %mul3A_0, %arg1 : i32
    %mul3A_1 = arith.constant 640 : i32
    %mul3A_2 = arith.muli %arg1, %mul3A_1 : i32
    "tpu.region"() ({
      %run_scoped3A = tpu.sem_alloc : memref<!tpu.dma_semaphore, #tpu.memory_space<semaphore_mem>>
      tpu.enqueue_dma source(%arg5 : memref<128x128xf32, #tpu.memory_space<hbm>>) target(%arg11 : memref<128x128xf32, #tpu.memory_space<vmem>>) target_semaphore(%run_scoped3A : memref<!tpu.dma_semaphore, #tpu.memory_space<semaphore_mem>>)
      tpu.wait_dma2 semaphore(%run_scoped3A : memref<!tpu.dma_semaphore, #tpu.memory_space<semaphore_mem>>) src(%arg5 : memref<128x128xf32, #tpu.memory_space<hbm>>) dst(%arg11 : memref<128x128xf32, #tpu.memory_space<vmem>>)
      tpu.yield
    }) : () -> ()
    "tpu.region"() ({
      %run_scoped3A = tpu.sem_alloc : memref<!tpu.dma_semaphore, #tpu.memory_space<semaphore_mem>>
      %dma_start3A = arith.constant 0 : i32
      %dma_start3A_21 = arith.constant 0 : i32
      %dma_start3A_22 = tpu.memref_slice %arg6[%arg1, %dma_start3A, %dma_start3A_21] : memref<16x5x128xi32, #tpu.memory_space<hbm>> -> memref<1x5x128xi32, #tpu.memory_space<hbm>>
      %dma_start3A_23 = tpu.memref_squeeze %dma_start3A_22 : memref<1x5x128xi32, #tpu.memory_space<hbm>> -> memref<5x128xi32, #tpu.memory_space<hbm>>
      %dma_start3A_24 = arith.constant 0 : i32
      %dma_start3A_25 = arith.constant 0 : i32
      %dma_start3A_26 = tpu.memref_slice %arg6[%arg1, %dma_start3A_24, %dma_start3A_25] : memref<16x5x128xi32, #tpu.memory_space<hbm>> -> memref<1x5x128xi32, #tpu.memory_space<hbm>>
      %dma_start3A_27 = tpu.memref_squeeze %dma_start3A_26 : memref<1x5x128xi32, #tpu.memory_space<hbm>> -> memref<5x128xi32, #tpu.memory_space<hbm>>
      tpu.enqueue_dma source(%dma_start3A_27 : memref<5x128xi32, #tpu.memory_space<hbm>>) target(%arg10 : memref<5x128xi32, #tpu.memory_space<vmem>>) target_semaphore(%run_scoped3A : memref<!tpu.dma_semaphore, #tpu.memory_space<semaphore_mem>>)
      %dma_wait3A = arith.constant 0 : i32
      %dma_wait3A_28 = arith.constant 0 : i32
      %dma_wait3A_29 = tpu.memref_slice %arg6[%arg1, %dma_wait3A, %dma_wait3A_28] : memref<16x5x128xi32, #tpu.memory_space<hbm>> -> memref<1x5x128xi32, #tpu.memory_space<hbm>>
      %dma_wait3A_30 = tpu.memref_squeeze %dma_wait3A_29 : memref<1x5x128xi32, #tpu.memory_space<hbm>> -> memref<5x128xi32, #tpu.memory_space<hbm>>
      %dma_wait3A_31 = arith.constant 0 : i32
      %dma_wait3A_32 = arith.constant 0 : i32
      %dma_wait3A_33 = tpu.memref_slice %arg6[%arg1, %dma_wait3A_31, %dma_wait3A_32] : memref<16x5x128xi32, #tpu.memory_space<hbm>> -> memref<1x5x128xi32, #tpu.memory_space<hbm>>
      %dma_wait3A_34 = tpu.memref_squeeze %dma_wait3A_33 : memref<1x5x128xi32, #tpu.memory_space<hbm>> -> memref<5x128xi32, #tpu.memory_space<hbm>>
      tpu.wait_dma2 semaphore(%run_scoped3A : memref<!tpu.dma_semaphore, #tpu.memory_space<semaphore_mem>>) src(%dma_wait3A_34 : memref<5x128xi32, #tpu.memory_space<hbm>>) dst(%arg10 : memref<5x128xi32, #tpu.memory_space<vmem>>)
      tpu.yield
    }) : () -> ()
    %scan3A = arith.constant 0 : i32
    %scan3A_3 = arith.constant 0 : i32
    %scan3A_4 = arith.constant 5 : i32
    %scan3A_5 = arith.addi %scan3A_3, %scan3A_4 : i32
    %scan3A_6 = arith.constant 1 : i32
    scf.for %scan3A_21 = %scan3A_3 to %scan3A_5 step %scan3A_6  : i32 {
      "tpu.region"() ({
        %run_scoped3A = tpu.sem_alloc : memref<!tpu.dma_semaphore, #tpu.memory_space<semaphore_mem>>
        %dma_start3A = arith.constant 0 : i32
        %dma_start3A_22 = tpu.memref_slice %arg10[%scan3A_21, %dma_start3A] : memref<5x128xi32, #tpu.memory_space<vmem>> -> memref<1x128xi32, #tpu.memory_space<vmem>>
        %dma_start3A_23 = tpu.memref_squeeze %dma_start3A_22 : memref<1x128xi32, #tpu.memory_space<vmem>> -> memref<128xi32, #tpu.memory_space<vmem>>
        %dma_start3A_24 = arith.constant 0 : i32
        %dma_start3A_25 = arith.constant 0 : i32
        %dma_start3A_26 = tpu.memref_slice %arg12[%dma_start3A_24, %dma_start3A_25] : memref<10240x128xf32, #tpu.memory_space<vmem_shared>> -> memref<10240x128xf32, #tpu.memory_space<vmem_shared>>
        tpu.enqueue_indirect_dma source(%arg11 : memref<128x128xf32, #tpu.memory_space<vmem>>) target(%dma_start3A_26 : memref<10240x128xf32, #tpu.memory_space<vmem_shared>>) offsets(%dma_start3A_23 : memref<128xi32, #tpu.memory_space<vmem>>) semaphore(%run_scoped3A : memref<!tpu.dma_semaphore, #tpu.memory_space<semaphore_mem>>)
        %dma_wait3A = arith.constant 0 : i32
        %dma_wait3A_27 = tpu.memref_slice %arg10[%scan3A_21, %dma_wait3A] : memref<5x128xi32, #tpu.memory_space<vmem>> -> memref<1x128xi32, #tpu.memory_space<vmem>>
        %dma_wait3A_28 = tpu.memref_squeeze %dma_wait3A_27 : memref<1x128xi32, #tpu.memory_space<vmem>> -> memref<128xi32, #tpu.memory_space<vmem>>
        %dma_wait3A_29 = arith.constant 0 : i32
        %dma_wait3A_30 = arith.constant 0 : i32
        %dma_wait3A_31 = tpu.memref_slice %arg12[%dma_wait3A_29, %dma_wait3A_30] : memref<10240x128xf32, #tpu.memory_space<vmem_shared>> -> memref<10240x128xf32, #tpu.memory_space<vmem_shared>>
        tpu.wait_indirect_dma semaphore(%run_scoped3A : memref<!tpu.dma_semaphore, #tpu.memory_space<semaphore_mem>>) src(%arg11 : memref<128x128xf32, #tpu.memory_space<vmem>>) dst(%dma_wait3A_31 : memref<10240x128xf32, #tpu.memory_space<vmem_shared>>)
        tpu.yield
      }) : () -> ()
    }
    %scan3A_7 = arith.constant 5 : i32
    %barrier3A = arith.constant 0 : index
    tpu.barrier barrier_id(%barrier3A)
    %scan3A_8 = arith.constant 0 : i32
    %scan3A_9 = arith.constant 0 : i32
    %scan3A_10 = arith.constant 10 : i32
    %scan3A_11 = arith.addi %scan3A_9, %scan3A_10 : i32
    %scan3A_12 = arith.constant 1 : i32
    scf.for %scan3A_21 = %scan3A_9 to %scan3A_11 step %scan3A_12  : i32 {
      %mul3A_22 = arith.constant 8 : i32
      %mul3A_23 = arith.muli %scan3A_21, %mul3A_22 : i32
      "tpu.region"() ({
        %run_scoped3A = tpu.sem_alloc : memref<!tpu.dma_semaphore, #tpu.memory_space<semaphore_mem>>
        %dma_start3A = arith.constant 0 : i32
        %dma_start3A_32 = tpu.memref_slice %arg3[%add3A, %mul3A_23, %dma_start3A] : memref<32x80x128xi32, #tpu.memory_space<hbm>> -> memref<1x8x128xi32, #tpu.memory_space<hbm>>
        %dma_start3A_33 = tpu.memref_squeeze %dma_start3A_32 : memref<1x8x128xi32, #tpu.memory_space<hbm>> -> memref<8x128xi32, #tpu.memory_space<hbm>>
        %dma_start3A_34 = arith.constant 0 : i32
        %dma_start3A_35 = tpu.memref_slice %arg3[%add3A, %mul3A_23, %dma_start3A_34] : memref<32x80x128xi32, #tpu.memory_space<hbm>> -> memref<1x8x128xi32, #tpu.memory_space<hbm>>
        %dma_start3A_36 = tpu.memref_squeeze %dma_start3A_35 : memref<1x8x128xi32, #tpu.memory_space<hbm>> -> memref<8x128xi32, #tpu.memory_space<hbm>>
        tpu.enqueue_dma source(%dma_start3A_36 : memref<8x128xi32, #tpu.memory_space<hbm>>) target(%arg8 : memref<8x128xi32, #tpu.memory_space<vmem>>) target_semaphore(%run_scoped3A : memref<!tpu.dma_semaphore, #tpu.memory_space<semaphore_mem>>)
        %dma_wait3A = arith.constant 0 : i32
        %dma_wait3A_37 = tpu.memref_slice %arg3[%add3A, %mul3A_23, %dma_wait3A] : memref<32x80x128xi32, #tpu.memory_space<hbm>> -> memref<1x8x128xi32, #tpu.memory_space<hbm>>
        %dma_wait3A_38 = tpu.memref_squeeze %dma_wait3A_37 : memref<1x8x128xi32, #tpu.memory_space<hbm>> -> memref<8x128xi32, #tpu.memory_space<hbm>>
        %dma_wait3A_39 = arith.constant 0 : i32
        %dma_wait3A_40 = tpu.memref_slice %arg3[%add3A, %mul3A_23, %dma_wait3A_39] : memref<32x80x128xi32, #tpu.memory_space<hbm>> -> memref<1x8x128xi32, #tpu.memory_space<hbm>>
        %dma_wait3A_41 = tpu.memref_squeeze %dma_wait3A_40 : memref<1x8x128xi32, #tpu.memory_space<hbm>> -> memref<8x128xi32, #tpu.memory_space<hbm>>
        tpu.wait_dma2 semaphore(%run_scoped3A : memref<!tpu.dma_semaphore, #tpu.memory_space<semaphore_mem>>) src(%dma_wait3A_41 : memref<8x128xi32, #tpu.memory_space<hbm>>) dst(%arg8 : memref<8x128xi32, #tpu.memory_space<vmem>>)
        tpu.yield
      }) : () -> ()
      %mul3A_24 = arith.constant 8 : i32
      %mul3A_25 = arith.muli %scan3A_21, %mul3A_24 : i32
      "tpu.region"() ({
        %run_scoped3A = tpu.sem_alloc : memref<!tpu.dma_semaphore, #tpu.memory_space<semaphore_mem>>
        %dma_start3A = arith.constant 0 : i32
        %dma_start3A_32 = tpu.memref_slice %arg4[%add3A, %mul3A_25, %dma_start3A] : memref<32x80x128xi32, #tpu.memory_space<hbm>> -> memref<1x8x128xi32, #tpu.memory_space<hbm>>
        %dma_start3A_33 = tpu.memref_squeeze %dma_start3A_32 : memref<1x8x128xi32, #tpu.memory_space<hbm>> -> memref<8x128xi32, #tpu.memory_space<hbm>>
        %dma_start3A_34 = arith.constant 0 : i32
        %dma_start3A_35 = tpu.memref_slice %arg4[%add3A, %mul3A_25, %dma_start3A_34] : memref<32x80x128xi32, #tpu.memory_space<hbm>> -> memref<1x8x128xi32, #tpu.memory_space<hbm>>
        %dma_start3A_36 = tpu.memref_squeeze %dma_start3A_35 : memref<1x8x128xi32, #tpu.memory_space<hbm>> -> memref<8x128xi32, #tpu.memory_space<hbm>>
        tpu.enqueue_dma source(%dma_start3A_36 : memref<8x128xi32, #tpu.memory_space<hbm>>) target(%arg9 : memref<8x128xi32, #tpu.memory_space<vmem>>) target_semaphore(%run_scoped3A : memref<!tpu.dma_semaphore, #tpu.memory_space<semaphore_mem>>)
        %dma_wait3A = arith.constant 0 : i32
        %dma_wait3A_37 = tpu.memref_slice %arg4[%add3A, %mul3A_25, %dma_wait3A] : memref<32x80x128xi32, #tpu.memory_space<hbm>> -> memref<1x8x128xi32, #tpu.memory_space<hbm>>
        %dma_wait3A_38 = tpu.memref_squeeze %dma_wait3A_37 : memref<1x8x128xi32, #tpu.memory_space<hbm>> -> memref<8x128xi32, #tpu.memory_space<hbm>>
        %dma_wait3A_39 = arith.constant 0 : i32
        %dma_wait3A_40 = tpu.memref_slice %arg4[%add3A, %mul3A_25, %dma_wait3A_39] : memref<32x80x128xi32, #tpu.memory_space<hbm>> -> memref<1x8x128xi32, #tpu.memory_space<hbm>>
        %dma_wait3A_41 = tpu.memref_squeeze %dma_wait3A_40 : memref<1x8x128xi32, #tpu.memory_space<hbm>> -> memref<8x128xi32, #tpu.memory_space<hbm>>
        tpu.wait_dma2 semaphore(%run_scoped3A : memref<!tpu.dma_semaphore, #tpu.memory_space<semaphore_mem>>) src(%dma_wait3A_41 : memref<8x128xi32, #tpu.memory_space<hbm>>) dst(%arg9 : memref<8x128xi32, #tpu.memory_space<vmem>>)
        tpu.yield
      }) : () -> ()
      %scan3A_26 = arith.constant 0 : i32
      %scan3A_27 = arith.constant 0 : i32
      %scan3A_28 = arith.constant 8 : i32
      %scan3A_29 = arith.addi %scan3A_27, %scan3A_28 : i32
      %scan3A_30 = arith.constant 1 : i32
      scf.for %scan3A_32 = %scan3A_27 to %scan3A_29 step %scan3A_30  : i32 {
        %dma_start3A = arith.constant 0 : i32
        %dma_start3A_33 = tpu.memref_slice %arg8[%scan3A_32, %dma_start3A] : memref<8x128xi32, #tpu.memory_space<vmem>> -> memref<1x128xi32, #tpu.memory_space<vmem>>
        %dma_start3A_34 = tpu.memref_squeeze %dma_start3A_33 : memref<1x128xi32, #tpu.memory_space<vmem>> -> memref<128xi32, #tpu.memory_space<vmem>>
        %dma_start3A_35 = arith.constant 0 : i32
        %dma_start3A_36 = arith.constant 0 : i32
        %dma_start3A_37 = tpu.memref_slice %arg2[%dma_start3A_35, %dma_start3A_36] : memref<10240x128xf32, #tpu.memory_space<hbm>> -> memref<10240x128xf32, #tpu.memory_space<hbm>>
        tpu.enqueue_indirect_dma source(%dma_start3A_37 : memref<10240x128xf32, #tpu.memory_space<hbm>>) target(%arg11 : memref<128x128xf32, #tpu.memory_space<vmem>>) offsets(%dma_start3A_34 : memref<128xi32, #tpu.memory_space<vmem>>) semaphore(%arg13 : memref<!tpu.dma_semaphore, #tpu.memory_space<semaphore_mem>>)
        %dma_wait3A = arith.constant 0 : i32
        %dma_wait3A_38 = tpu.memref_slice %arg8[%scan3A_32, %dma_wait3A] : memref<8x128xi32, #tpu.memory_space<vmem>> -> memref<1x128xi32, #tpu.memory_space<vmem>>
        %dma_wait3A_39 = tpu.memref_squeeze %dma_wait3A_38 : memref<1x128xi32, #tpu.memory_space<vmem>> -> memref<128xi32, #tpu.memory_space<vmem>>
        %dma_wait3A_40 = arith.constant 0 : i32
        %dma_wait3A_41 = arith.constant 0 : i32
        %dma_wait3A_42 = tpu.memref_slice %arg2[%dma_wait3A_40, %dma_wait3A_41] : memref<10240x128xf32, #tpu.memory_space<hbm>> -> memref<10240x128xf32, #tpu.memory_space<hbm>>
        tpu.wait_indirect_dma semaphore(%arg13 : memref<!tpu.dma_semaphore, #tpu.memory_space<semaphore_mem>>) src(%dma_wait3A_42 : memref<10240x128xf32, #tpu.memory_space<hbm>>) dst(%arg11 : memref<128x128xf32, #tpu.memory_space<vmem>>)
        "tpu.region"() ({
          %run_scoped3A = tpu.sem_alloc : memref<!tpu.dma_semaphore, #tpu.memory_space<semaphore_mem>>
          %dma_start3A_43 = arith.constant 0 : i32
          %dma_start3A_44 = tpu.memref_slice %arg9[%scan3A_32, %dma_start3A_43] : memref<8x128xi32, #tpu.memory_space<vmem>> -> memref<1x128xi32, #tpu.memory_space<vmem>>
          %dma_start3A_45 = tpu.memref_squeeze %dma_start3A_44 : memref<1x128xi32, #tpu.memory_space<vmem>> -> memref<128xi32, #tpu.memory_space<vmem>>
          %dma_start3A_46 = arith.constant 0 : i32
          %dma_start3A_47 = arith.constant 0 : i32
          %dma_start3A_48 = tpu.memref_slice %arg12[%dma_start3A_46, %dma_start3A_47] : memref<10240x128xf32, #tpu.memory_space<vmem_shared>> -> memref<10240x128xf32, #tpu.memory_space<vmem_shared>>
          tpu.enqueue_indirect_dma source(%arg11 : memref<128x128xf32, #tpu.memory_space<vmem>>) target(%dma_start3A_48 : memref<10240x128xf32, #tpu.memory_space<vmem_shared>>) offsets(%dma_start3A_45 : memref<128xi32, #tpu.memory_space<vmem>>) semaphore(%run_scoped3A : memref<!tpu.dma_semaphore, #tpu.memory_space<semaphore_mem>>) {add = true}
          %dma_wait3A_49 = arith.constant 0 : i32
          %dma_wait3A_50 = tpu.memref_slice %arg9[%scan3A_32, %dma_wait3A_49] : memref<8x128xi32, #tpu.memory_space<vmem>> -> memref<1x128xi32, #tpu.memory_space<vmem>>
          %dma_wait3A_51 = tpu.memref_squeeze %dma_wait3A_50 : memref<1x128xi32, #tpu.memory_space<vmem>> -> memref<128xi32, #tpu.memory_space<vmem>>
          %dma_wait3A_52 = arith.constant 0 : i32
          %dma_wait3A_53 = arith.constant 0 : i32
          %dma_wait3A_54 = tpu.memref_slice %arg12[%dma_wait3A_52, %dma_wait3A_53] : memref<10240x128xf32, #tpu.memory_space<vmem_shared>> -> memref<10240x128xf32, #tpu.memory_space<vmem_shared>>
          tpu.wait_indirect_dma semaphore(%run_scoped3A : memref<!tpu.dma_semaphore, #tpu.memory_space<semaphore_mem>>) src(%arg11 : memref<128x128xf32, #tpu.memory_space<vmem>>) dst(%dma_wait3A_54 : memref<10240x128xf32, #tpu.memory_space<vmem_shared>>)
          tpu.yield
        }) : () -> ()
      }
      %scan3A_31 = arith.constant 8 : i32
    }
    %scan3A_13 = arith.constant 10 : i32
    %barrier3A_14 = arith.constant 0 : index
    tpu.barrier barrier_id(%barrier3A_14)
    %scan3A_15 = arith.constant 0 : i32
    %scan3A_16 = arith.constant 0 : i32
    %scan3A_17 = arith.constant 5 : i32
    %scan3A_18 = arith.addi %scan3A_16, %scan3A_17 : i32
    %scan3A_19 = arith.constant 1 : i32
    scf.for %scan3A_21 = %scan3A_16 to %scan3A_18 step %scan3A_19  : i32 {
      %mul3A_22 = arith.constant 128 : i32
      %mul3A_23 = arith.muli %scan3A_21, %mul3A_22 : i32
      %add3A_24 = arith.addi %mul3A_2, %mul3A_23 : i32
      %dma_start3A = arith.constant 0 : i32
      %dma_start3A_25 = tpu.memref_slice %arg10[%scan3A_21, %dma_start3A] : memref<5x128xi32, #tpu.memory_space<vmem>> -> memref<1x128xi32, #tpu.memory_space<vmem>>
      %dma_start3A_26 = tpu.memref_squeeze %dma_start3A_25 : memref<1x128xi32, #tpu.memory_space<vmem>> -> memref<128xi32, #tpu.memory_space<vmem>>
      %dma_start3A_27 = arith.constant 0 : i32
      %dma_start3A_28 = arith.constant 0 : i32
      %dma_start3A_29 = tpu.memref_slice %arg12[%dma_start3A_27, %dma_start3A_28] : memref<10240x128xf32, #tpu.memory_space<vmem_shared>> -> memref<10240x128xf32, #tpu.memory_space<vmem_shared>>
      tpu.enqueue_indirect_dma source(%dma_start3A_29 : memref<10240x128xf32, #tpu.memory_space<vmem_shared>>) target(%arg11 : memref<128x128xf32, #tpu.memory_space<vmem>>) offsets(%dma_start3A_26 : memref<128xi32, #tpu.memory_space<vmem>>) semaphore(%arg13 : memref<!tpu.dma_semaphore, #tpu.memory_space<semaphore_mem>>)
      %dma_wait3A = arith.constant 0 : i32
      %dma_wait3A_30 = tpu.memref_slice %arg10[%scan3A_21, %dma_wait3A] : memref<5x128xi32, #tpu.memory_space<vmem>> -> memref<1x128xi32, #tpu.memory_space<vmem>>
      %dma_wait3A_31 = tpu.memref_squeeze %dma_wait3A_30 : memref<1x128xi32, #tpu.memory_space<vmem>> -> memref<128xi32, #tpu.memory_space<vmem>>
      %dma_wait3A_32 = arith.constant 0 : i32
      %dma_wait3A_33 = arith.constant 0 : i32
      %dma_wait3A_34 = tpu.memref_slice %arg12[%dma_wait3A_32, %dma_wait3A_33] : memref<10240x128xf32, #tpu.memory_space<vmem_shared>> -> memref<10240x128xf32, #tpu.memory_space<vmem_shared>>
      tpu.wait_indirect_dma semaphore(%arg13 : memref<!tpu.dma_semaphore, #tpu.memory_space<semaphore_mem>>) src(%dma_wait3A_34 : memref<10240x128xf32, #tpu.memory_space<vmem_shared>>) dst(%arg11 : memref<128x128xf32, #tpu.memory_space<vmem>>)
      "tpu.region"() ({
        %run_scoped3A = tpu.sem_alloc : memref<!tpu.dma_semaphore, #tpu.memory_space<semaphore_mem>>
        %dma_start3A_35 = arith.constant 0 : i32
        %dma_start3A_36 = tpu.memref_slice %arg7[%arg0, %add3A_24, %dma_start3A_35] : memref<2x10240x128xf32, #tpu.memory_space<hbm>> -> memref<1x128x128xf32, #tpu.memory_space<hbm>>
        %dma_start3A_37 = tpu.memref_squeeze %dma_start3A_36 : memref<1x128x128xf32, #tpu.memory_space<hbm>> -> memref<128x128xf32, #tpu.memory_space<hbm>>
        %dma_start3A_38 = arith.constant 0 : i32
        %dma_start3A_39 = tpu.memref_slice %arg7[%arg0, %add3A_24, %dma_start3A_38] : memref<2x10240x128xf32, #tpu.memory_space<hbm>> -> memref<1x128x128xf32, #tpu.memory_space<hbm>>
        %dma_start3A_40 = tpu.memref_squeeze %dma_start3A_39 : memref<1x128x128xf32, #tpu.memory_space<hbm>> -> memref<128x128xf32, #tpu.memory_space<hbm>>
        tpu.enqueue_dma source(%arg11 : memref<128x128xf32, #tpu.memory_space<vmem>>) target(%dma_start3A_40 : memref<128x128xf32, #tpu.memory_space<hbm>>) target_semaphore(%run_scoped3A : memref<!tpu.dma_semaphore, #tpu.memory_space<semaphore_mem>>)
        %dma_wait3A_41 = arith.constant 0 : i32
        %dma_wait3A_42 = tpu.memref_slice %arg7[%arg0, %add3A_24, %dma_wait3A_41] : memref<2x10240x128xf32, #tpu.memory_space<hbm>> -> memref<1x128x128xf32, #tpu.memory_space<hbm>>
        %dma_wait3A_43 = tpu.memref_squeeze %dma_wait3A_42 : memref<1x128x128xf32, #tpu.memory_space<hbm>> -> memref<128x128xf32, #tpu.memory_space<hbm>>
        %dma_wait3A_44 = arith.constant 0 : i32
        %dma_wait3A_45 = tpu.memref_slice %arg7[%arg0, %add3A_24, %dma_wait3A_44] : memref<2x10240x128xf32, #tpu.memory_space<hbm>> -> memref<1x128x128xf32, #tpu.memory_space<hbm>>
        %dma_wait3A_46 = tpu.memref_squeeze %dma_wait3A_45 : memref<1x128x128xf32, #tpu.memory_space<hbm>> -> memref<128x128xf32, #tpu.memory_space<hbm>>
        tpu.wait_dma2 semaphore(%run_scoped3A : memref<!tpu.dma_semaphore, #tpu.memory_space<semaphore_mem>>) src(%arg11 : memref<128x128xf32, #tpu.memory_space<vmem>>) dst(%dma_wait3A_46 : memref<128x128xf32, #tpu.memory_space<hbm>>)
        tpu.yield
      }) : () -> ()
    }
    %scan3A_20 = arith.constant 5 : i32
    return
  }
}

#map = affine_map<(d0, d1) -> (0, 0, 0)>
#map1 = affine_map<(d0, d1) -> (0, 0)>
module attributes {stable_mosaic.version = 14 : i64} {
  func.func @_body(%arg0: i32, %arg1: i32, %arg2: memref<32x80x128xi32, #tpu.memory_space<hbm>>, %arg3: memref<128x128xf32, #tpu.memory_space<hbm>>, %arg4: memref<128x128xf32, #tpu.memory_space<hbm>>, %arg5: memref<16x5x128xi32, #tpu.memory_space<hbm>>, %arg6: memref<2x10240x128xf32, #tpu.memory_space<hbm>>, %arg7: memref<8x128xi32, #tpu.memory_space<vmem>>, %arg8: memref<5x128xi32, #tpu.memory_space<vmem>>, %arg9: memref<128x128xf32, #tpu.memory_space<vmem>>, %arg10: memref<10240x128xf32, #tpu.memory_space<vmem_shared>>, %arg11: memref<!tpu.dma_semaphore, #tpu.memory_space<semaphore_mem>>) attributes {dimension_semantics = [#tpu.dimension_semantics<core_parallel>, #tpu.dimension_semantics<subcore_parallel>], iteration_bounds = array<i64: 2, 16>, scalar_prefetch = 0 : i64, scratch_operands = 5 : i64, tpu.core_type = #tpu.core_type<sc_vector_subcore>, window_params = [{transform_indices = #map}, {transform_indices = #map1}, {transform_indices = #map1}, {transform_indices = #map}, {transform_indices = #map}]} {
    %mul3A = arith.constant 16 : i32
    %mul3A_0 = arith.muli %arg0, %mul3A : i32
    %add3A = arith.addi %mul3A_0, %arg1 : i32
    %mul3A_1 = arith.constant 640 : i32
    %mul3A_2 = arith.muli %arg1, %mul3A_1 : i32
    "tpu.region"() ({
      %run_scoped3A = tpu.sem_alloc : memref<!tpu.dma_semaphore, #tpu.memory_space<semaphore_mem>>
      tpu.enqueue_dma source(%arg3 : memref<128x128xf32, #tpu.memory_space<hbm>>) target(%arg9 : memref<128x128xf32, #tpu.memory_space<vmem>>) target_semaphore(%run_scoped3A : memref<!tpu.dma_semaphore, #tpu.memory_space<semaphore_mem>>)
      tpu.wait_dma2 semaphore(%run_scoped3A : memref<!tpu.dma_semaphore, #tpu.memory_space<semaphore_mem>>) src(%arg3 : memref<128x128xf32, #tpu.memory_space<hbm>>) dst(%arg9 : memref<128x128xf32, #tpu.memory_space<vmem>>)
      tpu.yield
    }) : () -> ()
    "tpu.region"() ({
      %run_scoped3A = tpu.sem_alloc : memref<!tpu.dma_semaphore, #tpu.memory_space<semaphore_mem>>
      %dma_start3A = arith.constant 0 : i32
      %dma_start3A_21 = arith.constant 0 : i32
      %dma_start3A_22 = tpu.memref_slice %arg5[%arg1, %dma_start3A, %dma_start3A_21] : memref<16x5x128xi32, #tpu.memory_space<hbm>> -> memref<1x5x128xi32, #tpu.memory_space<hbm>>
      %dma_start3A_23 = tpu.memref_squeeze %dma_start3A_22 : memref<1x5x128xi32, #tpu.memory_space<hbm>> -> memref<5x128xi32, #tpu.memory_space<hbm>>
      %dma_start3A_24 = arith.constant 0 : i32
      %dma_start3A_25 = arith.constant 0 : i32
      %dma_start3A_26 = tpu.memref_slice %arg5[%arg1, %dma_start3A_24, %dma_start3A_25] : memref<16x5x128xi32, #tpu.memory_space<hbm>> -> memref<1x5x128xi32, #tpu.memory_space<hbm>>
      %dma_start3A_27 = tpu.memref_squeeze %dma_start3A_26 : memref<1x5x128xi32, #tpu.memory_space<hbm>> -> memref<5x128xi32, #tpu.memory_space<hbm>>
      tpu.enqueue_dma source(%dma_start3A_27 : memref<5x128xi32, #tpu.memory_space<hbm>>) target(%arg8 : memref<5x128xi32, #tpu.memory_space<vmem>>) target_semaphore(%run_scoped3A : memref<!tpu.dma_semaphore, #tpu.memory_space<semaphore_mem>>)
      %dma_wait3A = arith.constant 0 : i32
      %dma_wait3A_28 = arith.constant 0 : i32
      %dma_wait3A_29 = tpu.memref_slice %arg5[%arg1, %dma_wait3A, %dma_wait3A_28] : memref<16x5x128xi32, #tpu.memory_space<hbm>> -> memref<1x5x128xi32, #tpu.memory_space<hbm>>
      %dma_wait3A_30 = tpu.memref_squeeze %dma_wait3A_29 : memref<1x5x128xi32, #tpu.memory_space<hbm>> -> memref<5x128xi32, #tpu.memory_space<hbm>>
      %dma_wait3A_31 = arith.constant 0 : i32
      %dma_wait3A_32 = arith.constant 0 : i32
      %dma_wait3A_33 = tpu.memref_slice %arg5[%arg1, %dma_wait3A_31, %dma_wait3A_32] : memref<16x5x128xi32, #tpu.memory_space<hbm>> -> memref<1x5x128xi32, #tpu.memory_space<hbm>>
      %dma_wait3A_34 = tpu.memref_squeeze %dma_wait3A_33 : memref<1x5x128xi32, #tpu.memory_space<hbm>> -> memref<5x128xi32, #tpu.memory_space<hbm>>
      tpu.wait_dma2 semaphore(%run_scoped3A : memref<!tpu.dma_semaphore, #tpu.memory_space<semaphore_mem>>) src(%dma_wait3A_34 : memref<5x128xi32, #tpu.memory_space<hbm>>) dst(%arg8 : memref<5x128xi32, #tpu.memory_space<vmem>>)
      tpu.yield
    }) : () -> ()
    %scan3A = arith.constant 0 : i32
    %scan3A_3 = arith.constant 0 : i32
    %scan3A_4 = arith.constant 5 : i32
    %scan3A_5 = arith.addi %scan3A_3, %scan3A_4 : i32
    %scan3A_6 = arith.constant 1 : i32
    scf.for %scan3A_21 = %scan3A_3 to %scan3A_5 step %scan3A_6  : i32 {
      "tpu.region"() ({
        %run_scoped3A = tpu.sem_alloc : memref<!tpu.dma_semaphore, #tpu.memory_space<semaphore_mem>>
        %dma_start3A = arith.constant 0 : i32
        %dma_start3A_22 = tpu.memref_slice %arg8[%scan3A_21, %dma_start3A] : memref<5x128xi32, #tpu.memory_space<vmem>> -> memref<1x128xi32, #tpu.memory_space<vmem>>
        %dma_start3A_23 = tpu.memref_squeeze %dma_start3A_22 : memref<1x128xi32, #tpu.memory_space<vmem>> -> memref<128xi32, #tpu.memory_space<vmem>>
        %dma_start3A_24 = arith.constant 0 : i32
        %dma_start3A_25 = arith.constant 0 : i32
        %dma_start3A_26 = tpu.memref_slice %arg10[%dma_start3A_24, %dma_start3A_25] : memref<10240x128xf32, #tpu.memory_space<vmem_shared>> -> memref<10240x128xf32, #tpu.memory_space<vmem_shared>>
        tpu.enqueue_indirect_dma source(%arg9 : memref<128x128xf32, #tpu.memory_space<vmem>>) target(%dma_start3A_26 : memref<10240x128xf32, #tpu.memory_space<vmem_shared>>) offsets(%dma_start3A_23 : memref<128xi32, #tpu.memory_space<vmem>>) semaphore(%run_scoped3A : memref<!tpu.dma_semaphore, #tpu.memory_space<semaphore_mem>>)
        %dma_wait3A = arith.constant 0 : i32
        %dma_wait3A_27 = tpu.memref_slice %arg8[%scan3A_21, %dma_wait3A] : memref<5x128xi32, #tpu.memory_space<vmem>> -> memref<1x128xi32, #tpu.memory_space<vmem>>
        %dma_wait3A_28 = tpu.memref_squeeze %dma_wait3A_27 : memref<1x128xi32, #tpu.memory_space<vmem>> -> memref<128xi32, #tpu.memory_space<vmem>>
        %dma_wait3A_29 = arith.constant 0 : i32
        %dma_wait3A_30 = arith.constant 0 : i32
        %dma_wait3A_31 = tpu.memref_slice %arg10[%dma_wait3A_29, %dma_wait3A_30] : memref<10240x128xf32, #tpu.memory_space<vmem_shared>> -> memref<10240x128xf32, #tpu.memory_space<vmem_shared>>
        tpu.wait_indirect_dma semaphore(%run_scoped3A : memref<!tpu.dma_semaphore, #tpu.memory_space<semaphore_mem>>) src(%arg9 : memref<128x128xf32, #tpu.memory_space<vmem>>) dst(%dma_wait3A_31 : memref<10240x128xf32, #tpu.memory_space<vmem_shared>>)
        tpu.yield
      }) : () -> ()
    }
    %scan3A_7 = arith.constant 5 : i32
    "tpu.region"() ({
      %run_scoped3A = tpu.sem_alloc : memref<!tpu.dma_semaphore, #tpu.memory_space<semaphore_mem>>
      tpu.enqueue_dma source(%arg4 : memref<128x128xf32, #tpu.memory_space<hbm>>) target(%arg9 : memref<128x128xf32, #tpu.memory_space<vmem>>) target_semaphore(%run_scoped3A : memref<!tpu.dma_semaphore, #tpu.memory_space<semaphore_mem>>)
      tpu.wait_dma2 semaphore(%run_scoped3A : memref<!tpu.dma_semaphore, #tpu.memory_space<semaphore_mem>>) src(%arg4 : memref<128x128xf32, #tpu.memory_space<hbm>>) dst(%arg9 : memref<128x128xf32, #tpu.memory_space<vmem>>)
      tpu.yield
    }) : () -> ()
    %barrier3A = arith.constant 0 : index
    tpu.barrier barrier_id(%barrier3A)
    %scan3A_8 = arith.constant 0 : i32
    %scan3A_9 = arith.constant 0 : i32
    %scan3A_10 = arith.constant 10 : i32
    %scan3A_11 = arith.addi %scan3A_9, %scan3A_10 : i32
    %scan3A_12 = arith.constant 1 : i32
    scf.for %scan3A_21 = %scan3A_9 to %scan3A_11 step %scan3A_12  : i32 {
      %mul3A_22 = arith.constant 8 : i32
      %mul3A_23 = arith.muli %scan3A_21, %mul3A_22 : i32
      "tpu.region"() ({
        %run_scoped3A = tpu.sem_alloc : memref<!tpu.dma_semaphore, #tpu.memory_space<semaphore_mem>>
        %dma_start3A = arith.constant 0 : i32
        %dma_start3A_30 = tpu.memref_slice %arg2[%add3A, %mul3A_23, %dma_start3A] : memref<32x80x128xi32, #tpu.memory_space<hbm>> -> memref<1x8x128xi32, #tpu.memory_space<hbm>>
        %dma_start3A_31 = tpu.memref_squeeze %dma_start3A_30 : memref<1x8x128xi32, #tpu.memory_space<hbm>> -> memref<8x128xi32, #tpu.memory_space<hbm>>
        %dma_start3A_32 = arith.constant 0 : i32
        %dma_start3A_33 = tpu.memref_slice %arg2[%add3A, %mul3A_23, %dma_start3A_32] : memref<32x80x128xi32, #tpu.memory_space<hbm>> -> memref<1x8x128xi32, #tpu.memory_space<hbm>>
        %dma_start3A_34 = tpu.memref_squeeze %dma_start3A_33 : memref<1x8x128xi32, #tpu.memory_space<hbm>> -> memref<8x128xi32, #tpu.memory_space<hbm>>
        tpu.enqueue_dma source(%dma_start3A_34 : memref<8x128xi32, #tpu.memory_space<hbm>>) target(%arg7 : memref<8x128xi32, #tpu.memory_space<vmem>>) target_semaphore(%run_scoped3A : memref<!tpu.dma_semaphore, #tpu.memory_space<semaphore_mem>>)
        %dma_wait3A = arith.constant 0 : i32
        %dma_wait3A_35 = tpu.memref_slice %arg2[%add3A, %mul3A_23, %dma_wait3A] : memref<32x80x128xi32, #tpu.memory_space<hbm>> -> memref<1x8x128xi32, #tpu.memory_space<hbm>>
        %dma_wait3A_36 = tpu.memref_squeeze %dma_wait3A_35 : memref<1x8x128xi32, #tpu.memory_space<hbm>> -> memref<8x128xi32, #tpu.memory_space<hbm>>
        %dma_wait3A_37 = arith.constant 0 : i32
        %dma_wait3A_38 = tpu.memref_slice %arg2[%add3A, %mul3A_23, %dma_wait3A_37] : memref<32x80x128xi32, #tpu.memory_space<hbm>> -> memref<1x8x128xi32, #tpu.memory_space<hbm>>
        %dma_wait3A_39 = tpu.memref_squeeze %dma_wait3A_38 : memref<1x8x128xi32, #tpu.memory_space<hbm>> -> memref<8x128xi32, #tpu.memory_space<hbm>>
        tpu.wait_dma2 semaphore(%run_scoped3A : memref<!tpu.dma_semaphore, #tpu.memory_space<semaphore_mem>>) src(%dma_wait3A_39 : memref<8x128xi32, #tpu.memory_space<hbm>>) dst(%arg7 : memref<8x128xi32, #tpu.memory_space<vmem>>)
        tpu.yield
      }) : () -> ()
      %scan3A_24 = arith.constant 0 : i32
      %scan3A_25 = arith.constant 0 : i32
      %scan3A_26 = arith.constant 8 : i32
      %scan3A_27 = arith.addi %scan3A_25, %scan3A_26 : i32
      %scan3A_28 = arith.constant 1 : i32
      scf.for %scan3A_30 = %scan3A_25 to %scan3A_27 step %scan3A_28  : i32 {
        "tpu.region"() ({
          %run_scoped3A = tpu.sem_alloc : memref<!tpu.dma_semaphore, #tpu.memory_space<semaphore_mem>>
          %dma_start3A = arith.constant 0 : i32
          %dma_start3A_31 = tpu.memref_slice %arg7[%scan3A_30, %dma_start3A] : memref<8x128xi32, #tpu.memory_space<vmem>> -> memref<1x128xi32, #tpu.memory_space<vmem>>
          %dma_start3A_32 = tpu.memref_squeeze %dma_start3A_31 : memref<1x128xi32, #tpu.memory_space<vmem>> -> memref<128xi32, #tpu.memory_space<vmem>>
          %dma_start3A_33 = arith.constant 0 : i32
          %dma_start3A_34 = arith.constant 0 : i32
          %dma_start3A_35 = tpu.memref_slice %arg10[%dma_start3A_33, %dma_start3A_34] : memref<10240x128xf32, #tpu.memory_space<vmem_shared>> -> memref<10240x128xf32, #tpu.memory_space<vmem_shared>>
          tpu.enqueue_indirect_dma source(%arg9 : memref<128x128xf32, #tpu.memory_space<vmem>>) target(%dma_start3A_35 : memref<10240x128xf32, #tpu.memory_space<vmem_shared>>) offsets(%dma_start3A_32 : memref<128xi32, #tpu.memory_space<vmem>>) semaphore(%run_scoped3A : memref<!tpu.dma_semaphore, #tpu.memory_space<semaphore_mem>>) {add = true}
          %dma_wait3A = arith.constant 0 : i32
          %dma_wait3A_36 = tpu.memref_slice %arg7[%scan3A_30, %dma_wait3A] : memref<8x128xi32, #tpu.memory_space<vmem>> -> memref<1x128xi32, #tpu.memory_space<vmem>>
          %dma_wait3A_37 = tpu.memref_squeeze %dma_wait3A_36 : memref<1x128xi32, #tpu.memory_space<vmem>> -> memref<128xi32, #tpu.memory_space<vmem>>
          %dma_wait3A_38 = arith.constant 0 : i32
          %dma_wait3A_39 = arith.constant 0 : i32
          %dma_wait3A_40 = tpu.memref_slice %arg10[%dma_wait3A_38, %dma_wait3A_39] : memref<10240x128xf32, #tpu.memory_space<vmem_shared>> -> memref<10240x128xf32, #tpu.memory_space<vmem_shared>>
          tpu.wait_indirect_dma semaphore(%run_scoped3A : memref<!tpu.dma_semaphore, #tpu.memory_space<semaphore_mem>>) src(%arg9 : memref<128x128xf32, #tpu.memory_space<vmem>>) dst(%dma_wait3A_40 : memref<10240x128xf32, #tpu.memory_space<vmem_shared>>)
          tpu.yield
        }) : () -> ()
      }
      %scan3A_29 = arith.constant 8 : i32
    }
    %scan3A_13 = arith.constant 10 : i32
    %barrier3A_14 = arith.constant 0 : index
    tpu.barrier barrier_id(%barrier3A_14)
    %scan3A_15 = arith.constant 0 : i32
    %scan3A_16 = arith.constant 0 : i32
    %scan3A_17 = arith.constant 5 : i32
    %scan3A_18 = arith.addi %scan3A_16, %scan3A_17 : i32
    %scan3A_19 = arith.constant 1 : i32
    scf.for %scan3A_21 = %scan3A_16 to %scan3A_18 step %scan3A_19  : i32 {
      %mul3A_22 = arith.constant 128 : i32
      %mul3A_23 = arith.muli %scan3A_21, %mul3A_22 : i32
      %add3A_24 = arith.addi %mul3A_2, %mul3A_23 : i32
      %dma_start3A = arith.constant 0 : i32
      %dma_start3A_25 = tpu.memref_slice %arg8[%scan3A_21, %dma_start3A] : memref<5x128xi32, #tpu.memory_space<vmem>> -> memref<1x128xi32, #tpu.memory_space<vmem>>
      %dma_start3A_26 = tpu.memref_squeeze %dma_start3A_25 : memref<1x128xi32, #tpu.memory_space<vmem>> -> memref<128xi32, #tpu.memory_space<vmem>>
      %dma_start3A_27 = arith.constant 0 : i32
      %dma_start3A_28 = arith.constant 0 : i32
      %dma_start3A_29 = tpu.memref_slice %arg10[%dma_start3A_27, %dma_start3A_28] : memref<10240x128xf32, #tpu.memory_space<vmem_shared>> -> memref<10240x128xf32, #tpu.memory_space<vmem_shared>>
      tpu.enqueue_indirect_dma source(%dma_start3A_29 : memref<10240x128xf32, #tpu.memory_space<vmem_shared>>) target(%arg9 : memref<128x128xf32, #tpu.memory_space<vmem>>) offsets(%dma_start3A_26 : memref<128xi32, #tpu.memory_space<vmem>>) semaphore(%arg11 : memref<!tpu.dma_semaphore, #tpu.memory_space<semaphore_mem>>)
      %dma_wait3A = arith.constant 0 : i32
      %dma_wait3A_30 = tpu.memref_slice %arg8[%scan3A_21, %dma_wait3A] : memref<5x128xi32, #tpu.memory_space<vmem>> -> memref<1x128xi32, #tpu.memory_space<vmem>>
      %dma_wait3A_31 = tpu.memref_squeeze %dma_wait3A_30 : memref<1x128xi32, #tpu.memory_space<vmem>> -> memref<128xi32, #tpu.memory_space<vmem>>
      %dma_wait3A_32 = arith.constant 0 : i32
      %dma_wait3A_33 = arith.constant 0 : i32
      %dma_wait3A_34 = tpu.memref_slice %arg10[%dma_wait3A_32, %dma_wait3A_33] : memref<10240x128xf32, #tpu.memory_space<vmem_shared>> -> memref<10240x128xf32, #tpu.memory_space<vmem_shared>>
      tpu.wait_indirect_dma semaphore(%arg11 : memref<!tpu.dma_semaphore, #tpu.memory_space<semaphore_mem>>) src(%dma_wait3A_34 : memref<10240x128xf32, #tpu.memory_space<vmem_shared>>) dst(%arg9 : memref<128x128xf32, #tpu.memory_space<vmem>>)
      "tpu.region"() ({
        %run_scoped3A = tpu.sem_alloc : memref<!tpu.dma_semaphore, #tpu.memory_space<semaphore_mem>>
        %dma_start3A_35 = arith.constant 0 : i32
        %dma_start3A_36 = tpu.memref_slice %arg6[%arg0, %add3A_24, %dma_start3A_35] : memref<2x10240x128xf32, #tpu.memory_space<hbm>> -> memref<1x128x128xf32, #tpu.memory_space<hbm>>
        %dma_start3A_37 = tpu.memref_squeeze %dma_start3A_36 : memref<1x128x128xf32, #tpu.memory_space<hbm>> -> memref<128x128xf32, #tpu.memory_space<hbm>>
        %dma_start3A_38 = arith.constant 0 : i32
        %dma_start3A_39 = tpu.memref_slice %arg6[%arg0, %add3A_24, %dma_start3A_38] : memref<2x10240x128xf32, #tpu.memory_space<hbm>> -> memref<1x128x128xf32, #tpu.memory_space<hbm>>
        %dma_start3A_40 = tpu.memref_squeeze %dma_start3A_39 : memref<1x128x128xf32, #tpu.memory_space<hbm>> -> memref<128x128xf32, #tpu.memory_space<hbm>>
        tpu.enqueue_dma source(%arg9 : memref<128x128xf32, #tpu.memory_space<vmem>>) target(%dma_start3A_40 : memref<128x128xf32, #tpu.memory_space<hbm>>) target_semaphore(%run_scoped3A : memref<!tpu.dma_semaphore, #tpu.memory_space<semaphore_mem>>)
        %dma_wait3A_41 = arith.constant 0 : i32
        %dma_wait3A_42 = tpu.memref_slice %arg6[%arg0, %add3A_24, %dma_wait3A_41] : memref<2x10240x128xf32, #tpu.memory_space<hbm>> -> memref<1x128x128xf32, #tpu.memory_space<hbm>>
        %dma_wait3A_43 = tpu.memref_squeeze %dma_wait3A_42 : memref<1x128x128xf32, #tpu.memory_space<hbm>> -> memref<128x128xf32, #tpu.memory_space<hbm>>
        %dma_wait3A_44 = arith.constant 0 : i32
        %dma_wait3A_45 = tpu.memref_slice %arg6[%arg0, %add3A_24, %dma_wait3A_44] : memref<2x10240x128xf32, #tpu.memory_space<hbm>> -> memref<1x128x128xf32, #tpu.memory_space<hbm>>
        %dma_wait3A_46 = tpu.memref_squeeze %dma_wait3A_45 : memref<1x128x128xf32, #tpu.memory_space<hbm>> -> memref<128x128xf32, #tpu.memory_space<hbm>>
        tpu.wait_dma2 semaphore(%run_scoped3A : memref<!tpu.dma_semaphore, #tpu.memory_space<semaphore_mem>>) src(%arg9 : memref<128x128xf32, #tpu.memory_space<vmem>>) dst(%dma_wait3A_46 : memref<128x128xf32, #tpu.memory_space<hbm>>)
        tpu.yield
      }) : () -> ()
    }
    %scan3A_20 = arith.constant 5 : i32
    return
  }
}

module attributes {stable_mosaic.version = 14 : i64} {
  func.func @_k1_body(%arg0: i32, %arg1: memref<2x1024x128xf32, #tpu.memory_space<vmem>>, %arg2: memref<2x1024x128xf32, #tpu.memory_space<vmem>>, %arg3: memref<1024x128xf32, #tpu.memory_space<vmem>>, %arg4: memref<128x128xf32, #tpu.memory_space<vmem>>, %arg5: memref<128x128xf32, #tpu.memory_space<vmem>>, %arg6: memref<1x128xf32, #tpu.memory_space<vmem>>, %arg7: memref<1024x128xf32, #tpu.memory_space<vmem>>, %arg8: memref<1024x1xf32, #tpu.memory_space<vmem>>) attributes {dimension_semantics = [#tpu.dimension_semantics<arbitrary>], iteration_bounds = array<i64: 10>, scalar_prefetch = 0 : i64, scratch_operands = 0 : i64, tpu.core_type = #tpu.core_type<tc>, window_params = [{transform_indices = @transform_0, window_bounds = array<i64: 2, 1024, 128>}, {transform_indices = @transform_1, window_bounds = array<i64: 2, 1024, 128>}, {transform_indices = @transform_2, window_bounds = array<i64: 1024, 128>}, {pipeline_mode = #tpu.pipeline_mode<synchronous>, transform_indices = @transform_3, window_bounds = array<i64: 128, 128>}, {pipeline_mode = #tpu.pipeline_mode<synchronous>, transform_indices = @transform_4, window_bounds = array<i64: 128, 128>}, {pipeline_mode = #tpu.pipeline_mode<synchronous>, transform_indices = @transform_5, window_bounds = array<i64: 1, 128>}, {transform_indices = @transform_6, window_bounds = array<i64: 1024, 128>}, {transform_indices = @transform_7, window_bounds = array<i64: 1024, 1>}]} {
    %get3A = arith.constant 0 : index
    %get3A_0 = arith.constant 0 : index
    %get3A_1 = arith.constant 0 : index
    %get3A_2 = vector.load %arg2[%get3A, %get3A_0, %get3A_1] : memref<2x1024x128xf32, #tpu.memory_space<vmem>>, vector<1x1024x1xf32>
    %get3A_3 = vector.shape_cast %get3A_2 : vector<1x1024x1xf32> to vector<1024xf32>
    %get3A_4 = arith.constant 1 : index
    %get3A_5 = arith.constant 0 : index
    %get3A_6 = arith.constant 0 : index
    %get3A_7 = vector.load %arg2[%get3A_4, %get3A_5, %get3A_6] : memref<2x1024x128xf32, #tpu.memory_space<vmem>>, vector<1x1024x1xf32>
    %get3A_8 = vector.shape_cast %get3A_7 : vector<1x1024x1xf32> to vector<1024xf32>
    %add3A = arith.addf %get3A_3, %get3A_8 : vector<1024xf32>
    %max3A = arith.constant 1.000000e+00 : f32
    %max3A_9 = vector.broadcast %max3A : f32 to vector<1024xf32>
    %max3A_10 = arith.maximumf %add3A, %max3A_9 : vector<1024xf32>
    %div3A = arith.constant 1.000000e+00 : f32
    %div3A_11 = vector.broadcast %div3A : f32 to vector<1024xf32>
    %div3A_12 = arith.divf %div3A_11, %max3A_10 : vector<1024xf32>
    %broadcast_in_dim3A = vector.shape_cast %div3A_12 : vector<1024xf32> to vector<1024x1xf32>
    %swap3A = arith.constant 0 : index
    %swap3A_13 = arith.constant 0 : index
    %swap3A_14 = vector.load %arg8[%swap3A, %swap3A_13] : memref<1024x1xf32, #tpu.memory_space<vmem>>, vector<1024x1xf32>
    tpu.vector_store %arg8[%swap3A, %swap3A_13], %broadcast_in_dim3A {strides = array<i32>} : memref<1024x1xf32, #tpu.memory_space<vmem>>, vector<1024x1xf32>,
    %get3A_15 = arith.constant 0 : index
    %get3A_16 = arith.constant 0 : index
    %get3A_17 = arith.constant 0 : index
    %get3A_18 = vector.load %arg1[%get3A_15, %get3A_16, %get3A_17] : memref<2x1024x128xf32, #tpu.memory_space<vmem>>, vector<1x1024x128xf32>
    %get3A_19 = vector.shape_cast %get3A_18 : vector<1x1024x128xf32> to vector<1024x128xf32>
    %get3A_20 = arith.constant 1 : index
    %get3A_21 = arith.constant 0 : index
    %get3A_22 = arith.constant 0 : index
    %get3A_23 = vector.load %arg1[%get3A_20, %get3A_21, %get3A_22] : memref<2x1024x128xf32, #tpu.memory_space<vmem>>, vector<1x1024x128xf32>
    %get3A_24 = vector.shape_cast %get3A_23 : vector<1x1024x128xf32> to vector<1024x128xf32>
    %add3A_25 = arith.addf %get3A_19, %get3A_24 : vector<1024x128xf32>
    %mul3A = vector.broadcast %broadcast_in_dim3A : vector<1024x1xf32> to vector<1024x128xf32>
    %mul3A_26 = arith.mulf %add3A_25, %mul3A : vector<1024x128xf32>
    %get3A_27 = arith.constant 0 : index
    %get3A_28 = arith.constant 0 : index
    %get3A_29 = vector.load %arg4[%get3A_27, %get3A_28] : memref<128x128xf32, #tpu.memory_space<vmem>>, vector<128x128xf32>
    %dot_general3A = arith.constant dense<0.000000e+00> : vector<1024x128xf32>
    %dot_general3A_30 = tpu.matmul %mul3A_26, %get3A_29, %dot_general3A {dimension_numbers = #tpu.dot_dimension_numbers<[1], [0], [0], [1], [0, 0, 1, 1], [], []>, transpose_lhs_hint = false} : vector<1024x128xf32>, vector<128x128xf32>, vector<1024x128xf32> -> vector<1024x128xf32>
    %get3A_31 = arith.constant 0 : index
    %get3A_32 = arith.constant 0 : index
    %get3A_33 = vector.load %arg3[%get3A_31, %get3A_32] : memref<1024x128xf32, #tpu.memory_space<vmem>>, vector<1024x128xf32>
    %get3A_34 = arith.constant 0 : index
    %get3A_35 = arith.constant 0 : index
    %get3A_36 = vector.load %arg5[%get3A_34, %get3A_35] : memref<128x128xf32, #tpu.memory_space<vmem>>, vector<128x128xf32>
    %dot_general3A_37 = arith.constant dense<0.000000e+00> : vector<1024x128xf32>
    %dot_general3A_38 = tpu.matmul %get3A_33, %get3A_36, %dot_general3A_37 {dimension_numbers = #tpu.dot_dimension_numbers<[1], [0], [0], [1], [0, 0, 1, 1], [], []>, transpose_lhs_hint = false} : vector<1024x128xf32>, vector<128x128xf32>, vector<1024x128xf32> -> vector<1024x128xf32>
    %add3A_39 = arith.addf %dot_general3A_30, %dot_general3A_38 : vector<1024x128xf32>
    %get3A_40 = arith.constant 0 : index
    %get3A_41 = arith.constant 0 : index
    %get3A_42 = vector.load %arg6[%get3A_40, %get3A_41] : memref<1x128xf32, #tpu.memory_space<vmem>>, vector<1x128xf32>
    %add3A_43 = vector.broadcast %get3A_42 : vector<1x128xf32> to vector<1024x128xf32>
    %add3A_44 = arith.addf %add3A_39, %add3A_43 : vector<1024x128xf32>
    %max3A_45 = arith.constant 0.000000e+00 : f32
    %max3A_46 = vector.broadcast %max3A_45 : f32 to vector<1024x128xf32>
    %max3A_47 = arith.maximumf %add3A_44, %max3A_46 : vector<1024x128xf32>
    %swap3A_48 = arith.constant 0 : index
    %swap3A_49 = arith.constant 0 : index
    %swap3A_50 = vector.load %arg7[%swap3A_48, %swap3A_49] : memref<1024x128xf32, #tpu.memory_space<vmem>>, vector<1024x128xf32>
    tpu.vector_store %arg7[%swap3A_48, %swap3A_49], %max3A_47 {strides = array<i32>} : memref<1024x128xf32, #tpu.memory_space<vmem>>, vector<1024x128xf32>,
    return
  }
  func.func @transform_0(%arg0: i32) -> (i32, i32, i32) {
    %c0_i32 = arith.constant 0 : i32
    %c0_i32_0 = arith.constant 0 : i32
    %c0_i32_1 = arith.constant 0 : i32
    return %c0_i32, %arg0, %c0_i32_0 : i32, i32, i32
  }
  func.func @transform_1(%arg0: i32) -> (i32, i32, i32) {
    %c0_i32 = arith.constant 0 : i32
    %c0_i32_0 = arith.constant 0 : i32
    %c0_i32_1 = arith.constant 0 : i32
    return %c0_i32, %arg0, %c0_i32_0 : i32, i32, i32
  }
  func.func @transform_2(%arg0: i32) -> (i32, i32) {
    %c0_i32 = arith.constant 0 : i32
    %c0_i32_0 = arith.constant 0 : i32
    return %arg0, %c0_i32 : i32, i32
  }
  func.func @transform_3(%arg0: i32) -> (i32, i32) {
    %c0_i32 = arith.constant 0 : i32
    %c0_i32_0 = arith.constant 0 : i32
    %c0_i32_1 = arith.constant 0 : i32
    return %c0_i32, %c0_i32_0 : i32, i32
  }
  func.func @transform_4(%arg0: i32) -> (i32, i32) {
    %c0_i32 = arith.constant 0 : i32
    %c0_i32_0 = arith.constant 0 : i32
    %c0_i32_1 = arith.constant 0 : i32
    return %c0_i32, %c0_i32_0 : i32, i32
  }
  func.func @transform_5(%arg0: i32) -> (i32, i32) {
    %c0_i32 = arith.constant 0 : i32
    %c0_i32_0 = arith.constant 0 : i32
    %c0_i32_1 = arith.constant 0 : i32
    return %c0_i32, %c0_i32_0 : i32, i32
  }
  func.func @transform_6(%arg0: i32) -> (i32, i32) {
    %c0_i32 = arith.constant 0 : i32
    %c0_i32_0 = arith.constant 0 : i32
    return %arg0, %c0_i32 : i32, i32
  }
  func.func @transform_7(%arg0: i32) -> (i32, i32) {
    %c0_i32 = arith.constant 0 : i32
    %c0_i32_0 = arith.constant 0 : i32
    return %arg0, %c0_i32 : i32, i32
  }
}

module attributes {stable_mosaic.version = 14 : i64} {
  func.func @_k2a_body(%arg0: i32, %arg1: memref<2x1024x128xf32, #tpu.memory_space<vmem>>, %arg2: memref<1024x1xf32, #tpu.memory_space<vmem>>, %arg3: memref<1024x128xf32, #tpu.memory_space<vmem>>, %arg4: memref<128x128xf32, #tpu.memory_space<vmem>>, %arg5: memref<128x128xf32, #tpu.memory_space<vmem>>, %arg6: memref<1x128xf32, #tpu.memory_space<vmem>>, %arg7: memref<1024x128xf32, #tpu.memory_space<vmem>>, %arg8: memref<1x1x128xf32, #tpu.memory_space<vmem>>, %arg9: memref<1x1x128xf32, #tpu.memory_space<vmem>>) attributes {dimension_semantics = [#tpu.dimension_semantics<arbitrary>], iteration_bounds = array<i64: 10>, scalar_prefetch = 0 : i64, scratch_operands = 0 : i64, tpu.core_type = #tpu.core_type<tc>, window_params = [{transform_indices = @transform_0, window_bounds = array<i64: 2, 1024, 128>}, {transform_indices = @transform_1, window_bounds = array<i64: 1024, 1>}, {transform_indices = @transform_2, window_bounds = array<i64: 1024, 128>}, {pipeline_mode = #tpu.pipeline_mode<synchronous>, transform_indices = @transform_3, window_bounds = array<i64: 128, 128>}, {pipeline_mode = #tpu.pipeline_mode<synchronous>, transform_indices = @transform_4, window_bounds = array<i64: 128, 128>}, {pipeline_mode = #tpu.pipeline_mode<synchronous>, transform_indices = @transform_5, window_bounds = array<i64: 1, 128>}, {transform_indices = @transform_6, window_bounds = array<i64: 1024, 128>}, {transform_indices = @transform_7, window_bounds = array<i64: 1, 1, 128>}, {transform_indices = @transform_8, window_bounds = array<i64: 1, 1, 128>}]} {
    %get3A = arith.constant 0 : index
    %get3A_0 = arith.constant 0 : index
    %get3A_1 = arith.constant 0 : index
    %get3A_2 = vector.load %arg1[%get3A, %get3A_0, %get3A_1] : memref<2x1024x128xf32, #tpu.memory_space<vmem>>, vector<1x1024x128xf32>
    %get3A_3 = vector.shape_cast %get3A_2 : vector<1x1024x128xf32> to vector<1024x128xf32>
    %get3A_4 = arith.constant 1 : index
    %get3A_5 = arith.constant 0 : index
    %get3A_6 = arith.constant 0 : index
    %get3A_7 = vector.load %arg1[%get3A_4, %get3A_5, %get3A_6] : memref<2x1024x128xf32, #tpu.memory_space<vmem>>, vector<1x1024x128xf32>
    %get3A_8 = vector.shape_cast %get3A_7 : vector<1x1024x128xf32> to vector<1024x128xf32>
    %add3A = arith.addf %get3A_3, %get3A_8 : vector<1024x128xf32>
    %get3A_9 = arith.constant 0 : index
    %get3A_10 = arith.constant 0 : index
    %get3A_11 = vector.load %arg2[%get3A_9, %get3A_10] : memref<1024x1xf32, #tpu.memory_space<vmem>>, vector<1024x1xf32>
    %mul3A = vector.broadcast %get3A_11 : vector<1024x1xf32> to vector<1024x128xf32>
    %mul3A_12 = arith.mulf %add3A, %mul3A : vector<1024x128xf32>
    %get3A_13 = arith.constant 0 : index
    %get3A_14 = arith.constant 0 : index
    %get3A_15 = vector.load %arg4[%get3A_13, %get3A_14] : memref<128x128xf32, #tpu.memory_space<vmem>>, vector<128x128xf32>
    %dot_general3A = arith.constant dense<0.000000e+00> : vector<1024x128xf32>
    %dot_general3A_16 = tpu.matmul %mul3A_12, %get3A_15, %dot_general3A {dimension_numbers = #tpu.dot_dimension_numbers<[1], [0], [0], [1], [0, 0, 1, 1], [], []>, transpose_lhs_hint = false} : vector<1024x128xf32>, vector<128x128xf32>, vector<1024x128xf32> -> vector<1024x128xf32>
    %get3A_17 = arith.constant 0 : index
    %get3A_18 = arith.constant 0 : index
    %get3A_19 = vector.load %arg3[%get3A_17, %get3A_18] : memref<1024x128xf32, #tpu.memory_space<vmem>>, vector<1024x128xf32>
    %get3A_20 = arith.constant 0 : index
    %get3A_21 = arith.constant 0 : index
    %get3A_22 = vector.load %arg5[%get3A_20, %get3A_21] : memref<128x128xf32, #tpu.memory_space<vmem>>, vector<128x128xf32>
    %dot_general3A_23 = arith.constant dense<0.000000e+00> : vector<1024x128xf32>
    %dot_general3A_24 = tpu.matmul %get3A_19, %get3A_22, %dot_general3A_23 {dimension_numbers = #tpu.dot_dimension_numbers<[1], [0], [0], [1], [0, 0, 1, 1], [], []>, transpose_lhs_hint = false} : vector<1024x128xf32>, vector<128x128xf32>, vector<1024x128xf32> -> vector<1024x128xf32>
    %add3A_25 = arith.addf %dot_general3A_16, %dot_general3A_24 : vector<1024x128xf32>
    %get3A_26 = arith.constant 0 : index
    %get3A_27 = arith.constant 0 : index
    %get3A_28 = vector.load %arg6[%get3A_26, %get3A_27] : memref<1x128xf32, #tpu.memory_space<vmem>>, vector<1x128xf32>
    %add3A_29 = vector.broadcast %get3A_28 : vector<1x128xf32> to vector<1024x128xf32>
    %add3A_30 = arith.addf %add3A_25, %add3A_29 : vector<1024x128xf32>
    %swap3A = arith.constant 0 : index
    %swap3A_31 = arith.constant 0 : index
    %swap3A_32 = vector.load %arg7[%swap3A, %swap3A_31] : memref<1024x128xf32, #tpu.memory_space<vmem>>, vector<1024x128xf32>
    tpu.vector_store %arg7[%swap3A, %swap3A_31], %add3A_30 {strides = array<i32>} : memref<1024x128xf32, #tpu.memory_space<vmem>>, vector<1024x128xf32>,
    %iota3A = tpu.iota {dimensions = array<i32: 0>} : vector<1024x1xi32>
    %mul3A_33 = arith.constant 1024 : i32
    %mul3A_34 = arith.muli %arg0, %mul3A_33 : i32
    %add3A_35 = vector.broadcast %mul3A_34 : i32 to vector<1024x1xi32>
    %add3A_36 = arith.addi %iota3A, %add3A_35 : vector<1024x1xi32>
    %lt3A = arith.constant 10000 : i32
    %lt3A_37 = vector.broadcast %lt3A : i32 to vector<1024x1xi32>
    %lt3A_38 = arith.cmpi slt, %add3A_36, %lt3A_37 : vector<1024x1xi32>
    %jit3A = arith.constant 0.000000e+00 : f32
    %broadcast_in_dim3A = vector.shape_cast %lt3A_38 : vector<1024x1xi1> to vector<1024x1xi1>
    %broadcast_in_dim3A_39 = vector.broadcast %broadcast_in_dim3A : vector<1024x1xi1> to vector<1024x128xi1>
    %broadcast_in_dim3A_40 = vector.broadcast %jit3A : f32 to vector<1024x128xf32>
    %select_n3A = arith.select %broadcast_in_dim3A_39, %add3A_30, %broadcast_in_dim3A_40 : vector<1024x128xi1>, vector<1024x128xf32>
    %reduce_sum3A = arith.constant dense<0.000000e+00> : vector<128xf32>
    %reduce_sum3A_41 = vector.multi_reduction <add>, %select_n3A, %reduce_sum3A [0] : vector<1024x128xf32> to vector<128xf32>
    %broadcast_in_dim3A_42 = vector.shape_cast %reduce_sum3A_41 : vector<128xf32> to vector<1x128xf32>
    %broadcast_in_dim3A_43 = vector.shape_cast %broadcast_in_dim3A_42 : vector<1x128xf32> to vector<1x1x128xf32>
    %swap3A_44 = arith.constant 0 : index
    %swap3A_45 = arith.constant 0 : index
    %swap3A_46 = arith.constant 0 : index
    %swap3A_47 = vector.load %arg8[%swap3A_44, %swap3A_45, %swap3A_46] : memref<1x1x128xf32, #tpu.memory_space<vmem>>, vector<1x1x128xf32>
    tpu.vector_store %arg8[%swap3A_44, %swap3A_45, %swap3A_46], %broadcast_in_dim3A_43 {strides = array<i32>} : memref<1x1x128xf32, #tpu.memory_space<vmem>>, vector<1x1x128xf32>,
    %mul3A_48 = arith.mulf %select_n3A, %select_n3A : vector<1024x128xf32>
    %reduce_sum3A_49 = arith.constant dense<0.000000e+00> : vector<128xf32>
    %reduce_sum3A_50 = vector.multi_reduction <add>, %mul3A_48, %reduce_sum3A_49 [0] : vector<1024x128xf32> to vector<128xf32>
    %broadcast_in_dim3A_51 = vector.shape_cast %reduce_sum3A_50 : vector<128xf32> to vector<1x128xf32>
    %broadcast_in_dim3A_52 = vector.shape_cast %broadcast_in_dim3A_51 : vector<1x128xf32> to vector<1x1x128xf32>
    %swap3A_53 = arith.constant 0 : index
    %swap3A_54 = arith.constant 0 : index
    %swap3A_55 = arith.constant 0 : index
    %swap3A_56 = vector.load %arg9[%swap3A_53, %swap3A_54, %swap3A_55] : memref<1x1x128xf32, #tpu.memory_space<vmem>>, vector<1x1x128xf32>
    tpu.vector_store %arg9[%swap3A_53, %swap3A_54, %swap3A_55], %broadcast_in_dim3A_52 {strides = array<i32>} : memref<1x1x128xf32, #tpu.memory_space<vmem>>, vector<1x1x128xf32>,
    return
  }
  func.func @transform_0(%arg0: i32) -> (i32, i32, i32) {
    %c0_i32 = arith.constant 0 : i32
    %c0_i32_0 = arith.constant 0 : i32
    %c0_i32_1 = arith.constant 0 : i32
    return %c0_i32, %arg0, %c0_i32_0 : i32, i32, i32
  }
  func.func @transform_1(%arg0: i32) -> (i32, i32) {
    %c0_i32 = arith.constant 0 : i32
    %c0_i32_0 = arith.constant 0 : i32
    return %arg0, %c0_i32 : i32, i32
  }
  func.func @transform_2(%arg0: i32) -> (i32, i32) {
    %c0_i32 = arith.constant 0 : i32
    %c0_i32_0 = arith.constant 0 : i32
    return %arg0, %c0_i32 : i32, i32
  }
  func.func @transform_3(%arg0: i32) -> (i32, i32) {
    %c0_i32 = arith.constant 0 : i32
    %c0_i32_0 = arith.constant 0 : i32
    %c0_i32_1 = arith.constant 0 : i32
    return %c0_i32, %c0_i32_0 : i32, i32
  }
  func.func @transform_4(%arg0: i32) -> (i32, i32) {
    %c0_i32 = arith.constant 0 : i32
    %c0_i32_0 = arith.constant 0 : i32
    %c0_i32_1 = arith.constant 0 : i32
    return %c0_i32, %c0_i32_0 : i32, i32
  }
  func.func @transform_5(%arg0: i32) -> (i32, i32) {
    %c0_i32 = arith.constant 0 : i32
    %c0_i32_0 = arith.constant 0 : i32
    %c0_i32_1 = arith.constant 0 : i32
    return %c0_i32, %c0_i32_0 : i32, i32
  }
  func.func @transform_6(%arg0: i32) -> (i32, i32) {
    %c0_i32 = arith.constant 0 : i32
    %c0_i32_0 = arith.constant 0 : i32
    return %arg0, %c0_i32 : i32, i32
  }
  func.func @transform_7(%arg0: i32) -> (i32, i32, i32) {
    %c0_i32 = arith.constant 0 : i32
    %c0_i32_0 = arith.constant 0 : i32
    %c0_i32_1 = arith.constant 0 : i32
    return %arg0, %c0_i32, %c0_i32_0 : i32, i32, i32
  }
  func.func @transform_8(%arg0: i32) -> (i32, i32, i32) {
    %c0_i32 = arith.constant 0 : i32
    %c0_i32_0 = arith.constant 0 : i32
    %c0_i32_1 = arith.constant 0 : i32
    return %arg0, %c0_i32, %c0_i32_0 : i32, i32, i32
  }
}

module attributes {stable_mosaic.version = 14 : i64} {
  func.func @_k2b_body(%arg0: i32, %arg1: memref<1024x128xf32, #tpu.memory_space<vmem>>, %arg2: memref<10x1x128xf32, #tpu.memory_space<vmem>>, %arg3: memref<10x1x128xf32, #tpu.memory_space<vmem>>, %arg4: memref<1x128xf32, #tpu.memory_space<vmem>>, %arg5: memref<1x128xf32, #tpu.memory_space<vmem>>, %arg6: memref<1024x128xf32, #tpu.memory_space<vmem>>, %arg7: memref<1024x128xf32, #tpu.memory_space<vmem>>) attributes {dimension_semantics = [#tpu.dimension_semantics<arbitrary>], iteration_bounds = array<i64: 10>, scalar_prefetch = 0 : i64, scratch_operands = 0 : i64, tpu.core_type = #tpu.core_type<tc>, window_params = [{transform_indices = @transform_0, window_bounds = array<i64: 1024, 128>}, {pipeline_mode = #tpu.pipeline_mode<synchronous>, transform_indices = @transform_1, window_bounds = array<i64: 10, 1, 128>}, {pipeline_mode = #tpu.pipeline_mode<synchronous>, transform_indices = @transform_2, window_bounds = array<i64: 10, 1, 128>}, {pipeline_mode = #tpu.pipeline_mode<synchronous>, transform_indices = @transform_3, window_bounds = array<i64: 1, 128>}, {pipeline_mode = #tpu.pipeline_mode<synchronous>, transform_indices = @transform_4, window_bounds = array<i64: 1, 128>}, {transform_indices = @transform_5, window_bounds = array<i64: 1024, 128>}, {transform_indices = @transform_6, window_bounds = array<i64: 1024, 128>}]} {
    %get3A = arith.constant 0 : index
    %get3A_0 = arith.constant 0 : index
    %get3A_1 = arith.constant 0 : index
    %get3A_2 = vector.load %arg2[%get3A, %get3A_0, %get3A_1] : memref<10x1x128xf32, #tpu.memory_space<vmem>>, vector<10x1x128xf32>
    %reduce_sum3A = arith.constant dense<0.000000e+00> : vector<1x128xf32>
    %reduce_sum3A_3 = vector.multi_reduction <add>, %get3A_2, %reduce_sum3A [0] : vector<10x1x128xf32> to vector<1x128xf32>
    %div3A = arith.constant 1.000000e+04 : f32
    %div3A_4 = vector.broadcast %div3A : f32 to vector<1x128xf32>
    %div3A_5 = arith.divf %reduce_sum3A_3, %div3A_4 : vector<1x128xf32>
    %get3A_6 = arith.constant 0 : index
    %get3A_7 = arith.constant 0 : index
    %get3A_8 = arith.constant 0 : index
    %get3A_9 = vector.load %arg3[%get3A_6, %get3A_7, %get3A_8] : memref<10x1x128xf32, #tpu.memory_space<vmem>>, vector<10x1x128xf32>
    %reduce_sum3A_10 = arith.constant dense<0.000000e+00> : vector<1x128xf32>
    %reduce_sum3A_11 = vector.multi_reduction <add>, %get3A_9, %reduce_sum3A_10 [0] : vector<10x1x128xf32> to vector<1x128xf32>
    %div3A_12 = arith.constant 1.000000e+04 : f32
    %div3A_13 = vector.broadcast %div3A_12 : f32 to vector<1x128xf32>
    %div3A_14 = arith.divf %reduce_sum3A_11, %div3A_13 : vector<1x128xf32>
    %mul3A = arith.mulf %div3A_5, %div3A_5 : vector<1x128xf32>
    %sub3A = arith.subf %div3A_14, %mul3A : vector<1x128xf32>
    %get3A_15 = arith.constant 0 : index
    %get3A_16 = arith.constant 0 : index
    %get3A_17 = vector.load %arg1[%get3A_15, %get3A_16] : memref<1024x128xf32, #tpu.memory_space<vmem>>, vector<1024x128xf32>
    %sub3A_18 = vector.broadcast %div3A_5 : vector<1x128xf32> to vector<1024x128xf32>
    %sub3A_19 = arith.subf %get3A_17, %sub3A_18 : vector<1024x128xf32>
    %add3A = arith.constant 9.99999974E-6 : f32
    %add3A_20 = vector.broadcast %add3A : f32 to vector<1x128xf32>
    %add3A_21 = arith.addf %sub3A, %add3A_20 : vector<1x128xf32>
    %rsqrt3A = math.rsqrt %add3A_21 : vector<1x128xf32>
    %mul3A_22 = vector.broadcast %rsqrt3A : vector<1x128xf32> to vector<1024x128xf32>
    %mul3A_23 = arith.mulf %sub3A_19, %mul3A_22 : vector<1024x128xf32>
    %get3A_24 = arith.constant 0 : index
    %get3A_25 = arith.constant 0 : index
    %get3A_26 = vector.load %arg4[%get3A_24, %get3A_25] : memref<1x128xf32, #tpu.memory_space<vmem>>, vector<1x128xf32>
    %mul3A_27 = vector.broadcast %get3A_26 : vector<1x128xf32> to vector<1024x128xf32>
    %mul3A_28 = arith.mulf %mul3A_23, %mul3A_27 : vector<1024x128xf32>
    %get3A_29 = arith.constant 0 : index
    %get3A_30 = arith.constant 0 : index
    %get3A_31 = vector.load %arg5[%get3A_29, %get3A_30] : memref<1x128xf32, #tpu.memory_space<vmem>>, vector<1x128xf32>
    %add3A_32 = vector.broadcast %get3A_31 : vector<1x128xf32> to vector<1024x128xf32>
    %add3A_33 = arith.addf %mul3A_28, %add3A_32 : vector<1024x128xf32>
    %max3A = arith.constant 0.000000e+00 : f32
    %max3A_34 = vector.broadcast %max3A : f32 to vector<1024x128xf32>
    %max3A_35 = arith.maximumf %add3A_33, %max3A_34 : vector<1024x128xf32>
    %get3A_36 = arith.constant 0 : index
    %get3A_37 = arith.constant 0 : index
    %get3A_38 = vector.load %arg6[%get3A_36, %get3A_37] : memref<1024x128xf32, #tpu.memory_space<vmem>>, vector<1024x128xf32>
    %add3A_39 = arith.addf %max3A_35, %get3A_38 : vector<1024x128xf32>
    %swap3A = arith.constant 0 : index
    %swap3A_40 = arith.constant 0 : index
    %swap3A_41 = vector.load %arg7[%swap3A, %swap3A_40] : memref<1024x128xf32, #tpu.memory_space<vmem>>, vector<1024x128xf32>
    tpu.vector_store %arg7[%swap3A, %swap3A_40], %add3A_39 {strides = array<i32>} : memref<1024x128xf32, #tpu.memory_space<vmem>>, vector<1024x128xf32>,
    return
  }
  func.func @transform_0(%arg0: i32) -> (i32, i32) {
    %c0_i32 = arith.constant 0 : i32
    %c0_i32_0 = arith.constant 0 : i32
    return %arg0, %c0_i32 : i32, i32
  }
  func.func @transform_1(%arg0: i32) -> (i32, i32, i32) {
    %c0_i32 = arith.constant 0 : i32
    %c0_i32_0 = arith.constant 0 : i32
    %c0_i32_1 = arith.constant 0 : i32
    %c0_i32_2 = arith.constant 0 : i32
    return %c0_i32, %c0_i32_0, %c0_i32_1 : i32, i32, i32
  }
  func.func @transform_2(%arg0: i32) -> (i32, i32, i32) {
    %c0_i32 = arith.constant 0 : i32
    %c0_i32_0 = arith.constant 0 : i32
    %c0_i32_1 = arith.constant 0 : i32
    %c0_i32_2 = arith.constant 0 : i32
    return %c0_i32, %c0_i32_0, %c0_i32_1 : i32, i32, i32
  }
  func.func @transform_3(%arg0: i32) -> (i32, i32) {
    %c0_i32 = arith.constant 0 : i32
    %c0_i32_0 = arith.constant 0 : i32
    %c0_i32_1 = arith.constant 0 : i32
    return %c0_i32, %c0_i32_0 : i32, i32
  }
  func.func @transform_4(%arg0: i32) -> (i32, i32) {
    %c0_i32 = arith.constant 0 : i32
    %c0_i32_0 = arith.constant 0 : i32
    %c0_i32_1 = arith.constant 0 : i32
    return %c0_i32, %c0_i32_0 : i32, i32
  }
  func.func @transform_5(%arg0: i32) -> (i32, i32) {
    %c0_i32 = arith.constant 0 : i32
    %c0_i32_0 = arith.constant 0 : i32
    return %arg0, %c0_i32 : i32, i32
  }
  func.func @transform_6(%arg0: i32) -> (i32, i32) {
    %c0_i32 = arith.constant 0 : i32
    %c0_i32_0 = arith.constant 0 : i32
    return %arg0, %c0_i32 : i32, i32
  }
}

module attributes {stable_mosaic.version = 14 : i64} {
  func.func @_k3_body(%arg0: i32, %arg1: memref<2x1024x128xf32, #tpu.memory_space<vmem>>, %arg2: memref<1024x1xf32, #tpu.memory_space<vmem>>, %arg3: memref<1024x128xf32, #tpu.memory_space<vmem>>, %arg4: memref<128x128xf32, #tpu.memory_space<vmem>>, %arg5: memref<128x128xf32, #tpu.memory_space<vmem>>, %arg6: memref<1x128xf32, #tpu.memory_space<vmem>>, %arg7: memref<1024x128xf32, #tpu.memory_space<vmem>>) attributes {dimension_semantics = [#tpu.dimension_semantics<arbitrary>], iteration_bounds = array<i64: 10>, scalar_prefetch = 0 : i64, scratch_operands = 0 : i64, tpu.core_type = #tpu.core_type<tc>, window_params = [{transform_indices = @transform_0, window_bounds = array<i64: 2, 1024, 128>}, {transform_indices = @transform_1, window_bounds = array<i64: 1024, 1>}, {transform_indices = @transform_2, window_bounds = array<i64: 1024, 128>}, {pipeline_mode = #tpu.pipeline_mode<synchronous>, transform_indices = @transform_3, window_bounds = array<i64: 128, 128>}, {pipeline_mode = #tpu.pipeline_mode<synchronous>, transform_indices = @transform_4, window_bounds = array<i64: 128, 128>}, {pipeline_mode = #tpu.pipeline_mode<synchronous>, transform_indices = @transform_5, window_bounds = array<i64: 1, 128>}, {transform_indices = @transform_6, window_bounds = array<i64: 1024, 128>}]} {
    %get3A = arith.constant 0 : index
    %get3A_0 = arith.constant 0 : index
    %get3A_1 = arith.constant 0 : index
    %get3A_2 = vector.load %arg1[%get3A, %get3A_0, %get3A_1] : memref<2x1024x128xf32, #tpu.memory_space<vmem>>, vector<1x1024x128xf32>
    %get3A_3 = vector.shape_cast %get3A_2 : vector<1x1024x128xf32> to vector<1024x128xf32>
    %get3A_4 = arith.constant 1 : index
    %get3A_5 = arith.constant 0 : index
    %get3A_6 = arith.constant 0 : index
    %get3A_7 = vector.load %arg1[%get3A_4, %get3A_5, %get3A_6] : memref<2x1024x128xf32, #tpu.memory_space<vmem>>, vector<1x1024x128xf32>
    %get3A_8 = vector.shape_cast %get3A_7 : vector<1x1024x128xf32> to vector<1024x128xf32>
    %add3A = arith.addf %get3A_3, %get3A_8 : vector<1024x128xf32>
    %get3A_9 = arith.constant 0 : index
    %get3A_10 = arith.constant 0 : index
    %get3A_11 = vector.load %arg2[%get3A_9, %get3A_10] : memref<1024x1xf32, #tpu.memory_space<vmem>>, vector<1024x1xf32>
    %mul3A = vector.broadcast %get3A_11 : vector<1024x1xf32> to vector<1024x128xf32>
    %mul3A_12 = arith.mulf %add3A, %mul3A : vector<1024x128xf32>
    %get3A_13 = arith.constant 0 : index
    %get3A_14 = arith.constant 0 : index
    %get3A_15 = vector.load %arg4[%get3A_13, %get3A_14] : memref<128x128xf32, #tpu.memory_space<vmem>>, vector<128x128xf32>
    %dot_general3A = arith.constant dense<0.000000e+00> : vector<1024x128xf32>
    %dot_general3A_16 = tpu.matmul %mul3A_12, %get3A_15, %dot_general3A {dimension_numbers = #tpu.dot_dimension_numbers<[1], [0], [0], [1], [0, 0, 1, 1], [], []>, transpose_lhs_hint = false} : vector<1024x128xf32>, vector<128x128xf32>, vector<1024x128xf32> -> vector<1024x128xf32>
    %get3A_17 = arith.constant 0 : index
    %get3A_18 = arith.constant 0 : index
    %get3A_19 = vector.load %arg3[%get3A_17, %get3A_18] : memref<1024x128xf32, #tpu.memory_space<vmem>>, vector<1024x128xf32>
    %get3A_20 = arith.constant 0 : index
    %get3A_21 = arith.constant 0 : index
    %get3A_22 = vector.load %arg5[%get3A_20, %get3A_21] : memref<128x128xf32, #tpu.memory_space<vmem>>, vector<128x128xf32>
    %dot_general3A_23 = arith.constant dense<0.000000e+00> : vector<1024x128xf32>
    %dot_general3A_24 = tpu.matmul %get3A_19, %get3A_22, %dot_general3A_23 {dimension_numbers = #tpu.dot_dimension_numbers<[1], [0], [0], [1], [0, 0, 1, 1], [], []>, transpose_lhs_hint = false} : vector<1024x128xf32>, vector<128x128xf32>, vector<1024x128xf32> -> vector<1024x128xf32>
    %add3A_25 = arith.addf %dot_general3A_16, %dot_general3A_24 : vector<1024x128xf32>
    %get3A_26 = arith.constant 0 : index
    %get3A_27 = arith.constant 0 : index
    %get3A_28 = vector.load %arg6[%get3A_26, %get3A_27] : memref<1x128xf32, #tpu.memory_space<vmem>>, vector<1x128xf32>
    %add3A_29 = vector.broadcast %get3A_28 : vector<1x128xf32> to vector<1024x128xf32>
    %add3A_30 = arith.addf %add3A_25, %add3A_29 : vector<1024x128xf32>
    %reduce_max3A = arith.constant dense<0xFF800000> : vector<1024xf32>
    %reduce_max3A_31 = vector.multi_reduction <maximumf>, %add3A_30, %reduce_max3A [1] : vector<1024x128xf32> to vector<1024xf32>
    %broadcast_in_dim3A = vector.shape_cast %reduce_max3A_31 : vector<1024xf32> to vector<1024x1xf32>
    %sub3A = vector.broadcast %broadcast_in_dim3A : vector<1024x1xf32> to vector<1024x128xf32>
    %sub3A_32 = arith.subf %add3A_30, %sub3A : vector<1024x128xf32>
    %exp3A = math.exp %sub3A_32 : vector<1024x128xf32>
    %reduce_sum3A = arith.constant dense<0.000000e+00> : vector<1024xf32>
    %reduce_sum3A_33 = vector.multi_reduction <add>, %exp3A, %reduce_sum3A [1] : vector<1024x128xf32> to vector<1024xf32>
    %broadcast_in_dim3A_34 = vector.shape_cast %reduce_sum3A_33 : vector<1024xf32> to vector<1024x1xf32>
    %log3A = math.log %broadcast_in_dim3A_34 : vector<1024x1xf32>
    %add3A_35 = arith.addf %log3A, %broadcast_in_dim3A : vector<1024x1xf32>
    %sub3A_36 = vector.broadcast %add3A_35 : vector<1024x1xf32> to vector<1024x128xf32>
    %sub3A_37 = arith.subf %add3A_30, %sub3A_36 : vector<1024x128xf32>
    %swap3A = arith.constant 0 : index
    %swap3A_38 = arith.constant 0 : index
    %swap3A_39 = vector.load %arg7[%swap3A, %swap3A_38] : memref<1024x128xf32, #tpu.memory_space<vmem>>, vector<1024x128xf32>
    tpu.vector_store %arg7[%swap3A, %swap3A_38], %sub3A_37 {strides = array<i32>} : memref<1024x128xf32, #tpu.memory_space<vmem>>, vector<1024x128xf32>,
    return
  }
  func.func @transform_0(%arg0: i32) -> (i32, i32, i32) {
    %c0_i32 = arith.constant 0 : i32
    %c0_i32_0 = arith.constant 0 : i32
    %c0_i32_1 = arith.constant 0 : i32
    return %c0_i32, %arg0, %c0_i32_0 : i32, i32, i32
  }
  func.func @transform_1(%arg0: i32) -> (i32, i32) {
    %c0_i32 = arith.constant 0 : i32
    %c0_i32_0 = arith.constant 0 : i32
    return %arg0, %c0_i32 : i32, i32
  }
  func.func @transform_2(%arg0: i32) -> (i32, i32) {
    %c0_i32 = arith.constant 0 : i32
    %c0_i32_0 = arith.constant 0 : i32
    return %arg0, %c0_i32 : i32, i32
  }
  func.func @transform_3(%arg0: i32) -> (i32, i32) {
    %c0_i32 = arith.constant 0 : i32
    %c0_i32_0 = arith.constant 0 : i32
    %c0_i32_1 = arith.constant 0 : i32
    return %c0_i32, %c0_i32_0 : i32, i32
  }
  func.func @transform_4(%arg0: i32) -> (i32, i32) {
    %c0_i32 = arith.constant 0 : i32
    %c0_i32_0 = arith.constant 0 : i32
    %c0_i32_1 = arith.constant 0 : i32
    return %c0_i32, %c0_i32_0 : i32, i32
  }
  func.func @transform_5(%arg0: i32) -> (i32, i32) {
    %c0_i32 = arith.constant 0 : i32
    %c0_i32_0 = arith.constant 0 : i32
    %c0_i32_1 = arith.constant 0 : i32
    return %c0_i32, %c0_i32_0 : i32, i32
  }
  func.func @transform_6(%arg0: i32) -> (i32, i32) {
    %c0_i32 = arith.constant 0 : i32
    %c0_i32_0 = arith.constant 0 : i32
    return %arg0, %c0_i32 : i32, i32
  }
}

</mosaic_0001>

<sc_bundles>
// kernel: kernel.10.cloned.1.call-start
scs
__scs_entry_jumppad:
0x0: {  	(pc) =	sbr.rel $0x88, $3  }
0x1: {  	(tag) =	ssettag $0x0;
	lr =	simm.s32 $0x1  }
0x2: {  	[smem:$0x3F94] =	sst lr;
	_ =	strace $0xD0000000  }
0x3: {  	_ = 	snop  }
0x4: {  	_ = 	snop  }
0x5: {  	_ = 	snop  }
0x6: {  	_ = 	snop  }
0x7: {  	_ = 	snop  }
__scs_overlays_trampoline_lowered:
0x8: {  	[smem:$0x3FA3] =	sst s0  }
0x9: {  	[smem:$0x3FA4] =	sst s1  }
0xa: {  	[smem:$0x3FA5] =	sst s2  }
0xb: {  	[smem:$0x3FA6] =	sst s3  }
0xc: {  	[smem:$0x3FA7] =	sst s4  }
0xd: {  	[smem:$0x3FA8] =	sst s5  }
0xe: {  	[smem:$0x3FA9] =	sst s6  }
0xf: {  	[smem:$0x3FAA] =	sst s7  }
0x10: {  	[smem:$0x3FAB] =	sst s8  }
0x11: {  	[smem:$0x3FAC] =	sst s9;
	s0 =	simm.s32 @!p0 $0x0  }
0x12: {  	s1 =	sld [smem:$0x3F92];
	s0 =	simm.s32 @p0 $0x1  }
0x13: {  	[smem:$0x3FAD] =	sst s0;
	s0 =	simm.s32 @!p1 $0x0  }
0x14: {  	s2 =	sld [smem:$0x3F91];
	s0 =	simm.s32 @p1 $0x1  }
0x15: {  	[smem:$0x3FAE] =	sst s0;
	s0 =	simm.s32 @!p2 $0x0  }
0x16: {  	s3 =	sld [smem:$0x3FDB];
	s0 =	simm.s32 @p2 $0x1  }
0x17: {  	s4 =	simm.s32 $0x1BF5;
	[smem:$0x3FB0] =	sst s0  }
0x18: {  	s0 =	sld [smem:$0x3F93];
	_ =	swait.ge [sflag:s4], $0x0  }
0x19: {  	s7 =	sld [smem:$0x3F94]  }
0x1a: {  	s8 =	sadd.s32 $0xFFFFE003, lr  }
0x1b: {  	s9 =	sadd.s32 $0xFFFFFEF7, lr;
	s5 =	simm.s32 $0xFFFFFFFF;
	p2 =	slt.u32 s8, $0xFFFFF086  }
0x1c: {  	p1 =	slt.u32 s9, $0xF7A;
	s5 =	simm.s32 @!p2 $0x0  }
0x1d: {  	s5 =	simm.s32 @p1 $0x1;
	p0 =	seq.s32 s7, s2  }
0x1e: {  	s7 =	smul.u32 @!p0 $0xF7A, s2;
	p2 =	seq.s32 @!p0 s5, $0x0  }
0x1f: {  	s9 =	smul.u32 $0xF7A, s1;
	s8 =	simm.s32 @!p0 $0x1BF5;
	p2 =	por !p2, p0  }
0x20: {  	[sflag:s8] =	ssyncset.s32 @!p0 $0xFFFFF086;
	s6 =	sadd.s32 @!p0 s3, s7;
	s7 =	simm.s32 @!p0 $0x108  }
0x21: {  	s3 =	sadd.s32 s3, s9;
	s6 =	sadd.s32 @!p0 $0x88, s6;
	s7 =	simm.s32 @p2 $0x1082  }
0x22: {  	[simem:s7], [sflag:s8] =	dma.local @!p0 [hbm:s6], $0xF7A  }
0x23: {  	s9 =	sor.u32 $0xD0000000, s2;
	s6 =	simm.s32 $0x108;
	_ =	swait.ge @!p0 [sflag:s8], $0x0  }
0x24: {  	s3 =	sadd.s32 $0x88, s3;
	s6 =	simm.s32 @!p1 $0x1082;
	[sflag:s4] =	ssyncset.s32 $0xFFFFF086  }
0x25: {  	[simem:s6], [sflag:s4] =	dma.local [hbm:s3], $0xF7A  }
0x26: {  	[smem:$0x3F94] =	sst s1;
	(tag) =	ssettag s2;
	_ =	strace s9  }
0x27: {  	s1 =	sld [smem:$0x3FA4]  }
0x28: {  	s2 =	sld [smem:$0x3FA5]  }
0x29: {  	s4 =	sld [smem:$0x3FA7]  }
0x2a: {  	p0 =	seq.s32 s5, $0x0;
	s5 =	sld [smem:$0x3FA8]  }
0x2b: {  	s6 =	sld [smem:$0x3FA9]  }
0x2c: {  	s7 =	sld [smem:$0x3FAA]  }
0x2d: {  	s3 =	simm.s32 $0x108;
	s8 =	sld [smem:$0x3FAB]  }
0x2e: {  	s3 =	simm.s32 @!p0 $0x1082;
	s9 =	sld [smem:$0x3FAC]  }
0x2f: {  	lr =	sadd.s32 s0, s3;
	s0 =	sld [smem:$0x3FA3]  }
0x30: {  	s3 =	sld [smem:$0x3FA6]  }
0x31: {  	[smem:$0x3FAF] =	sst s10  }
0x32: {  	s10 =	sld [smem:$0x3FAD];
	_ =	sdelay $0x3  }
0x33: {  	p0 =	seq.s32 s10, $0x1;
	s10 =	sld [smem:$0x3FAF];
	_ =	sdelay $0x3  }
0x34: {  	[smem:$0x3FAF] =	sst s10  }
0x35: {  	s10 =	sld [smem:$0x3FAE];
	_ =	sdelay $0x3  }
0x36: {  	p1 =	seq.s32 s10, $0x1;
	s10 =	sld [smem:$0x3FAF];
	_ =	sdelay $0x3  }
0x37: {  	[smem:$0x3FAF] =	sst s10  }
0x38: {  	s10 =	sld [smem:$0x3FB0]  }
0x39: {  	_ = 	snop;
	(pc) =	sbr.ind lr, $3  }
0x3a: {  	_ = 	snop  }
0x3b: {  	_ = 	snop  }
0x3c: {  	p2 =	seq.s32 s10, $0x1;
	s10 =	sld [smem:$0x3FAF]  }
0x3d: {  	_ =	shalt  }
0x3e: {  	_ =	shalt  }
0x3f: {  	_ =	shalt  }
0x40: {  	_ =	shalt  }
0x41: {  	_ =	shalt  }
0x42: {  	_ =	shalt  }
0x43: {  	_ =	shalt  }
0x44: {  	_ =	shalt  }
0x45: {  	_ =	shalt  }
0x46: {  	_ =	shalt  }
0x47: {  	_ =	shalt  }
0x48: {  	_ =	shalt  }
0x49: {  	_ =	shalt  }
0x4a: {  	_ =	shalt  }
0x4b: {  	_ =	shalt  }
0x4c: {  	_ =	shalt  }
0x4d: {  	_ =	shalt  }
0x4e: {  	_ =	shalt  }
0x4f: {  	_ =	shalt  }
0x50: {  	_ =	shalt  }
0x51: {  	_ =	shalt  }
0x52: {  	_ =	shalt  }
0x53: {  	_ =	shalt  }
0x54: {  	_ =	shalt  }
0x55: {  	_ =	shalt  }
0x56: {  	_ =	shalt  }
0x57: {  	_ =	shalt  }
0x58: {  	_ =	shalt  }
0x59: {  	_ =	shalt  }
0x5a: {  	_ =	shalt  }
0x5b: {  	_ =	shalt  }
0x5c: {  	_ =	shalt  }
0x5d: {  	_ =	shalt  }
0x5e: {  	_ =	shalt  }
0x5f: {  	_ =	shalt  }
0x60: {  	_ =	shalt  }
0x61: {  	_ =	shalt  }
0x62: {  	_ =	shalt  }
0x63: {  	_ =	shalt  }
0x64: {  	_ =	shalt  }
0x65: {  	_ =	shalt  }
0x66: {  	_ =	shalt  }
0x67: {  	_ =	shalt  }
0x68: {  	_ =	shalt  }
0x69: {  	_ =	shalt  }
0x6a: {  	_ =	shalt  }
0x6b: {  	_ =	shalt  }
0x6c: {  	_ =	shalt  }
0x6d: {  	_ =	shalt  }
0x6e: {  	_ =	shalt  }
0x6f: {  	_ =	shalt  }
0x70: {  	_ =	shalt  }
0x71: {  	_ =	shalt  }
0x72: {  	_ =	shalt  }
0x73: {  	_ =	shalt  }
0x74: {  	_ =	shalt  }
0x75: {  	_ =	shalt  }
0x76: {  	_ =	shalt  }
0x77: {  	_ =	shalt  }
0x78: {  	_ =	shalt  }
0x79: {  	_ =	shalt  }
0x7a: {  	_ =	shalt  }
0x7b: {  	_ =	shalt  }
0x7c: {  	_ =	shalt  }
0x7d: {  	_ =	shalt  }
0x7e: {  	_ =	shalt  }
0x7f: {  	_ =	shalt  }
0x80: {  	_ =	shalt  }
0x81: {  	_ =	shalt  }
0x82: {  	_ =	shalt  }
0x83: {  	_ =	shalt  }
0x84: {  	_ =	shalt  }
0x85: {  	_ =	shalt  }
0x86: {  	_ =	shalt  }
0x87: {  	_ =	shalt  }
.Lfunc_end0:
.L_simem_size_0:
called_computation_lowered:
.L_overlay_start_0:
0x88: {  	s2 =	sld [smem:$0x3FD9]  }
0x89: {  	s3 =	sld [smem:$0x3FFE];
	_ =	sdelay $0x1  }
0x8a: {  	s1 =	srdreg.scid  }
0x8b: {  	s0 =	sand.u32 $0x1, s1  }
0x8c: {  	s17 =	sshll.u32 s0, $0xA;
	s2 =	sadd.s32 s3, s2  }
0x8d: {  	s2 =	sadd.s32 s2, s17  }
0x8e: {  	[smem:$0x3FBB] =	sst s2  }
0x8f: {  	_ = 	snop  }
0x90: {  	(tm) =	ssettm $0x1  }
0x91: {  	s18 =	sld [smem:$0x3FFB];
	_ =	sdelay $0x3  }
0x92: {  	_ =	strace s18  }
0x93: {  	s2 =	sld [smem:$0x3FFC];
	_ =	sdelay $0x3  }
0x94: {  	_ =	strace s2  }
0x95: {  	s2 =	sld [smem:$0x3FFD];
	_ =	sdelay $0x3  }
0x96: {  	_ =	strace s2  }
0x97: {  	_ =	strace $0x8FFFFFFF  }
0x98: {  	s19 =	sld [smem:$0x3FDB];
	_ =	sdelay $0x1  }
0x99: {  	s20 =	simm.s32 $_scs_section_size  }
0x9a: {  	s4 =	simm.s32 $_size__tile_overlayer_lowered;
	s5 =	simm.s32 $_tile_overlayer_lowered  }
0x9b: {  	s6 =	simm.s32 $0x1BFF;
	s21 =	sshll.u32 s5, $0x1;
	s3 =	sadd.s32 s20, s19  }
0x9c: {  	s22 =	simm.s32 $0x0;
	s4 =	sshll.u32 s4, $0x1;
	s5 =	sadd.s32 s21, s3  }
0x9d: {  	[timem:s22], [sflag:s6] =	dma.local [hbm:s5], s4  }
0x9e: {  	_ =	swait.ge [sflag:s6], s4  }
0x9f: {  	s4 =	ssub.s32 $0x0, s4;
	[sflag:s6] =	ssyncset.done $0x0  }
0xa0: {  	[sflag:s6] =	ssyncadd.s32 s4;
	_ =	sdelay $0x1  }
0xa1: {  	s23 =	simm.s32 $0x1B8B  }
0xa2: {  	_ =	swait.ge [sflag:s23], $0x1  }
0xa3: {  	[sflag:s23] =	ssyncset.done $0x0  }
0xa4: {  	[sflag:s23] =	ssyncadd.s32 $0xFFFFFFFF  }
0xa5: {  	s4 =	sld [smem:$0x0]  }
0xa6: {  	s5 =	sand.u32 $0xFFFFFFFE, s1  }
0xa7: {  	p0 =	sne.s32 s1, s5  }
0xa8: {  	s5 =	sshll.u32 @p0 s5, $0xE  }
0xa9: {  	s5 =	sadd.s32 @p0 $0x11B8D, s5;
	s6 =	sshll.u32 @p0 s4, $0x11  }
0xaa: {  	s5 =	sor.u32 @p0 s6, s5  }
0xab: {  	[sflag:s5] =	ssyncadd.remote.s32 @p0 $0x1;
	_ =	sdelay $0x1  }
0xac: {  	s5 =	simm.s32 @p0 $0x1B8D  }
0xad: {  	_ =	swait.eq @p0 [sflag:s5], $0x1  }
0xae: {  	[sflag:s5] =	ssyncadd.s32 @p0 $0xFFFFFFFF  }
0xaf: {  	s6 =	sshll.u32 @!p0 s1, $0xE  }
0xb0: {  	s6 =	sor.u32 @!p0 $0x4000, s6;
	s5 =	simm.s32 @!p0 $0x1B8D  }
0xb1: {  	s4 =	sshll.u32 @!p0 s4, $0x11;
	s6 =	sadd.s32 @!p0 $0x11B8D, s6;
	_ =	swait.eq @!p0 [sflag:s5], $0x1  }
0xb2: {  	s4 =	sor.u32 @!p0 s4, s6;
	[sflag:s5] =	ssyncadd.s32 @!p0 $0xFFFFFFFF  }
0xb3: {  	s25 =	simm.s32 $0x1B8E;
	s24 =	sld [smem:$0x3FFE];
	[sflag:s4] =	ssyncadd.remote.s32 @!p0 $0x1  }
0xb4: {  	s26 =	simm.s32 $execute0_lowered;
	[smem:$0x3FD2] =	sst s25  }
0xb5: {  	s5 =	sshll.u32 s26, $0x1;
	_ =	strace $0x80000049;
	[dreg:$0x1] =	wrdreg $0xFFFFFFFF  }
0xb6: {  	s28 =	simm.s32 $_size_execute0_lowered;
	s3 =	sadd.s32 s3, s5;
	[dreg:$0x0] =	wrdreg $0x0  }
0xb7: {  	s5 =	sshll.u32 s28, $0x1;
	[dreg:$0x2] =	wrdreg s3  }
0xb8: {  	[dreg:$0x3] =	wrdreg s5  }
0xb9: {  	[dreg:$0x4] =	wrdreg $0xC0  }
0xba: {  	_ =	task [dreg:s22], $0x5FFFF  }
0xbb: {  	[dreg:$0x1] =	wrdreg $0xFFFFFFFF  }
0xbc: {  	[dreg:$0x0] =	wrdreg $0x60  }
0xbd: {  	[dreg:$0x2] =	wrdreg s24  }
0xbe: {  	[dreg:$0x3] =	wrdreg $0x48000  }
0xbf: {  	[dreg:$0x4] =	wrdreg $0x9  }
0xc0: {  	_ =	task.clear_ibuf [dreg:s22], $0x5FFFF;
	_ =	strace $0x90000049  }
0xc1: {  	s29 =	simm.s32 $0x9;
	_ =	strace $0x8000004B  }
0xc2: {  	_ =	swait.ge [sflag:s29], $0x1  }
0xc3: {  	[sflag:s29] =	ssyncadd.s32 $0xFFFFFFFF  }
0xc4: {  	_ =	strace $0x9000004B  }
0xc5: {  	_ =	sfence  }
0xc6: {  	s30 =	sld [smem:$0x0];
	_ =	sdelay $0x2  }
0xc7: {  	s31 =	sshll.u32 s1, $0xD;
	s1 =	sshrl.u32 s1, $0x2  }
0xc8: {  	s4 =	sand.u32 $0x4000, s31;
	s1 =	sadd.s32 s1, s30  }
0xc9: {  	s0 =	sor.u32 s4, s0;
	s1 =	sshll.u32 s1, $0x11  }
0xca: {  	s0 =	sor.u32 s1, s0  }
0xcb: {  	s0 =	sadd.s32 $0x8F2B, s0  }
0xcc: {  	[sflag:s0] =	ssyncadd.remote.s32 $0x1  }
0xcd: {  	_ =	sfence.sel $0xFFFF  }
0xce: {  	[dreg:$0x0] =	wrdreg $0xFFFFFFFF;
	(pc) =	sbr.abs _section_cstart, $3  }
0xcf: {  	[dreg:$0x1] =	wrdreg $0xFFFFFFFF  }
0xd0: {  	_ =	task.clear_ibuf [dreg:s22], $0x2FFFF;
	_ =	strace $0x9FFFFFFF  }
0xd1: {  	(tm) =	ssettm $0x7FFFFFFF  }
tec
execute0_lowered:
.L_overlay_start_1:
0x0: {  	(tag) =	ssettag $0x1  }
0x1: {  	s0 =	srdreg.scid;
	s1 =	rddreg [dreg:$0x0]  }
0x2: {  	s8 =	stileid.u32;
	s2 =	rddreg [dreg:$0x1];
	s3 =	simm.s32 $0x0  }
0x3: {  	s14 =	simm.s32 $0x800;
	s15 =	simm.s32 $0x2;
	s16 =	simm.s32 $0x400  }
0x4: {  	s17 =	simm.s32 $0x80;
	s18 =	simm.s32 $0x480;
	s19 =	simm.s32 $0x500  }
0x5: {  	s20 =	simm.s32 $0x580;
	s21 =	simm.s32 $0x600;
	s22 =	simm.s32 $0x100  }
0x6: {  	s23 =	simm.s32 $0x180;
	s24 =	simm.s32 $0x200;
	s28 =	simm.s32 $0x380  }
0x7: {  	s29 =	simm.s32 $0x1;
	s30 =	simm.s32 $0x0;
	s5 =	smul.u32 $0x2800, s8  }
0x8: {  	s0 =	sand.u32 $0x1, s0;
	[smem:$0x7FF] =	sst s3;
	s7 =	smul.u32 $0x14000, s8  }
0x9: {  	s25 =	sadd.s32 $0x35C00, s1;
	s26 =	sshll.u32 s8, $0x7;
	s4 =	smul.u32 $0x28000, s0  }
0xa: {  	s6 =	smul.u32 $0x140000, s0;
	_ =	strace $0x8000004A;
	s0 =	ssub.s32 $0x2, s0  }
0xb: {  	[dreg:$0x3] =	wrdreg s25;
	s25 =	simm.s32 $0x280;
	s31 =	sshrl.u32 s0, $0x1  }
0xc: {  	s4 =	sadd.s32 s5, s4;
	s5 =	sadd.s32 $0x86400, s1;
	s6 =	sadd.s32 s6, s7  }
0xd: {  	s7 =	sadd.s32 s26, s1;
	s0 =	ssub.s32 s0, s31;
	s4 =	sshrl.u32 s4, $0x3  }
0xe: {  	s26 =	simm.s32 $0x300;
	s6 =	sshrl.u32 s6, $0x3;
	s13 =	sadd.s32 s4, s1  }
0xf: {  	s1 =	sadd.s32 s6, s1;
	s6 =	sadd.s32 $0x3400, s7;
	s7 =	smax.u32 s0, $0x1  }
0x10: {  	s8 =	sadd.s32 $0x86C00, s1;
	s9 =	sadd.s32 $0x87400, s1;
	s10 =	sadd.s32 $0x87C00, s1  }
0x11: {  	s11 =	sadd.s32 $0x88400, s1;
	s12 =	sadd.s32 $0x88C00, s1;
	s13 =	sadd.s32 $0x3C00, s13  }
.LBB2_1:
0x12: {  	s0 =	rddreg [dreg:$0x3]  }
0x13: {  	[tilespmem:s14], [sflag:$0x2] =	stream.linear.gather [hbm4b:s0+s3], $0x4000, $0x38;
	[tilespmem:$0x18800] =	vst v63  }
0x14: {  	_ =	swait.ge [sflag:s15], $0x4000  }
0x15: {  	[sflag:s15] =	ssyncset.done $0x0  }
0x16: {  	[sflag:s15] =	ssyncadd.s32 $0xFFFFC000  }
0x17: {  	[tilespmem:s16], [sflag:$0x2] =	stream.linear.gather [hbm4b:s6+s3], $0x280, $0x38;
	[tilespmem:$0x18800] =	vst v63  }
0x18: {  	_ =	swait.ge [sflag:s15], $0x280  }
0x19: {  	[sflag:s15] =	ssyncset.done $0x0  }
0x1a: {  	[sflag:s15] =	ssyncadd.s32 $0xFFFFFD80  }
0x1b: {  	[spmem:s2] =	stream.indirect.scatter [tilespmem:s14], [sflag:$0x2], $0x80, s16, s17, $0xb8;
	[tilespmem:$0x18800] =	vst v63  }
0x1c: {  	_ =	swait.ge [sflag:s15], $0x4000  }
0x1d: {  	[sflag:s15] =	ssyncset.done $0x0  }
0x1e: {  	[sflag:s15] =	ssyncadd.s32 $0xFFFFC000  }
0x1f: {  	[spmem:s2] =	stream.indirect.scatter [tilespmem:s14], [sflag:$0x2], $0x80, s18, s17, $0xb8;
	[tilespmem:$0x18800] =	vst v63  }
0x20: {  	_ =	swait.ge [sflag:s15], $0x4000  }
0x21: {  	[sflag:s15] =	ssyncset.done $0x0  }
0x22: {  	[sflag:s15] =	ssyncadd.s32 $0xFFFFC000  }
0x23: {  	[spmem:s2] =	stream.indirect.scatter [tilespmem:s14], [sflag:$0x2], $0x80, s19, s17, $0xb8;
	[tilespmem:$0x18800] =	vst v63  }
0x24: {  	_ =	swait.ge [sflag:s15], $0x4000  }
0x25: {  	[sflag:s15] =	ssyncset.done $0x0  }
0x26: {  	[sflag:s15] =	ssyncadd.s32 $0xFFFFC000  }
0x27: {  	[spmem:s2] =	stream.indirect.scatter [tilespmem:s14], [sflag:$0x2], $0x80, s20, s17, $0xb8;
	[tilespmem:$0x18800] =	vst v63  }
0x28: {  	_ =	swait.ge [sflag:s15], $0x4000  }
0x29: {  	[sflag:s15] =	ssyncset.done $0x0  }
0x2a: {  	[sflag:s15] =	ssyncadd.s32 $0xFFFFC000  }
0x2b: {  	[spmem:s2] =	stream.indirect.scatter [tilespmem:s14], [sflag:$0x2], $0x80, s21, s17, $0xb8;
	[tilespmem:$0x18800] =	vst v63  }
0x2c: {  	_ =	swait.ge [sflag:s15], $0x4000  }
0x2d: {  	[sflag:s15] =	ssyncset.done $0x0  }
0x2e: {  	[sflag:s15] =	ssyncadd.s32 $0xFFFFC000  }
0x2f: {  	[tilespmem:s14], [sflag:$0x2] =	stream.linear.gather [hbm4b:s5+s3], $0x4000, $0x38;
	[tilespmem:$0x18800] =	vst v63  }
0x30: {  	_ =	swait.ge [sflag:s15], $0x4000  }
0x31: {  	[sflag:s15] =	ssyncset.done $0x0  }
0x32: {  	[sflag:s15] =	ssyncadd.s32 $0xFFFFC000  }
0x33: {  	s4 =	sadd.s32 $0x0, s13;
	[bflag:$0x0] =	sbarrier.arrive $0xFFFF  }
0x34: {  	[tilespmem:s3], [sflag:$0x2] =	stream.linear.gather [hbm4b:s4+s3], $0x400, $0x38;
	[tilespmem:$0x18800] =	vst v63  }
0x35: {  	_ =	swait.ge [sflag:s15], $0x400  }
0x36: {  	[sflag:s15] =	ssyncset.done $0x0  }
0x37: {  	[sflag:s15] =	ssyncadd.s32 $0xFFFFFC00  }
0x38: {  	[spmem:s2] =	stream.indirect.scatter.add.f32 [tilespmem:s14], [sflag:$0x2], $0x80, s3, s17, $0xb8;
	[tilespmem:$0x18800] =	vst v63  }
0x39: {  	_ =	swait.ge [sflag:s15], $0x4000  }
0x3a: {  	[sflag:s15] =	ssyncset.done $0x0  }
0x3b: {  	[sflag:s15] =	ssyncadd.s32 $0xFFFFC000  }
0x3c: {  	[spmem:s2] =	stream.indirect.scatter.add.f32 [tilespmem:s14], [sflag:$0x2], $0x80, s17, s17, $0xb8;
	[tilespmem:$0x18800] =	vst v63  }
0x3d: {  	_ =	swait.ge [sflag:s15], $0x4000  }
0x3e: {  	[sflag:s15] =	ssyncset.done $0x0  }
0x3f: {  	[sflag:s15] =	ssyncadd.s32 $0xFFFFC000  }
0x40: {  	[spmem:s2] =	stream.indirect.scatter.add.f32 [tilespmem:s14], [sflag:$0x2], $0x80, s22, s17, $0xb8;
	[tilespmem:$0x18800] =	vst v63  }
0x41: {  	_ =	swait.ge [sflag:s15], $0x4000  }
0x42: {  	[sflag:s15] =	ssyncset.done $0x0  }
0x43: {  	[sflag:s15] =	ssyncadd.s32 $0xFFFFC000  }
0x44: {  	[spmem:s2] =	stream.indirect.scatter.add.f32 [tilespmem:s14], [sflag:$0x2], $0x80, s23, s17, $0xb8;
	[tilespmem:$0x18800] =	vst v63  }
0x45: {  	_ =	swait.ge [sflag:s15], $0x4000  }
0x46: {  	[sflag:s15] =	ssyncset.done $0x0  }
0x47: {  	[sflag:s15] =	ssyncadd.s32 $0xFFFFC000  }
0x48: {  	[spmem:s2] =	stream.indirect.scatter.add.f32 [tilespmem:s14], [sflag:$0x2], $0x80, s24, s17, $0xb8;
	[tilespmem:$0x18800] =	vst v63  }
0x49: {  	_ =	swait.ge [sflag:s15], $0x4000  }
0x4a: {  	[sflag:s15] =	ssyncset.done $0x0  }
0x4b: {  	[sflag:s15] =	ssyncadd.s32 $0xFFFFC000  }
0x4c: {  	[spmem:s2] =	stream.indirect.scatter.add.f32 [tilespmem:s14], [sflag:$0x2], $0x80, s25, s17, $0xb8;
	[tilespmem:$0x18800] =	vst v63  }
0x4d: {  	_ =	swait.ge [sflag:s15], $0x4000  }
0x4e: {  	[sflag:s15] =	ssyncset.done $0x0  }
0x4f: {  	[sflag:s15] =	ssyncadd.s32 $0xFFFFC000  }
0x50: {  	[spmem:s2] =	stream.indirect.scatter.add.f32 [tilespmem:s14], [sflag:$0x2], $0x80, s26, s17, $0xb8;
	[tilespmem:$0x18800] =	vst v63  }
0x51: {  	_ =	swait.ge [sflag:s15], $0x4000  }
0x52: {  	[sflag:s15] =	ssyncset.done $0x0  }
0x53: {  	[sflag:s15] =	ssyncadd.s32 $0xFFFFC000  }
0x54: {  	[spmem:s2] =	stream.indirect.scatter.add.f32 [tilespmem:s14], [sflag:$0x2], $0x80, s28, s17, $0xb8;
	[tilespmem:$0x18800] =	vst v63  }
0x55: {  	_ =	swait.ge [sflag:s15], $0x4000  }
0x56: {  	s31 =	simm.s32 $0x80;
	s1 =	simm.s32 $0x100;
	[sflag:s15] =	ssyncset.done $0x0  }
.LBB2_2:
0x57: {  	s4 =	sadd.s32 s31, s13  }
0x58: {  	[sflag:s15] =	ssyncadd.s32 $0xFFFFC000;
	s31 =	smov.u32 s1;
	s0 =	sadd.s32 $0x80, s1  }
0x59: {  	[tilespmem:s3], [sflag:$0x2] =	stream.linear.gather [hbm4b:s4+s3], $0x400, $0x38;
	[tilespmem:$0x18800] =	vst v63  }
0x5a: {  	p0 =	sne.s32 s1, $0x480;
	_ =	swait.ge [sflag:s15], $0x400  }
0x5b: {  	[sflag:s15] =	ssyncset.done $0x0  }
0x5c: {  	[sflag:s15] =	ssyncadd.s32 $0xFFFFFC00  }
0x5d: {  	[spmem:s2] =	stream.indirect.scatter.add.f32 [tilespmem:s14], [sflag:$0x2], $0x80, s3, s17, $0xb8;
	[tilespmem:$0x18800] =	vst v63  }
0x5e: {  	_ =	swait.ge [sflag:s15], $0x4000  }
0x5f: {  	[sflag:s15] =	ssyncset.done $0x0  }
0x60: {  	[sflag:s15] =	ssyncadd.s32 $0xFFFFC000  }
0x61: {  	[spmem:s2] =	stream.indirect.scatter.add.f32 [tilespmem:s14], [sflag:$0x2], $0x80, s17, s17, $0xb8;
	[tilespmem:$0x18800] =	vst v63  }
0x62: {  	_ =	swait.ge [sflag:s15], $0x4000  }
0x63: {  	[sflag:s15] =	ssyncset.done $0x0  }
0x64: {  	[sflag:s15] =	ssyncadd.s32 $0xFFFFC000  }
0x65: {  	[spmem:s2] =	stream.indirect.scatter.add.f32 [tilespmem:s14], [sflag:$0x2], $0x80, s22, s17, $0xb8;
	[tilespmem:$0x18800] =	vst v63  }
0x66: {  	_ =	swait.ge [sflag:s15], $0x4000  }
0x67: {  	[sflag:s15] =	ssyncset.done $0x0  }
0x68: {  	[sflag:s15] =	ssyncadd.s32 $0xFFFFC000  }
0x69: {  	[spmem:s2] =	stream.indirect.scatter.add.f32 [tilespmem:s14], [sflag:$0x2], $0x80, s23, s17, $0xb8;
	[tilespmem:$0x18800] =	vst v63  }
0x6a: {  	_ =	swait.ge [sflag:s15], $0x4000  }
0x6b: {  	[sflag:s15] =	ssyncset.done $0x0  }
0x6c: {  	[sflag:s15] =	ssyncadd.s32 $0xFFFFC000  }
0x6d: {  	[spmem:s2] =	stream.indirect.scatter.add.f32 [tilespmem:s14], [sflag:$0x2], $0x80, s24, s17, $0xb8;
	[tilespmem:$0x18800] =	vst v63  }
0x6e: {  	_ =	swait.ge [sflag:s15], $0x4000  }
0x6f: {  	[sflag:s15] =	ssyncset.done $0x0  }
0x70: {  	[sflag:s15] =	ssyncadd.s32 $0xFFFFC000  }
0x71: {  	[spmem:s2] =	stream.indirect.scatter.add.f32 [tilespmem:s14], [sflag:$0x2], $0x80, s25, s17, $0xb8;
	[tilespmem:$0x18800] =	vst v63  }
0x72: {  	_ =	swait.ge [sflag:s15], $0x4000  }
0x73: {  	[sflag:s15] =	ssyncset.done $0x0  }
0x74: {  	[sflag:s15] =	ssyncadd.s32 $0xFFFFC000  }
0x75: {  	[spmem:s2] =	stream.indirect.scatter.add.f32 [tilespmem:s14], [sflag:$0x2], $0x80, s26, s17, $0xb8;
	[tilespmem:$0x18800] =	vst v63  }
0x76: {  	_ =	swait.ge [sflag:s15], $0x4000  }
.Ltmp0:
0x77: {  	[sflag:s15] =	ssyncset.done $0x0;
	(pc) =	sbr.rel @p0 .LBB2_2-.Ltmp0, $4  }
0x78: {  	[sflag:s15] =	ssyncadd.s32 $0xFFFFC000  }
0x79: {  	[spmem:s2] =	stream.indirect.scatter.add.f32 [tilespmem:s14], [sflag:$0x2], $0x80, s28, s17, $0xb8;
	[tilespmem:$0x18800] =	vst v63  }
0x7a: {  	_ =	swait.ge [sflag:s15], $0x4000  }
0x7b: {  	s1 =	smov.u32 s0;
	[sflag:s15] =	ssyncset.done $0x0  }
0x7c: {  	s0 =	sadd.s32 s31, s13;
	[sflag:s15] =	ssyncadd.s32 $0xFFFFC000  }
0x7d: {  	[tilespmem:s3], [sflag:$0x2] =	stream.linear.gather [hbm4b:s0+s3], $0x400, $0x38;
	[tilespmem:$0x18800] =	vst v63  }
0x7e: {  	_ =	swait.ge [sflag:s15], $0x400  }
0x7f: {  	[sflag:s15] =	ssyncset.done $0x0  }
0x80: {  	[sflag:s15] =	ssyncadd.s32 $0xFFFFFC00  }
0x81: {  	[spmem:s2] =	stream.indirect.scatter.add.f32 [tilespmem:s14], [sflag:$0x2], $0x80, s3, s17, $0xb8;
	[tilespmem:$0x18800] =	vst v63  }
0x82: {  	_ =	swait.ge [sflag:s15], $0x4000  }
0x83: {  	[sflag:s15] =	ssyncset.done $0x0  }
0x84: {  	[sflag:s15] =	ssyncadd.s32 $0xFFFFC000  }
0x85: {  	[spmem:s2] =	stream.indirect.scatter.add.f32 [tilespmem:s14], [sflag:$0x2], $0x80, s17, s17, $0xb8;
	[tilespmem:$0x18800] =	vst v63  }
0x86: {  	_ =	swait.ge [sflag:s15], $0x4000  }
0x87: {  	[sflag:s15] =	ssyncset.done $0x0  }
0x88: {  	[sflag:s15] =	ssyncadd.s32 $0xFFFFC000  }
0x89: {  	[spmem:s2] =	stream.indirect.scatter.add.f32 [tilespmem:s14], [sflag:$0x2], $0x80, s22, s17, $0xb8;
	[tilespmem:$0x18800] =	vst v63  }
0x8a: {  	_ =	swait.ge [sflag:s15], $0x4000  }
0x8b: {  	[sflag:s15] =	ssyncset.done $0x0  }
0x8c: {  	[sflag:s15] =	ssyncadd.s32 $0xFFFFC000  }
0x8d: {  	[spmem:s2] =	stream.indirect.scatter.add.f32 [tilespmem:s14], [sflag:$0x2], $0x80, s23, s17, $0xb8;
	[tilespmem:$0x18800] =	vst v63  }
0x8e: {  	_ =	swait.ge [sflag:s15], $0x4000  }
0x8f: {  	[sflag:s15] =	ssyncset.done $0x0  }
0x90: {  	[sflag:s15] =	ssyncadd.s32 $0xFFFFC000  }
0x91: {  	[spmem:s2] =	stream.indirect.scatter.add.f32 [tilespmem:s14], [sflag:$0x2], $0x80, s24, s17, $0xb8;
	[tilespmem:$0x18800] =	vst v63  }
0x92: {  	_ =	swait.ge [sflag:s15], $0x4000  }
0x93: {  	[sflag:s15] =	ssyncset.done $0x0  }
0x94: {  	[sflag:s15] =	ssyncadd.s32 $0xFFFFC000  }
0x95: {  	[spmem:s2] =	stream.indirect.scatter.add.f32 [tilespmem:s14], [sflag:$0x2], $0x80, s25, s17, $0xb8;
	[tilespmem:$0x18800] =	vst v63  }
0x96: {  	_ =	swait.ge [sflag:s15], $0x4000  }
0x97: {  	[sflag:s15] =	ssyncset.done $0x0  }
0x98: {  	[sflag:s15] =	ssyncadd.s32 $0xFFFFC000  }
0x99: {  	[spmem:s2] =	stream.indirect.scatter.add.f32 [tilespmem:s14], [sflag:$0x2], $0x80, s26, s17, $0xb8;
	[tilespmem:$0x18800] =	vst v63  }
0x9a: {  	_ =	swait.ge [sflag:s15], $0x4000  }
0x9b: {  	[sflag:s15] =	ssyncset.done $0x0  }
0x9c: {  	[sflag:s15] =	ssyncadd.s32 $0xFFFFC000  }
0x9d: {  	[spmem:s2] =	stream.indirect.scatter.add.f32 [tilespmem:s14], [sflag:$0x2], $0x80, s28, s17, $0xb8;
	[tilespmem:$0x18800] =	vst v63  }
0x9e: {  	_ =	swait.ge [sflag:s15], $0x4000  }
0x9f: {  	[sflag:s15] =	ssyncset.done $0x0  }
0xa0: {  	[sflag:s15] =	ssyncadd.s32 $0xFFFFC000  }
0xa1: {  	[bflag:$0x0] =	sbarrier.arrive $0xFFFF  }
0xa2: {  	[tilespmem:s14], [sflag:$0x1] =	stream.indirect.gather [spmem:s2], $0x80, s16, s17, $0xb8;
	[tilespmem:$0x18800] =	vst v63  }
0xa3: {  	_ =	swait.ge [sflag:s29], $0x4000  }
0xa4: {  	[sflag:s29] =	ssyncset.done $0x0  }
0xa5: {  	[sflag:s29] =	ssyncadd.s32 $0xFFFFC000  }
0xa6: {  	[hbm4b:s8+s3] =	stream.linear.scatter [tilespmem:s14], [sflag:$0x2], $0x4000, $0x38;
	[tilespmem:$0x18800] =	vst v63  }
0xa7: {  	_ =	swait.ge [sflag:s15], $0x4000  }
0xa8: {  	[sflag:s15] =	ssyncset.done $0x0  }
0xa9: {  	[sflag:s15] =	ssyncadd.s32 $0xFFFFC000  }
0xaa: {  	[tilespmem:s14], [sflag:$0x1] =	stream.indirect.gather [spmem:s2], $0x80, s18, s17, $0xb8;
	[tilespmem:$0x18800] =	vst v63  }
0xab: {  	_ =	swait.ge [sflag:s29], $0x4000  }
0xac: {  	[sflag:s29] =	ssyncset.done $0x0  }
0xad: {  	[sflag:s29] =	ssyncadd.s32 $0xFFFFC000  }
0xae: {  	[hbm4b:s9+s3] =	stream.linear.scatter [tilespmem:s14], [sflag:$0x2], $0x4000, $0x38;
	[tilespmem:$0x18800] =	vst v63  }
0xaf: {  	_ =	swait.ge [sflag:s15], $0x4000  }
0xb0: {  	[sflag:s15] =	ssyncset.done $0x0  }
0xb1: {  	[sflag:s15] =	ssyncadd.s32 $0xFFFFC000  }
0xb2: {  	[tilespmem:s14], [sflag:$0x1] =	stream.indirect.gather [spmem:s2], $0x80, s19, s17, $0xb8;
	[tilespmem:$0x18800] =	vst v63  }
0xb3: {  	_ =	swait.ge [sflag:s29], $0x4000  }
0xb4: {  	[sflag:s29] =	ssyncset.done $0x0  }
0xb5: {  	[sflag:s29] =	ssyncadd.s32 $0xFFFFC000  }
0xb6: {  	[hbm4b:s10+s3] =	stream.linear.scatter [tilespmem:s14], [sflag:$0x2], $0x4000, $0x38;
	[tilespmem:$0x18800] =	vst v63  }
0xb7: {  	_ =	swait.ge [sflag:s15], $0x4000  }
0xb8: {  	[sflag:s15] =	ssyncset.done $0x0  }
0xb9: {  	[sflag:s15] =	ssyncadd.s32 $0xFFFFC000  }
0xba: {  	[tilespmem:s14], [sflag:$0x1] =	stream.indirect.gather [spmem:s2], $0x80, s20, s17, $0xb8;
	[tilespmem:$0x18800] =	vst v63  }
0xbb: {  	_ =	swait.ge [sflag:s29], $0x4000  }
0xbc: {  	[sflag:s29] =	ssyncset.done $0x0  }
0xbd: {  	[sflag:s29] =	ssyncadd.s32 $0xFFFFC000  }
0xbe: {  	[hbm4b:s11+s3] =	stream.linear.scatter [tilespmem:s14], [sflag:$0x2], $0x4000, $0x38;
	[tilespmem:$0x18800] =	vst v63  }
0xbf: {  	_ =	swait.ge [sflag:s15], $0x4000  }
0xc0: {  	[sflag:s15] =	ssyncset.done $0x0  }
0xc1: {  	[sflag:s15] =	ssyncadd.s32 $0xFFFFC000  }
0xc2: {  	[tilespmem:s14], [sflag:$0x1] =	stream.indirect.gather [spmem:s2], $0x80, s21, s17, $0xb8;
	[tilespmem:$0x18800] =	vst v63  }
0xc3: {  	s30 =	sadd.s32 $0x1, s30;
	_ =	swait.ge [sflag:s29], $0x4000  }
0xc4: {  	p0 =	sne.s32 s30, s7;
	[sflag:s29] =	ssyncset.done $0x0  }
.Ltmp1:
0xc5: {  	[sflag:s29] =	ssyncadd.s32 $0xFFFFC000;
	(pc) =	sbr.rel @p0 .LBB2_1-.Ltmp1, $4  }
0xc6: {  	[hbm4b:s12+s3] =	stream.linear.scatter [tilespmem:s14], [sflag:$0x2], $0x4000, $0x38;
	[tilespmem:$0x18800] =	vst v63  }
0xc7: {  	_ =	swait.ge [sflag:s15], $0x4000  }
0xc8: {  	[sflag:s15] =	ssyncset.done $0x0  }
0xc9: {  	[sflag:s15] =	ssyncadd.s32 $0xFFFFC000  }
0xca: {  	_ =	sfence.sel $0x180000  }
0xcb: {  	[bflag:$0x0] =	sbarrier.arrive $0xFFFF  }
0xcc: {  	_ =	strace $0x9000004A  }
0xcd: {  	s0 =	stileid.u32;
	[bflag:$0x2] =	sbarrier.arrive $0xFFFF  }
0xce: {  	p0 =	sne.s32 s0, $0x0;
	s0 =	rddreg [dreg:$0x2]  }
0xcf: {  	s0 =	sadd.s32 @!p0 $0x100000, s0  }
0xd0: {  	[sflag:s0] =	ssyncadd.tile.s32 @!p0 $0x1;
	_ =	shalt  }
.Lfunc_end2:
_tile_overlayer_lowered:
.L_overlay_start_2:
0xd1: {  	(tag) =	ssettag $0x2  }
0xd2: {  	s0 =	rddreg [dreg:$0x0];
	s2 =	stileid.u32  }
0xd3: {  	s1 =	rddreg [dreg:$0x1];
	p0 =	sne.s32 s2, $0x0  }
0xd4: {  	s3 =	rddreg [dreg:$0x2];
	[bflag:$0x3] =	sbarrier.arrive $0xFFFF;
	s2 =	simm.s32 @!p0 $0x1C02  }
0xd5: {  	[timem:s3], [sflag:s2] =	dma.local @!p0 [hbm:s0], s1  }
0xd6: {  	s0 =	simm.s32 @!p0 $0x2  }
0xd7: {  	_ =	swait.ge @!p0 [sflag:s0], s1  }
0xd8: {  	s1 =	ssub.s32 @!p0 $0x0, s1;
	[sflag:s0] =	ssyncset.done @!p0 $0x0  }
0xd9: {  	[sflag:s0] =	ssyncadd.s32 @!p0 s1  }
0xda: {  	[bflag:$0x3] =	sbarrier.arrive $0xFFFF  }
0xdb: {  	_ =	shalt  }

// kernel: kernel.13.cloned.1.call-start
scs
__scs_entry_jumppad:
0x0: {  	(pc) =	sbr.rel $0x88, $3  }
0x1: {  	(tag) =	ssettag $0x0;
	lr =	simm.s32 $0x1  }
0x2: {  	[smem:$0x3F94] =	sst lr;
	_ =	strace $0xD0000000  }
0x3: {  	_ = 	snop  }
0x4: {  	_ = 	snop  }
0x5: {  	_ = 	snop  }
0x6: {  	_ = 	snop  }
0x7: {  	_ = 	snop  }
__scs_overlays_trampoline_lowered:
0x8: {  	[smem:$0x3FA3] =	sst s0  }
0x9: {  	[smem:$0x3FA4] =	sst s1  }
0xa: {  	[smem:$0x3FA5] =	sst s2  }
0xb: {  	[smem:$0x3FA6] =	sst s3  }
0xc: {  	[smem:$0x3FA7] =	sst s4  }
0xd: {  	[smem:$0x3FA8] =	sst s5  }
0xe: {  	[smem:$0x3FA9] =	sst s6  }
0xf: {  	[smem:$0x3FAA] =	sst s7  }
0x10: {  	[smem:$0x3FAB] =	sst s8  }
0x11: {  	[smem:$0x3FAC] =	sst s9;
	s0 =	simm.s32 @!p0 $0x0  }
0x12: {  	s1 =	sld [smem:$0x3F92];
	s0 =	simm.s32 @p0 $0x1  }
0x13: {  	[smem:$0x3FAD] =	sst s0;
	s0 =	simm.s32 @!p1 $0x0  }
0x14: {  	s2 =	sld [smem:$0x3F91];
	s0 =	simm.s32 @p1 $0x1  }
0x15: {  	[smem:$0x3FAE] =	sst s0;
	s0 =	simm.s32 @!p2 $0x0  }
0x16: {  	s3 =	sld [smem:$0x3FDB];
	s0 =	simm.s32 @p2 $0x1  }
0x17: {  	s4 =	simm.s32 $0x1BF5;
	[smem:$0x3FB0] =	sst s0  }
0x18: {  	s0 =	sld [smem:$0x3F93];
	_ =	swait.ge [sflag:s4], $0x0  }
0x19: {  	s7 =	sld [smem:$0x3F94]  }
0x1a: {  	s8 =	sadd.s32 $0xFFFFE003, lr  }
0x1b: {  	s9 =	sadd.s32 $0xFFFFFEF7, lr;
	s5 =	simm.s32 $0xFFFFFFFF;
	p2 =	slt.u32 s8, $0xFFFFF086  }
0x1c: {  	p1 =	slt.u32 s9, $0xF7A;
	s5 =	simm.s32 @!p2 $0x0  }
0x1d: {  	s5 =	simm.s32 @p1 $0x1;
	p0 =	seq.s32 s7, s2  }
0x1e: {  	s7 =	smul.u32 @!p0 $0xF7A, s2;
	p2 =	seq.s32 @!p0 s5, $0x0  }
0x1f: {  	s9 =	smul.u32 $0xF7A, s1;
	s8 =	simm.s32 @!p0 $0x1BF5;
	p2 =	por !p2, p0  }
0x20: {  	[sflag:s8] =	ssyncset.s32 @!p0 $0xFFFFF086;
	s6 =	sadd.s32 @!p0 s3, s7;
	s7 =	simm.s32 @!p0 $0x108  }
0x21: {  	s3 =	sadd.s32 s3, s9;
	s6 =	sadd.s32 @!p0 $0x88, s6;
	s7 =	simm.s32 @p2 $0x1082  }
0x22: {  	[simem:s7], [sflag:s8] =	dma.local @!p0 [hbm:s6], $0xF7A  }
0x23: {  	s9 =	sor.u32 $0xD0000000, s2;
	s6 =	simm.s32 $0x108;
	_ =	swait.ge @!p0 [sflag:s8], $0x0  }
0x24: {  	s3 =	sadd.s32 $0x88, s3;
	s6 =	simm.s32 @!p1 $0x1082;
	[sflag:s4] =	ssyncset.s32 $0xFFFFF086  }
0x25: {  	[simem:s6], [sflag:s4] =	dma.local [hbm:s3], $0xF7A  }
0x26: {  	[smem:$0x3F94] =	sst s1;
	(tag) =	ssettag s2;
	_ =	strace s9  }
0x27: {  	s1 =	sld [smem:$0x3FA4]  }
0x28: {  	s2 =	sld [smem:$0x3FA5]  }
0x29: {  	s4 =	sld [smem:$0x3FA7]  }
0x2a: {  	p0 =	seq.s32 s5, $0x0;
	s5 =	sld [smem:$0x3FA8]  }
0x2b: {  	s6 =	sld [smem:$0x3FA9]  }
0x2c: {  	s7 =	sld [smem:$0x3FAA]  }
0x2d: {  	s3 =	simm.s32 $0x108;
	s8 =	sld [smem:$0x3FAB]  }
0x2e: {  	s3 =	simm.s32 @!p0 $0x1082;
	s9 =	sld [smem:$0x3FAC]  }
0x2f: {  	lr =	sadd.s32 s0, s3;
	s0 =	sld [smem:$0x3FA3]  }
0x30: {  	s3 =	sld [smem:$0x3FA6]  }
0x31: {  	[smem:$0x3FAF] =	sst s10  }
0x32: {  	s10 =	sld [smem:$0x3FAD];
	_ =	sdelay $0x3  }
0x33: {  	p0 =	seq.s32 s10, $0x1;
	s10 =	sld [smem:$0x3FAF];
	_ =	sdelay $0x3  }
0x34: {  	[smem:$0x3FAF] =	sst s10  }
0x35: {  	s10 =	sld [smem:$0x3FAE];
	_ =	sdelay $0x3  }
0x36: {  	p1 =	seq.s32 s10, $0x1;
	s10 =	sld [smem:$0x3FAF];
	_ =	sdelay $0x3  }
0x37: {  	[smem:$0x3FAF] =	sst s10  }
0x38: {  	s10 =	sld [smem:$0x3FB0]  }
0x39: {  	_ = 	snop;
	(pc) =	sbr.ind lr, $3  }
0x3a: {  	_ = 	snop  }
0x3b: {  	_ = 	snop  }
0x3c: {  	p2 =	seq.s32 s10, $0x1;
	s10 =	sld [smem:$0x3FAF]  }
0x3d: {  	_ =	shalt  }
0x3e: {  	_ =	shalt  }
0x3f: {  	_ =	shalt  }
0x40: {  	_ =	shalt  }
0x41: {  	_ =	shalt  }
0x42: {  	_ =	shalt  }
0x43: {  	_ =	shalt  }
0x44: {  	_ =	shalt  }
0x45: {  	_ =	shalt  }
0x46: {  	_ =	shalt  }
0x47: {  	_ =	shalt  }
0x48: {  	_ =	shalt  }
0x49: {  	_ =	shalt  }
0x4a: {  	_ =	shalt  }
0x4b: {  	_ =	shalt  }
0x4c: {  	_ =	shalt  }
0x4d: {  	_ =	shalt  }
0x4e: {  	_ =	shalt  }
0x4f: {  	_ =	shalt  }
0x50: {  	_ =	shalt  }
0x51: {  	_ =	shalt  }
0x52: {  	_ =	shalt  }
0x53: {  	_ =	shalt  }
0x54: {  	_ =	shalt  }
0x55: {  	_ =	shalt  }
0x56: {  	_ =	shalt  }
0x57: {  	_ =	shalt  }
0x58: {  	_ =	shalt  }
0x59: {  	_ =	shalt  }
0x5a: {  	_ =	shalt  }
0x5b: {  	_ =	shalt  }
0x5c: {  	_ =	shalt  }
0x5d: {  	_ =	shalt  }
0x5e: {  	_ =	shalt  }
0x5f: {  	_ =	shalt  }
0x60: {  	_ =	shalt  }
0x61: {  	_ =	shalt  }
0x62: {  	_ =	shalt  }
0x63: {  	_ =	shalt  }
0x64: {  	_ =	shalt  }
0x65: {  	_ =	shalt  }
0x66: {  	_ =	shalt  }
0x67: {  	_ =	shalt  }
0x68: {  	_ =	shalt  }
0x69: {  	_ =	shalt  }
0x6a: {  	_ =	shalt  }
0x6b: {  	_ =	shalt  }
0x6c: {  	_ =	shalt  }
0x6d: {  	_ =	shalt  }
0x6e: {  	_ =	shalt  }
0x6f: {  	_ =	shalt  }
0x70: {  	_ =	shalt  }
0x71: {  	_ =	shalt  }
0x72: {  	_ =	shalt  }
0x73: {  	_ =	shalt  }
0x74: {  	_ =	shalt  }
0x75: {  	_ =	shalt  }
0x76: {  	_ =	shalt  }
0x77: {  	_ =	shalt  }
0x78: {  	_ =	shalt  }
0x79: {  	_ =	shalt  }
0x7a: {  	_ =	shalt  }
0x7b: {  	_ =	shalt  }
0x7c: {  	_ =	shalt  }
0x7d: {  	_ =	shalt  }
0x7e: {  	_ =	shalt  }
0x7f: {  	_ =	shalt  }
0x80: {  	_ =	shalt  }
0x81: {  	_ =	shalt  }
0x82: {  	_ =	shalt  }
0x83: {  	_ =	shalt  }
0x84: {  	_ =	shalt  }
0x85: {  	_ =	shalt  }
0x86: {  	_ =	shalt  }
0x87: {  	_ =	shalt  }
.Lfunc_end0:
.L_simem_size_0:
called_computation.1_lowered:
.L_overlay_start_0:
0x88: {  	s2 =	sld [smem:$0x3FD9]  }
0x89: {  	s3 =	sld [smem:$0x3FFE];
	_ =	sdelay $0x1  }
0x8a: {  	s1 =	srdreg.scid  }
0x8b: {  	s0 =	sand.u32 $0x1, s1  }
0x8c: {  	s17 =	sshll.u32 s0, $0xA;
	s2 =	sadd.s32 s3, s2  }
0x8d: {  	s2 =	sadd.s32 s2, s17  }
0x8e: {  	[smem:$0x3FBB] =	sst s2  }
0x8f: {  	_ = 	snop  }
0x90: {  	s2 =	sld [smem:$0x3FD0];
	(tm) =	ssettm $0x1  }
0x91: {  	s18 =	sld [smem:$0x3FFB];
	_ =	sdelay $0x3  }
0x92: {  	_ =	strace s18  }
0x93: {  	s3 =	sld [smem:$0x3FFC];
	_ =	sdelay $0x3  }
0x94: {  	_ =	strace s3  }
0x95: {  	s3 =	sld [smem:$0x3FFD];
	_ =	sdelay $0x3  }
0x96: {  	_ =	strace s3  }
0x97: {  	_ =	strace $0x8FFFFFFF  }
0x98: {  	s19 =	sld [smem:$0x3FDB];
	_ =	sdelay $0x1  }
0x99: {  	s4 =	simm.s32 $_scs_section_size  }
0x9a: {  	s5 =	simm.s32 $_size__tile_overlayer_lowered;
	s6 =	simm.s32 $_tile_overlayer_lowered  }
0x9b: {  	s22 =	simm.s32 $0x1BFF;
	s21 =	sshll.u32 s6, $0x1;
	s3 =	sadd.s32 s4, s19  }
0x9c: {  	s7 =	simm.s32 $0x0;
	s20 =	sshll.u32 s5, $0x1;
	s5 =	sadd.s32 s21, s3  }
0x9d: {  	[timem:s7], [sflag:s22] =	dma.local [hbm:s5], s20  }
0x9e: {  	_ =	swait.ge [sflag:s22], s20  }
0x9f: {  	s4 =	ssub.s32 $0x0, s20;
	[sflag:s22] =	ssyncset.done $0x0  }
0xa0: {  	[sflag:s22] =	ssyncadd.s32 s4;
	_ =	sdelay $0x1  }
0xa1: {  	s23 =	simm.s32 $0x1B8B  }
0xa2: {  	_ =	swait.ge [sflag:s23], $0x1  }
0xa3: {  	[sflag:s23] =	ssyncset.done $0x0  }
0xa4: {  	s25 =	simm.s32 $0x1B8E;
	s24 =	sld [smem:$0x3FFE];
	[sflag:s23] =	ssyncadd.s32 $0xFFFFFFFF  }
0xa5: {  	s26 =	simm.s32 $execute0_lowered;
	[smem:$0x3FD2] =	sst s25  }
0xa6: {  	s5 =	sshll.u32 s26, $0x1;
	_ =	strace $0x80000046;
	[dreg:$0x1] =	wrdreg $0xFFFFFFFF  }
0xa7: {  	s28 =	simm.s32 $_size_execute0_lowered;
	s3 =	sadd.s32 s3, s5;
	[dreg:$0x0] =	wrdreg $0x0  }
0xa8: {  	s5 =	sshll.u32 s28, $0x1;
	[dreg:$0x2] =	wrdreg s3  }
0xa9: {  	[dreg:$0x3] =	wrdreg s5  }
0xaa: {  	[dreg:$0x4] =	wrdreg $0xC0  }
0xab: {  	_ =	task [dreg:s7], $0x5FFFF  }
0xac: {  	[dreg:$0x1] =	wrdreg $0xFFFFFFFF  }
0xad: {  	[dreg:$0x0] =	wrdreg $0x60  }
0xae: {  	[dreg:$0x2] =	wrdreg s24  }
0xaf: {  	[dreg:$0x3] =	wrdreg s2  }
0xb0: {  	[dreg:$0x4] =	wrdreg $0x4C000  }
0xb1: {  	[dreg:$0x5] =	wrdreg $0xA  }
0xb2: {  	_ =	task.clear_ibuf [dreg:s7], $0x6FFFF;
	_ =	strace $0x90000046  }
0xb3: {  	s29 =	simm.s32 $0xA;
	_ =	strace $0x80000048  }
0xb4: {  	_ =	swait.ge [sflag:s29], $0x1  }
0xb5: {  	[sflag:s29] =	ssyncadd.s32 $0xFFFFFFFF  }
0xb6: {  	_ =	strace $0x90000048  }
0xb7: {  	_ =	sfence  }
0xb8: {  	s30 =	sld [smem:$0x0];
	_ =	sdelay $0x2  }
0xb9: {  	s31 =	sshll.u32 s1, $0xD;
	s1 =	sshrl.u32 s1, $0x2  }
0xba: {  	s3 =	sand.u32 $0x4000, s31;
	s1 =	sadd.s32 s1, s30  }
0xbb: {  	s0 =	sor.u32 s3, s0;
	s1 =	sshll.u32 s1, $0x11  }
0xbc: {  	s0 =	sor.u32 s1, s0  }
0xbd: {  	s0 =	sadd.s32 $0x8F2B, s0  }
0xbe: {  	[sflag:s0] =	ssyncadd.remote.s32 $0x1  }
0xbf: {  	_ =	sfence.sel $0xFFFF  }
0xc0: {  	[dreg:$0x0] =	wrdreg $0xFFFFFFFF;
	(pc) =	sbr.abs _section_cstart, $3  }
0xc1: {  	[dreg:$0x1] =	wrdreg $0xFFFFFFFF  }
0xc2: {  	_ =	task.clear_ibuf [dreg:s7], $0x2FFFF;
	_ =	strace $0x9FFFFFFF  }
0xc3: {  	(tm) =	ssettm $0x7FFFFFFF  }
tec
execute0_lowered:
.L_overlay_start_1:
0x0: {  	(tag) =	ssettag $0x1  }
0x1: {  	s0 =	rddreg [dreg:$0x0];
	s1 =	srdreg.scid  }
0x2: {  	s5 =	rddreg [dreg:$0x1];
	s10 =	stileid.u32  }
0x3: {  	s2 =	rddreg [dreg:$0x2];
	s3 =	simm.s32 $0x0;
	s15 =	simm.s32 $0xC00  }
0x4: {  	s16 =	simm.s32 $0x2;
	s17 =	simm.s32 $0x800;
	s18 =	simm.s32 $0x80  }
0x5: {  	s12 =	simm.s32 $0x880;
	s28 =	simm.s32 $0x500;
	s29 =	simm.s32 $0x180  }
0x6: {  	s30 =	simm.s32 $0x580;
	s31 =	simm.s32 $0x200;
	s6 =	smul.u32 $0x2800, s10  }
0x7: {  	s1 =	sand.u32 $0x1, s1;
	[smem:$0x7FF] =	sst s3;
	s8 =	smul.u32 $0x14000, s10  }
0x8: {  	s11 =	sadd.s32 $0x35C00, s0;
	s20 =	sshll.u32 s10, $0x7;
	s4 =	smul.u32 $0x28000, s1  }
0x9: {  	s10 =	simm.s32 $0x0;
	s19 =	smul.u32 $0x140000, s1;
	s1 =	ssub.s32 $0x2, s1  }
0xa: {  	_ =	strace $0x80000047;
	[dreg:$0x4] =	wrdreg s11;
	s21 =	sshrl.u32 s1, $0x1  }
0xb: {  	s4 =	sadd.s32 s6, s4;
	s6 =	sadd.s32 s19, s8;
	s8 =	sadd.s32 s20, s0  }
0xc: {  	s1 =	ssub.s32 s1, s21;
	s19 =	simm.s32 $0x900;
	s20 =	simm.s32 $0x980  }
0xd: {  	s7 =	sshrl.u32 s4, $0x3;
	s4 =	sadd.s32 $0xDC00, s0;
	s6 =	sshrl.u32 s6, $0x3  }
0xe: {  	s22 =	sadd.s32 $0x3400, s8;
	s1 =	smax.u32 s1, $0x1;
	s8 =	simm.s32 $0x380  }
0xf: {  	s9 =	sadd.s32 s7, s0;
	s0 =	sadd.s32 s6, s0;
	[dreg:$0x5] =	wrdreg s22  }
0x10: {  	[dreg:$0x6] =	wrdreg s1;
	s14 =	sadd.s32 s7, s5;
	s22 =	simm.s32 $0xA00  }
0x11: {  	s1 =	simm.s32 $0x600;
	s5 =	simm.s32 $0x680;
	s23 =	sadd.s32 $0x36400, s0  }
0x12: {  	s6 =	simm.s32 $0x300;
	s24 =	sadd.s32 $0x36C00, s0;
	[dreg:$0x7] =	wrdreg s23  }
0x13: {  	s7 =	simm.s32 $0x700;
	s25 =	sadd.s32 $0x37400, s0;
	[dreg:$0x8] =	wrdreg s24  }
0x14: {  	s26 =	sadd.s32 $0x37C00, s0;
	s0 =	sadd.s32 $0x38400, s0;
	[dreg:$0x9] =	wrdreg s25  }
0x15: {  	s13 =	sadd.s32 $0x3C00, s9;
	s9 =	simm.s32 $0x780;
	[dreg:$0xa] =	wrdreg s26  }
0x16: {  	[dreg:$0xb] =	wrdreg s0;
	s23 =	simm.s32 $0x400;
	s24 =	simm.s32 $0x1  }
0x17: {  	s25 =	simm.s32 $0x480;
	s26 =	simm.s32 $0x100;
	s0 =	simm.s32 $0x280  }
.LBB2_1:
0x18: {  	s11 =	rddreg [dreg:$0x4]  }
0x19: {  	[tilespmem:s15], [sflag:$0x2] =	stream.linear.gather [hbm4b:s11+s3], $0x4000, $0x38;
	[tilespmem:$0x18C00] =	vst v63  }
0x1a: {  	_ =	swait.ge [sflag:s16], $0x4000  }
0x1b: {  	[sflag:s16] =	ssyncset.done $0x0  }
0x1c: {  	s21 =	rddreg [dreg:$0x5];
	[sflag:s16] =	ssyncadd.s32 $0xFFFFC000  }
0x1d: {  	[tilespmem:s17], [sflag:$0x2] =	stream.linear.gather [hbm4b:s21+s3], $0x280, $0x38;
	[tilespmem:$0x18C00] =	vst v63  }
0x1e: {  	_ =	swait.ge [sflag:s16], $0x280  }
0x1f: {  	[sflag:s16] =	ssyncset.done $0x0  }
0x20: {  	[sflag:s16] =	ssyncadd.s32 $0xFFFFFD80  }
0x21: {  	[spmem:s2] =	stream.indirect.scatter [tilespmem:s15], [sflag:$0x2], $0x80, s17, s18, $0xb8;
	[tilespmem:$0x18C00] =	vst v63  }
0x22: {  	_ =	swait.ge [sflag:s16], $0x4000  }
0x23: {  	[sflag:s16] =	ssyncset.done $0x0  }
0x24: {  	[sflag:s16] =	ssyncadd.s32 $0xFFFFC000  }
0x25: {  	[spmem:s2] =	stream.indirect.scatter [tilespmem:s15], [sflag:$0x2], $0x80, s12, s18, $0xb8;
	[tilespmem:$0x18C00] =	vst v63  }
0x26: {  	_ =	swait.ge [sflag:s16], $0x4000  }
0x27: {  	[sflag:s16] =	ssyncset.done $0x0  }
0x28: {  	[sflag:s16] =	ssyncadd.s32 $0xFFFFC000  }
0x29: {  	[spmem:s2] =	stream.indirect.scatter [tilespmem:s15], [sflag:$0x2], $0x80, s19, s18, $0xb8;
	[tilespmem:$0x18C00] =	vst v63  }
0x2a: {  	_ =	swait.ge [sflag:s16], $0x4000  }
0x2b: {  	[sflag:s16] =	ssyncset.done $0x0  }
0x2c: {  	[sflag:s16] =	ssyncadd.s32 $0xFFFFC000  }
0x2d: {  	[spmem:s2] =	stream.indirect.scatter [tilespmem:s15], [sflag:$0x2], $0x80, s20, s18, $0xb8;
	[tilespmem:$0x18C00] =	vst v63  }
0x2e: {  	_ =	swait.ge [sflag:s16], $0x4000  }
0x2f: {  	[sflag:s16] =	ssyncset.done $0x0  }
0x30: {  	[sflag:s16] =	ssyncadd.s32 $0xFFFFC000  }
0x31: {  	[spmem:s2] =	stream.indirect.scatter [tilespmem:s15], [sflag:$0x2], $0x80, s22, s18, $0xb8;
	[tilespmem:$0x18C00] =	vst v63  }
0x32: {  	_ =	swait.ge [sflag:s16], $0x4000  }
0x33: {  	[sflag:s16] =	ssyncset.done $0x0  }
0x34: {  	[sflag:s16] =	ssyncadd.s32 $0xFFFFC000  }
0x35: {  	s20 =	sadd.s32 $0x0, s14;
	[bflag:$0x0] =	sbarrier.arrive $0xFFFF  }
0x36: {  	[tilespmem:s3], [sflag:$0x2] =	stream.linear.gather [hbm4b:s20+s3], $0x400, $0x38;
	[tilespmem:$0x18C00] =	vst v63  }
0x37: {  	_ =	swait.ge [sflag:s16], $0x400  }
0x38: {  	[sflag:s16] =	ssyncset.done $0x0  }
0x39: {  	s21 =	sadd.s32 $0x0, s13;
	[sflag:s16] =	ssyncadd.s32 $0xFFFFFC00  }
0x3a: {  	[tilespmem:s23], [sflag:$0x2] =	stream.linear.gather [hbm4b:s21+s3], $0x400, $0x38;
	[tilespmem:$0x18C00] =	vst v63  }
0x3b: {  	_ =	swait.ge [sflag:s16], $0x400  }
0x3c: {  	[sflag:s16] =	ssyncset.done $0x0  }
0x3d: {  	[sflag:s16] =	ssyncadd.s32 $0xFFFFFC00  }
0x3e: {  	[tilespmem:s15], [sflag:$0x1] =	stream.indirect.gather [hbm4b:s4+s18], $0x80, s3, s18, $0xb8;
	[tilespmem:$0x18C00] =	vst v63  }
0x3f: {  	_ =	swait.ge [sflag:s24], $0x4000  }
0x40: {  	[sflag:s24] =	ssyncset.done $0x0  }
0x41: {  	[sflag:s24] =	ssyncadd.s32 $0xFFFFC000  }
0x42: {  	[spmem:s2] =	stream.indirect.scatter.add.f32 [tilespmem:s15], [sflag:$0x2], $0x80, s23, s18, $0xb8;
	[tilespmem:$0x18C00] =	vst v63  }
0x43: {  	_ =	swait.ge [sflag:s16], $0x4000  }
0x44: {  	[sflag:s16] =	ssyncset.done $0x0  }
0x45: {  	[sflag:s16] =	ssyncadd.s32 $0xFFFFC000  }
0x46: {  	[tilespmem:s15], [sflag:$0x1] =	stream.indirect.gather [hbm4b:s4+s18], $0x80, s18, s18, $0xb8;
	[tilespmem:$0x18C00] =	vst v63  }
0x47: {  	_ =	swait.ge [sflag:s24], $0x4000  }
0x48: {  	[sflag:s24] =	ssyncset.done $0x0  }
0x49: {  	[sflag:s24] =	ssyncadd.s32 $0xFFFFC000  }
0x4a: {  	[spmem:s2] =	stream.indirect.scatter.add.f32 [tilespmem:s15], [sflag:$0x2], $0x80, s25, s18, $0xb8;
	[tilespmem:$0x18C00] =	vst v63  }
0x4b: {  	_ =	swait.ge [sflag:s16], $0x4000  }
0x4c: {  	[sflag:s16] =	ssyncset.done $0x0  }
0x4d: {  	[sflag:s16] =	ssyncadd.s32 $0xFFFFC000  }
0x4e: {  	[tilespmem:s15], [sflag:$0x1] =	stream.indirect.gather [hbm4b:s4+s18], $0x80, s26, s18, $0xb8;
	[tilespmem:$0x18C00] =	vst v63  }
0x4f: {  	_ =	swait.ge [sflag:s24], $0x4000  }
0x50: {  	[sflag:s24] =	ssyncset.done $0x0  }
0x51: {  	[sflag:s24] =	ssyncadd.s32 $0xFFFFC000  }
0x52: {  	[spmem:s2] =	stream.indirect.scatter.add.f32 [tilespmem:s15], [sflag:$0x2], $0x80, s28, s18, $0xb8;
	[tilespmem:$0x18C00] =	vst v63  }
0x53: {  	_ =	swait.ge [sflag:s16], $0x4000  }
0x54: {  	[sflag:s16] =	ssyncset.done $0x0  }
0x55: {  	[sflag:s16] =	ssyncadd.s32 $0xFFFFC000  }
0x56: {  	[tilespmem:s15], [sflag:$0x1] =	stream.indirect.gather [hbm4b:s4+s18], $0x80, s29, s18, $0xb8;
	[tilespmem:$0x18C00] =	vst v63  }
0x57: {  	_ =	swait.ge [sflag:s24], $0x4000  }
0x58: {  	[sflag:s24] =	ssyncset.done $0x0  }
0x59: {  	[sflag:s24] =	ssyncadd.s32 $0xFFFFC000  }
0x5a: {  	[spmem:s2] =	stream.indirect.scatter.add.f32 [tilespmem:s15], [sflag:$0x2], $0x80, s30, s18, $0xb8;
	[tilespmem:$0x18C00] =	vst v63  }
0x5b: {  	_ =	swait.ge [sflag:s16], $0x4000  }
0x5c: {  	[sflag:s16] =	ssyncset.done $0x0  }
0x5d: {  	[sflag:s16] =	ssyncadd.s32 $0xFFFFC000  }
0x5e: {  	[tilespmem:s15], [sflag:$0x1] =	stream.indirect.gather [hbm4b:s4+s18], $0x80, s31, s18, $0xb8;
	[tilespmem:$0x18C00] =	vst v63  }
0x5f: {  	_ =	swait.ge [sflag:s24], $0x4000  }
0x60: {  	[sflag:s24] =	ssyncset.done $0x0  }
0x61: {  	[sflag:s24] =	ssyncadd.s32 $0xFFFFC000  }
0x62: {  	[spmem:s2] =	stream.indirect.scatter.add.f32 [tilespmem:s15], [sflag:$0x2], $0x80, s1, s18, $0xb8;
	[tilespmem:$0x18C00] =	vst v63  }
0x63: {  	_ =	swait.ge [sflag:s16], $0x4000  }
0x64: {  	[sflag:s16] =	ssyncset.done $0x0  }
0x65: {  	[sflag:s16] =	ssyncadd.s32 $0xFFFFC000  }
0x66: {  	[tilespmem:s15], [sflag:$0x1] =	stream.indirect.gather [hbm4b:s4+s18], $0x80, s0, s18, $0xb8;
	[tilespmem:$0x18C00] =	vst v63  }
0x67: {  	_ =	swait.ge [sflag:s24], $0x4000  }
0x68: {  	[sflag:s24] =	ssyncset.done $0x0  }
0x69: {  	[sflag:s24] =	ssyncadd.s32 $0xFFFFC000  }
0x6a: {  	[spmem:s2] =	stream.indirect.scatter.add.f32 [tilespmem:s15], [sflag:$0x2], $0x80, s5, s18, $0xb8;
	[tilespmem:$0x18C00] =	vst v63  }
0x6b: {  	_ =	swait.ge [sflag:s16], $0x4000  }
0x6c: {  	[sflag:s16] =	ssyncset.done $0x0  }
0x6d: {  	[sflag:s16] =	ssyncadd.s32 $0xFFFFC000  }
0x6e: {  	[tilespmem:s15], [sflag:$0x1] =	stream.indirect.gather [hbm4b:s4+s18], $0x80, s6, s18, $0xb8;
	[tilespmem:$0x18C00] =	vst v63  }
0x6f: {  	_ =	swait.ge [sflag:s24], $0x4000  }
0x70: {  	[sflag:s24] =	ssyncset.done $0x0  }
0x71: {  	[sflag:s24] =	ssyncadd.s32 $0xFFFFC000  }
0x72: {  	[spmem:s2] =	stream.indirect.scatter.add.f32 [tilespmem:s15], [sflag:$0x2], $0x80, s7, s18, $0xb8;
	[tilespmem:$0x18C00] =	vst v63  }
0x73: {  	_ =	swait.ge [sflag:s16], $0x4000  }
0x74: {  	[sflag:s16] =	ssyncset.done $0x0  }
0x75: {  	[sflag:s16] =	ssyncadd.s32 $0xFFFFC000  }
0x76: {  	[tilespmem:s15], [sflag:$0x1] =	stream.indirect.gather [hbm4b:s4+s18], $0x80, s8, s18, $0xb8;
	[tilespmem:$0x18C00] =	vst v63  }
0x77: {  	_ =	swait.ge [sflag:s24], $0x4000  }
0x78: {  	[sflag:s24] =	ssyncset.done $0x0  }
0x79: {  	[sflag:s24] =	ssyncadd.s32 $0xFFFFC000  }
0x7a: {  	[spmem:s2] =	stream.indirect.scatter.add.f32 [tilespmem:s15], [sflag:$0x2], $0x80, s9, s18, $0xb8;
	[tilespmem:$0x18C00] =	vst v63  }
0x7b: {  	_ =	swait.ge [sflag:s16], $0x4000  }
0x7c: {  	s11 =	simm.s32 $0x80;
	s12 =	simm.s32 $0x100;
	[sflag:s16] =	ssyncset.done $0x0  }
.LBB2_2:
0x7d: {  	s20 =	sadd.s32 s11, s14  }
0x7e: {  	[sflag:s16] =	ssyncadd.s32 $0xFFFFC000;
	s21 =	smov.u32 s12;
	s19 =	sadd.s32 $0x80, s12  }
0x7f: {  	[tilespmem:s3], [sflag:$0x2] =	stream.linear.gather [hbm4b:s20+s3], $0x400, $0x38;
	[tilespmem:$0x18C00] =	vst v63  }
0x80: {  	p0 =	sne.s32 s12, $0x480;
	_ =	swait.ge [sflag:s16], $0x400  }
0x81: {  	[sflag:s16] =	ssyncset.done $0x0  }
0x82: {  	s12 =	sadd.s32 s11, s13;
	s11 =	smov.u32 s21;
	[sflag:s16] =	ssyncadd.s32 $0xFFFFFC00  }
0x83: {  	[tilespmem:s23], [sflag:$0x2] =	stream.linear.gather [hbm4b:s12+s3], $0x400, $0x38;
	[tilespmem:$0x18C00] =	vst v63  }
0x84: {  	_ =	swait.ge [sflag:s16], $0x400  }
0x85: {  	[sflag:s16] =	ssyncset.done $0x0  }
0x86: {  	[sflag:s16] =	ssyncadd.s32 $0xFFFFFC00  }
0x87: {  	[tilespmem:s15], [sflag:$0x1] =	stream.indirect.gather [hbm4b:s4+s18], $0x80, s3, s18, $0xb8;
	[tilespmem:$0x18C00] =	vst v63  }
0x88: {  	_ =	swait.ge [sflag:s24], $0x4000  }
0x89: {  	[sflag:s24] =	ssyncset.done $0x0  }
0x8a: {  	[sflag:s24] =	ssyncadd.s32 $0xFFFFC000  }
0x8b: {  	[spmem:s2] =	stream.indirect.scatter.add.f32 [tilespmem:s15], [sflag:$0x2], $0x80, s23, s18, $0xb8;
	[tilespmem:$0x18C00] =	vst v63  }
0x8c: {  	_ =	swait.ge [sflag:s16], $0x4000  }
0x8d: {  	[sflag:s16] =	ssyncset.done $0x0  }
0x8e: {  	[sflag:s16] =	ssyncadd.s32 $0xFFFFC000  }
0x8f: {  	[tilespmem:s15], [sflag:$0x1] =	stream.indirect.gather [hbm4b:s4+s18], $0x80, s18, s18, $0xb8;
	[tilespmem:$0x18C00] =	vst v63  }
0x90: {  	_ =	swait.ge [sflag:s24], $0x4000  }
0x91: {  	[sflag:s24] =	ssyncset.done $0x0  }
0x92: {  	[sflag:s24] =	ssyncadd.s32 $0xFFFFC000  }
0x93: {  	[spmem:s2] =	stream.indirect.scatter.add.f32 [tilespmem:s15], [sflag:$0x2], $0x80, s25, s18, $0xb8;
	[tilespmem:$0x18C00] =	vst v63  }
0x94: {  	_ =	swait.ge [sflag:s16], $0x4000  }
0x95: {  	[sflag:s16] =	ssyncset.done $0x0  }
0x96: {  	[sflag:s16] =	ssyncadd.s32 $0xFFFFC000  }
0x97: {  	[tilespmem:s15], [sflag:$0x1] =	stream.indirect.gather [hbm4b:s4+s18], $0x80, s26, s18, $0xb8;
	[tilespmem:$0x18C00] =	vst v63  }
0x98: {  	_ =	swait.ge [sflag:s24], $0x4000  }
0x99: {  	[sflag:s24] =	ssyncset.done $0x0  }
0x9a: {  	[sflag:s24] =	ssyncadd.s32 $0xFFFFC000  }
0x9b: {  	[spmem:s2] =	stream.indirect.scatter.add.f32 [tilespmem:s15], [sflag:$0x2], $0x80, s28, s18, $0xb8;
	[tilespmem:$0x18C00] =	vst v63  }
0x9c: {  	_ =	swait.ge [sflag:s16], $0x4000  }
0x9d: {  	[sflag:s16] =	ssyncset.done $0x0  }
0x9e: {  	[sflag:s16] =	ssyncadd.s32 $0xFFFFC000  }
0x9f: {  	[tilespmem:s15], [sflag:$0x1] =	stream.indirect.gather [hbm4b:s4+s18], $0x80, s29, s18, $0xb8;
	[tilespmem:$0x18C00] =	vst v63  }
0xa0: {  	_ =	swait.ge [sflag:s24], $0x4000  }
0xa1: {  	[sflag:s24] =	ssyncset.done $0x0  }
0xa2: {  	[sflag:s24] =	ssyncadd.s32 $0xFFFFC000  }
0xa3: {  	[spmem:s2] =	stream.indirect.scatter.add.f32 [tilespmem:s15], [sflag:$0x2], $0x80, s30, s18, $0xb8;
	[tilespmem:$0x18C00] =	vst v63  }
0xa4: {  	_ =	swait.ge [sflag:s16], $0x4000  }
0xa5: {  	[sflag:s16] =	ssyncset.done $0x0  }
0xa6: {  	[sflag:s16] =	ssyncadd.s32 $0xFFFFC000  }
0xa7: {  	[tilespmem:s15], [sflag:$0x1] =	stream.indirect.gather [hbm4b:s4+s18], $0x80, s31, s18, $0xb8;
	[tilespmem:$0x18C00] =	vst v63  }
0xa8: {  	_ =	swait.ge [sflag:s24], $0x4000  }
0xa9: {  	[sflag:s24] =	ssyncset.done $0x0  }
0xaa: {  	[sflag:s24] =	ssyncadd.s32 $0xFFFFC000  }
0xab: {  	[spmem:s2] =	stream.indirect.scatter.add.f32 [tilespmem:s15], [sflag:$0x2], $0x80, s1, s18, $0xb8;
	[tilespmem:$0x18C00] =	vst v63  }
0xac: {  	_ =	swait.ge [sflag:s16], $0x4000  }
0xad: {  	[sflag:s16] =	ssyncset.done $0x0  }
0xae: {  	[sflag:s16] =	ssyncadd.s32 $0xFFFFC000  }
0xaf: {  	[tilespmem:s15], [sflag:$0x1] =	stream.indirect.gather [hbm4b:s4+s18], $0x80, s0, s18, $0xb8;
	[tilespmem:$0x18C00] =	vst v63  }
0xb0: {  	_ =	swait.ge [sflag:s24], $0x4000  }
0xb1: {  	[sflag:s24] =	ssyncset.done $0x0  }
0xb2: {  	[sflag:s24] =	ssyncadd.s32 $0xFFFFC000  }
0xb3: {  	[spmem:s2] =	stream.indirect.scatter.add.f32 [tilespmem:s15], [sflag:$0x2], $0x80, s5, s18, $0xb8;
	[tilespmem:$0x18C00] =	vst v63  }
0xb4: {  	_ =	swait.ge [sflag:s16], $0x4000  }
0xb5: {  	[sflag:s16] =	ssyncset.done $0x0  }
0xb6: {  	[sflag:s16] =	ssyncadd.s32 $0xFFFFC000  }
0xb7: {  	[tilespmem:s15], [sflag:$0x1] =	stream.indirect.gather [hbm4b:s4+s18], $0x80, s6, s18, $0xb8;
	[tilespmem:$0x18C00] =	vst v63  }
0xb8: {  	_ =	swait.ge [sflag:s24], $0x4000  }
0xb9: {  	[sflag:s24] =	ssyncset.done $0x0  }
0xba: {  	[sflag:s24] =	ssyncadd.s32 $0xFFFFC000  }
0xbb: {  	[spmem:s2] =	stream.indirect.scatter.add.f32 [tilespmem:s15], [sflag:$0x2], $0x80, s7, s18, $0xb8;
	[tilespmem:$0x18C00] =	vst v63  }
0xbc: {  	_ =	swait.ge [sflag:s16], $0x4000  }
0xbd: {  	[sflag:s16] =	ssyncset.done $0x0  }
0xbe: {  	[sflag:s16] =	ssyncadd.s32 $0xFFFFC000  }
0xbf: {  	[tilespmem:s15], [sflag:$0x1] =	stream.indirect.gather [hbm4b:s4+s18], $0x80, s8, s18, $0xb8;
	[tilespmem:$0x18C00] =	vst v63  }
0xc0: {  	_ =	swait.ge [sflag:s24], $0x4000  }
.Ltmp0:
0xc1: {  	[sflag:s24] =	ssyncset.done $0x0;
	(pc) =	sbr.rel @p0 .LBB2_2-.Ltmp0, $4  }
0xc2: {  	[sflag:s24] =	ssyncadd.s32 $0xFFFFC000  }
0xc3: {  	[spmem:s2] =	stream.indirect.scatter.add.f32 [tilespmem:s15], [sflag:$0x2], $0x80, s9, s18, $0xb8;
	[tilespmem:$0x18C00] =	vst v63  }
0xc4: {  	_ =	swait.ge [sflag:s16], $0x4000  }
0xc5: {  	s12 =	smov.u32 s19;
	[sflag:s16] =	ssyncset.done $0x0  }
0xc6: {  	s12 =	sadd.s32 s11, s14;
	[sflag:s16] =	ssyncadd.s32 $0xFFFFC000  }
0xc7: {  	[tilespmem:s3], [sflag:$0x2] =	stream.linear.gather [hbm4b:s12+s3], $0x400, $0x38;
	[tilespmem:$0x18C00] =	vst v63  }
0xc8: {  	_ =	swait.ge [sflag:s16], $0x400  }
0xc9: {  	[sflag:s16] =	ssyncset.done $0x0  }
0xca: {  	s21 =	sadd.s32 s11, s13;
	[sflag:s16] =	ssyncadd.s32 $0xFFFFFC00  }
0xcb: {  	[tilespmem:s23], [sflag:$0x2] =	stream.linear.gather [hbm4b:s21+s3], $0x400, $0x38;
	[tilespmem:$0x18C00] =	vst v63  }
0xcc: {  	_ =	swait.ge [sflag:s16], $0x400  }
0xcd: {  	[sflag:s16] =	ssyncset.done $0x0  }
0xce: {  	[sflag:s16] =	ssyncadd.s32 $0xFFFFFC00  }
0xcf: {  	[tilespmem:s15], [sflag:$0x1] =	stream.indirect.gather [hbm4b:s4+s18], $0x80, s3, s18, $0xb8;
	[tilespmem:$0x18C00] =	vst v63  }
0xd0: {  	_ =	swait.ge [sflag:s24], $0x4000  }
0xd1: {  	[sflag:s24] =	ssyncset.done $0x0  }
0xd2: {  	[sflag:s24] =	ssyncadd.s32 $0xFFFFC000  }
0xd3: {  	[spmem:s2] =	stream.indirect.scatter.add.f32 [tilespmem:s15], [sflag:$0x2], $0x80, s23, s18, $0xb8;
	[tilespmem:$0x18C00] =	vst v63  }
0xd4: {  	_ =	swait.ge [sflag:s16], $0x4000  }
0xd5: {  	[sflag:s16] =	ssyncset.done $0x0  }
0xd6: {  	[sflag:s16] =	ssyncadd.s32 $0xFFFFC000  }
0xd7: {  	[tilespmem:s15], [sflag:$0x1] =	stream.indirect.gather [hbm4b:s4+s18], $0x80, s18, s18, $0xb8;
	[tilespmem:$0x18C00] =	vst v63  }
0xd8: {  	_ =	swait.ge [sflag:s24], $0x4000  }
0xd9: {  	[sflag:s24] =	ssyncset.done $0x0  }
0xda: {  	[sflag:s24] =	ssyncadd.s32 $0xFFFFC000  }
0xdb: {  	[spmem:s2] =	stream.indirect.scatter.add.f32 [tilespmem:s15], [sflag:$0x2], $0x80, s25, s18, $0xb8;
	[tilespmem:$0x18C00] =	vst v63  }
0xdc: {  	_ =	swait.ge [sflag:s16], $0x4000  }
0xdd: {  	[sflag:s16] =	ssyncset.done $0x0  }
0xde: {  	[sflag:s16] =	ssyncadd.s32 $0xFFFFC000  }
0xdf: {  	[tilespmem:s15], [sflag:$0x1] =	stream.indirect.gather [hbm4b:s4+s18], $0x80, s26, s18, $0xb8;
	[tilespmem:$0x18C00] =	vst v63  }
0xe0: {  	_ =	swait.ge [sflag:s24], $0x4000  }
0xe1: {  	[sflag:s24] =	ssyncset.done $0x0  }
0xe2: {  	[sflag:s24] =	ssyncadd.s32 $0xFFFFC000  }
0xe3: {  	[spmem:s2] =	stream.indirect.scatter.add.f32 [tilespmem:s15], [sflag:$0x2], $0x80, s28, s18, $0xb8;
	[tilespmem:$0x18C00] =	vst v63  }
0xe4: {  	_ =	swait.ge [sflag:s16], $0x4000  }
0xe5: {  	[sflag:s16] =	ssyncset.done $0x0  }
0xe6: {  	[sflag:s16] =	ssyncadd.s32 $0xFFFFC000  }
0xe7: {  	[tilespmem:s15], [sflag:$0x1] =	stream.indirect.gather [hbm4b:s4+s18], $0x80, s29, s18, $0xb8;
	[tilespmem:$0x18C00] =	vst v63  }
0xe8: {  	_ =	swait.ge [sflag:s24], $0x4000  }
0xe9: {  	[sflag:s24] =	ssyncset.done $0x0  }
0xea: {  	[sflag:s24] =	ssyncadd.s32 $0xFFFFC000  }
0xeb: {  	[spmem:s2] =	stream.indirect.scatter.add.f32 [tilespmem:s15], [sflag:$0x2], $0x80, s30, s18, $0xb8;
	[tilespmem:$0x18C00] =	vst v63  }
0xec: {  	_ =	swait.ge [sflag:s16], $0x4000  }
0xed: {  	[sflag:s16] =	ssyncset.done $0x0  }
0xee: {  	[sflag:s16] =	ssyncadd.s32 $0xFFFFC000  }
0xef: {  	[tilespmem:s15], [sflag:$0x1] =	stream.indirect.gather [hbm4b:s4+s18], $0x80, s31, s18, $0xb8;
	[tilespmem:$0x18C00] =	vst v63  }
0xf0: {  	_ =	swait.ge [sflag:s24], $0x4000  }
0xf1: {  	[sflag:s24] =	ssyncset.done $0x0  }
0xf2: {  	[sflag:s24] =	ssyncadd.s32 $0xFFFFC000  }
0xf3: {  	[spmem:s2] =	stream.indirect.scatter.add.f32 [tilespmem:s15], [sflag:$0x2], $0x80, s1, s18, $0xb8;
	[tilespmem:$0x18C00] =	vst v63  }
0xf4: {  	_ =	swait.ge [sflag:s16], $0x4000  }
0xf5: {  	[sflag:s16] =	ssyncset.done $0x0  }
0xf6: {  	[sflag:s16] =	ssyncadd.s32 $0xFFFFC000  }
0xf7: {  	[tilespmem:s15], [sflag:$0x1] =	stream.indirect.gather [hbm4b:s4+s18], $0x80, s0, s18, $0xb8;
	[tilespmem:$0x18C00] =	vst v63  }
0xf8: {  	_ =	swait.ge [sflag:s24], $0x4000  }
0xf9: {  	[sflag:s24] =	ssyncset.done $0x0  }
0xfa: {  	[sflag:s24] =	ssyncadd.s32 $0xFFFFC000  }
0xfb: {  	[spmem:s2] =	stream.indirect.scatter.add.f32 [tilespmem:s15], [sflag:$0x2], $0x80, s5, s18, $0xb8;
	[tilespmem:$0x18C00] =	vst v63  }
0xfc: {  	_ =	swait.ge [sflag:s16], $0x4000  }
0xfd: {  	[sflag:s16] =	ssyncset.done $0x0  }
0xfe: {  	[sflag:s16] =	ssyncadd.s32 $0xFFFFC000  }
0xff: {  	[tilespmem:s15], [sflag:$0x1] =	stream.indirect.gather [hbm4b:s4+s18], $0x80, s6, s18, $0xb8;
	[tilespmem:$0x18C00] =	vst v63  }
0x100: {  	_ =	swait.ge [sflag:s24], $0x4000  }
0x101: {  	[sflag:s24] =	ssyncset.done $0x0  }
0x102: {  	[sflag:s24] =	ssyncadd.s32 $0xFFFFC000  }
0x103: {  	[spmem:s2] =	stream.indirect.scatter.add.f32 [tilespmem:s15], [sflag:$0x2], $0x80, s7, s18, $0xb8;
	[tilespmem:$0x18C00] =	vst v63  }
0x104: {  	_ =	swait.ge [sflag:s16], $0x4000  }
0x105: {  	[sflag:s16] =	ssyncset.done $0x0  }
0x106: {  	[sflag:s16] =	ssyncadd.s32 $0xFFFFC000  }
0x107: {  	[tilespmem:s15], [sflag:$0x1] =	stream.indirect.gather [hbm4b:s4+s18], $0x80, s8, s18, $0xb8;
	[tilespmem:$0x18C00] =	vst v63  }
0x108: {  	_ =	swait.ge [sflag:s24], $0x4000  }
0x109: {  	[sflag:s24] =	ssyncset.done $0x0  }
0x10a: {  	[sflag:s24] =	ssyncadd.s32 $0xFFFFC000  }
0x10b: {  	[spmem:s2] =	stream.indirect.scatter.add.f32 [tilespmem:s15], [sflag:$0x2], $0x80, s9, s18, $0xb8;
	[tilespmem:$0x18C00] =	vst v63  }
0x10c: {  	_ =	swait.ge [sflag:s16], $0x4000  }
0x10d: {  	[sflag:s16] =	ssyncset.done $0x0  }
0x10e: {  	[sflag:s16] =	ssyncadd.s32 $0xFFFFC000  }
0x10f: {  	[bflag:$0x0] =	sbarrier.arrive $0xFFFF  }
0x110: {  	[tilespmem:s15], [sflag:$0x1] =	stream.indirect.gather [spmem:s2], $0x80, s17, s18, $0xb8;
	[tilespmem:$0x18C00] =	vst v63  }
0x111: {  	_ =	swait.ge [sflag:s24], $0x4000  }
0x112: {  	[sflag:s24] =	ssyncset.done $0x0  }
0x113: {  	s12 =	rddreg [dreg:$0x7];
	[sflag:s24] =	ssyncadd.s32 $0xFFFFC000  }
0x114: {  	[hbm4b:s12+s3] =	stream.linear.scatter [tilespmem:s15], [sflag:$0x2], $0x4000, $0x38;
	[tilespmem:$0x18C00] =	vst v63  }
0x115: {  	_ =	swait.ge [sflag:s16], $0x4000  }
0x116: {  	[sflag:s16] =	ssyncset.done $0x0  }
0x117: {  	s12 =	simm.s32 $0x880;
	[sflag:s16] =	ssyncadd.s32 $0xFFFFC000  }
0x118: {  	[tilespmem:s15], [sflag:$0x1] =	stream.indirect.gather [spmem:s2], $0x80, s12, s18, $0xb8;
	[tilespmem:$0x18C00] =	vst v63  }
0x119: {  	_ =	swait.ge [sflag:s24], $0x4000  }
0x11a: {  	[sflag:s24] =	ssyncset.done $0x0  }
0x11b: {  	s19 =	rddreg [dreg:$0x8];
	[sflag:s24] =	ssyncadd.s32 $0xFFFFC000  }
0x11c: {  	[hbm4b:s19+s3] =	stream.linear.scatter [tilespmem:s15], [sflag:$0x2], $0x4000, $0x38;
	[tilespmem:$0x18C00] =	vst v63  }
0x11d: {  	_ =	swait.ge [sflag:s16], $0x4000  }
0x11e: {  	[sflag:s16] =	ssyncset.done $0x0  }
0x11f: {  	s19 =	simm.s32 $0x900;
	[sflag:s16] =	ssyncadd.s32 $0xFFFFC000  }
0x120: {  	[tilespmem:s15], [sflag:$0x1] =	stream.indirect.gather [spmem:s2], $0x80, s19, s18, $0xb8;
	[tilespmem:$0x18C00] =	vst v63  }
0x121: {  	_ =	swait.ge [sflag:s24], $0x4000  }
0x122: {  	[sflag:s24] =	ssyncset.done $0x0  }
0x123: {  	s20 =	rddreg [dreg:$0x9];
	[sflag:s24] =	ssyncadd.s32 $0xFFFFC000  }
0x124: {  	[hbm4b:s20+s3] =	stream.linear.scatter [tilespmem:s15], [sflag:$0x2], $0x4000, $0x38;
	[tilespmem:$0x18C00] =	vst v63  }
0x125: {  	_ =	swait.ge [sflag:s16], $0x4000  }
0x126: {  	[sflag:s16] =	ssyncset.done $0x0  }
0x127: {  	s20 =	simm.s32 $0x980;
	[sflag:s16] =	ssyncadd.s32 $0xFFFFC000  }
0x128: {  	[tilespmem:s15], [sflag:$0x1] =	stream.indirect.gather [spmem:s2], $0x80, s20, s18, $0xb8;
	[tilespmem:$0x18C00] =	vst v63  }
0x129: {  	_ =	swait.ge [sflag:s24], $0x4000  }
0x12a: {  	[sflag:s24] =	ssyncset.done $0x0  }
0x12b: {  	s21 =	rddreg [dreg:$0xa];
	[sflag:s24] =	ssyncadd.s32 $0xFFFFC000  }
0x12c: {  	[hbm4b:s21+s3] =	stream.linear.scatter [tilespmem:s15], [sflag:$0x2], $0x4000, $0x38;
	[tilespmem:$0x18C00] =	vst v63  }
0x12d: {  	_ =	swait.ge [sflag:s16], $0x4000  }
0x12e: {  	[sflag:s16] =	ssyncset.done $0x0  }
0x12f: {  	[sflag:s16] =	ssyncadd.s32 $0xFFFFC000  }
0x130: {  	[tilespmem:s15], [sflag:$0x1] =	stream.indirect.gather [spmem:s2], $0x80, s22, s18, $0xb8;
	[tilespmem:$0x18C00] =	vst v63  }
0x131: {  	_ =	swait.ge [sflag:s24], $0x4000  }
0x132: {  	[sflag:s24] =	ssyncset.done $0x0  }
0x133: {  	s21 =	rddreg [dreg:$0xb];
	[sflag:s24] =	ssyncadd.s32 $0xFFFFC000  }
0x134: {  	[hbm4b:s21+s3] =	stream.linear.scatter [tilespmem:s15], [sflag:$0x2], $0x4000, $0x38;
	[tilespmem:$0x18C00] =	vst v63  }
0x135: {  	_ =	swait.ge [sflag:s16], $0x4000  }
0x136: {  	s10 =	sadd.s32 $0x1, s10;
	s21 =	rddreg [dreg:$0x6]  }
0x137: {  	p0 =	sne.s32 s10, s21  }
.Ltmp1:
0x138: {  	_ = 	snop;
	(pc) =	sbr.rel @p0 .LBB2_1-.Ltmp1, $3  }
0x139: {  	_ =	sdelay $0x1  }
0x13a: {  	[sflag:s16] =	ssyncset.done $0x0  }
0x13b: {  	[sflag:s16] =	ssyncadd.s32 $0xFFFFC000  }
0x13c: {  	_ =	sfence.sel $0x180000  }
0x13d: {  	[bflag:$0x0] =	sbarrier.arrive $0xFFFF  }
0x13e: {  	_ =	strace $0x90000047  }
0x13f: {  	s0 =	stileid.u32;
	[bflag:$0x2] =	sbarrier.arrive $0xFFFF  }
0x140: {  	p0 =	sne.s32 s0, $0x0;
	s0 =	rddreg [dreg:$0x3]  }
0x141: {  	s0 =	sadd.s32 @!p0 $0x100000, s0  }
0x142: {  	[sflag:s0] =	ssyncadd.tile.s32 @!p0 $0x1;
	_ =	shalt  }
.Lfunc_end2:
_tile_overlayer_lowered:
.L_overlay_start_2:
0x143: {  	(tag) =	ssettag $0x2  }
0x144: {  	s0 =	rddreg [dreg:$0x0];
	s2 =	stileid.u32  }
0x145: {  	s1 =	rddreg [dreg:$0x1];
	p0 =	sne.s32 s2, $0x0  }
0x146: {  	s3 =	rddreg [dreg:$0x2];
	[bflag:$0x3] =	sbarrier.arrive $0xFFFF;
	s2 =	simm.s32 @!p0 $0x1C02  }
0x147: {  	[timem:s3], [sflag:s2] =	dma.local @!p0 [hbm:s0], s1  }
0x148: {  	s0 =	simm.s32 @!p0 $0x2  }
0x149: {  	_ =	swait.ge @!p0 [sflag:s0], s1  }
0x14a: {  	s1 =	ssub.s32 @!p0 $0x0, s1;
	[sflag:s0] =	ssyncset.done @!p0 $0x0  }
0x14b: {  	[sflag:s0] =	ssyncadd.s32 @!p0 s1  }
0x14c: {  	[bflag:$0x3] =	sbarrier.arrive $0xFFFF  }
0x14d: {  	_ =	shalt  }

// kernel: kernel.16.cloned.1.call-start
scs
__scs_entry_jumppad:
0x0: {  	(pc) =	sbr.rel $0x88, $3  }
0x1: {  	(tag) =	ssettag $0x0;
	lr =	simm.s32 $0x1  }
0x2: {  	[smem:$0x3F94] =	sst lr;
	_ =	strace $0xD0000000  }
0x3: {  	_ = 	snop  }
0x4: {  	_ = 	snop  }
0x5: {  	_ = 	snop  }
0x6: {  	_ = 	snop  }
0x7: {  	_ = 	snop  }
__scs_overlays_trampoline_lowered:
0x8: {  	[smem:$0x3FA3] =	sst s0  }
0x9: {  	[smem:$0x3FA4] =	sst s1  }
0xa: {  	[smem:$0x3FA5] =	sst s2  }
0xb: {  	[smem:$0x3FA6] =	sst s3  }
0xc: {  	[smem:$0x3FA7] =	sst s4  }
0xd: {  	[smem:$0x3FA8] =	sst s5  }
0xe: {  	[smem:$0x3FA9] =	sst s6  }
0xf: {  	[smem:$0x3FAA] =	sst s7  }
0x10: {  	[smem:$0x3FAB] =	sst s8  }
0x11: {  	[smem:$0x3FAC] =	sst s9;
	s0 =	simm.s32 @!p0 $0x0  }
0x12: {  	s1 =	sld [smem:$0x3F92];
	s0 =	simm.s32 @p0 $0x1  }
0x13: {  	[smem:$0x3FAD] =	sst s0;
	s0 =	simm.s32 @!p1 $0x0  }
0x14: {  	s2 =	sld [smem:$0x3F91];
	s0 =	simm.s32 @p1 $0x1  }
0x15: {  	[smem:$0x3FAE] =	sst s0;
	s0 =	simm.s32 @!p2 $0x0  }
0x16: {  	s3 =	sld [smem:$0x3FDB];
	s0 =	simm.s32 @p2 $0x1  }
0x17: {  	s4 =	simm.s32 $0x1BF5;
	[smem:$0x3FB0] =	sst s0  }
0x18: {  	s0 =	sld [smem:$0x3F93];
	_ =	swait.ge [sflag:s4], $0x0  }
0x19: {  	s7 =	sld [smem:$0x3F94]  }
0x1a: {  	s8 =	sadd.s32 $0xFFFFE003, lr  }
0x1b: {  	s9 =	sadd.s32 $0xFFFFFEF7, lr;
	s5 =	simm.s32 $0xFFFFFFFF;
	p2 =	slt.u32 s8, $0xFFFFF086  }
0x1c: {  	p1 =	slt.u32 s9, $0xF7A;
	s5 =	simm.s32 @!p2 $0x0  }
0x1d: {  	s5 =	simm.s32 @p1 $0x1;
	p0 =	seq.s32 s7, s2  }
0x1e: {  	s7 =	smul.u32 @!p0 $0xF7A, s2;
	p2 =	seq.s32 @!p0 s5, $0x0  }
0x1f: {  	s9 =	smul.u32 $0xF7A, s1;
	s8 =	simm.s32 @!p0 $0x1BF5;
	p2 =	por !p2, p0  }
0x20: {  	[sflag:s8] =	ssyncset.s32 @!p0 $0xFFFFF086;
	s6 =	sadd.s32 @!p0 s3, s7;
	s7 =	simm.s32 @!p0 $0x108  }
0x21: {  	s3 =	sadd.s32 s3, s9;
	s6 =	sadd.s32 @!p0 $0x88, s6;
	s7 =	simm.s32 @p2 $0x1082  }
0x22: {  	[simem:s7], [sflag:s8] =	dma.local @!p0 [hbm:s6], $0xF7A  }
0x23: {  	s9 =	sor.u32 $0xD0000000, s2;
	s6 =	simm.s32 $0x108;
	_ =	swait.ge @!p0 [sflag:s8], $0x0  }
0x24: {  	s3 =	sadd.s32 $0x88, s3;
	s6 =	simm.s32 @!p1 $0x1082;
	[sflag:s4] =	ssyncset.s32 $0xFFFFF086  }
0x25: {  	[simem:s6], [sflag:s4] =	dma.local [hbm:s3], $0xF7A  }
0x26: {  	[smem:$0x3F94] =	sst s1;
	(tag) =	ssettag s2;
	_ =	strace s9  }
0x27: {  	s1 =	sld [smem:$0x3FA4]  }
0x28: {  	s2 =	sld [smem:$0x3FA5]  }
0x29: {  	s4 =	sld [smem:$0x3FA7]  }
0x2a: {  	p0 =	seq.s32 s5, $0x0;
	s5 =	sld [smem:$0x3FA8]  }
0x2b: {  	s6 =	sld [smem:$0x3FA9]  }
0x2c: {  	s7 =	sld [smem:$0x3FAA]  }
0x2d: {  	s3 =	simm.s32 $0x108;
	s8 =	sld [smem:$0x3FAB]  }
0x2e: {  	s3 =	simm.s32 @!p0 $0x1082;
	s9 =	sld [smem:$0x3FAC]  }
0x2f: {  	lr =	sadd.s32 s0, s3;
	s0 =	sld [smem:$0x3FA3]  }
0x30: {  	s3 =	sld [smem:$0x3FA6]  }
0x31: {  	[smem:$0x3FAF] =	sst s10  }
0x32: {  	s10 =	sld [smem:$0x3FAD];
	_ =	sdelay $0x3  }
0x33: {  	p0 =	seq.s32 s10, $0x1;
	s10 =	sld [smem:$0x3FAF];
	_ =	sdelay $0x3  }
0x34: {  	[smem:$0x3FAF] =	sst s10  }
0x35: {  	s10 =	sld [smem:$0x3FAE];
	_ =	sdelay $0x3  }
0x36: {  	p1 =	seq.s32 s10, $0x1;
	s10 =	sld [smem:$0x3FAF];
	_ =	sdelay $0x3  }
0x37: {  	[smem:$0x3FAF] =	sst s10  }
0x38: {  	s10 =	sld [smem:$0x3FB0]  }
0x39: {  	_ = 	snop;
	(pc) =	sbr.ind lr, $3  }
0x3a: {  	_ = 	snop  }
0x3b: {  	_ = 	snop  }
0x3c: {  	p2 =	seq.s32 s10, $0x1;
	s10 =	sld [smem:$0x3FAF]  }
0x3d: {  	_ =	shalt  }
0x3e: {  	_ =	shalt  }
0x3f: {  	_ =	shalt  }
0x40: {  	_ =	shalt  }
0x41: {  	_ =	shalt  }
0x42: {  	_ =	shalt  }
0x43: {  	_ =	shalt  }
0x44: {  	_ =	shalt  }
0x45: {  	_ =	shalt  }
0x46: {  	_ =	shalt  }
0x47: {  	_ =	shalt  }
0x48: {  	_ =	shalt  }
0x49: {  	_ =	shalt  }
0x4a: {  	_ =	shalt  }
0x4b: {  	_ =	shalt  }
0x4c: {  	_ =	shalt  }
0x4d: {  	_ =	shalt  }
0x4e: {  	_ =	shalt  }
0x4f: {  	_ =	shalt  }
0x50: {  	_ =	shalt  }
0x51: {  	_ =	shalt  }
0x52: {  	_ =	shalt  }
0x53: {  	_ =	shalt  }
0x54: {  	_ =	shalt  }
0x55: {  	_ =	shalt  }
0x56: {  	_ =	shalt  }
0x57: {  	_ =	shalt  }
0x58: {  	_ =	shalt  }
0x59: {  	_ =	shalt  }
0x5a: {  	_ =	shalt  }
0x5b: {  	_ =	shalt  }
0x5c: {  	_ =	shalt  }
0x5d: {  	_ =	shalt  }
0x5e: {  	_ =	shalt  }
0x5f: {  	_ =	shalt  }
0x60: {  	_ =	shalt  }
0x61: {  	_ =	shalt  }
0x62: {  	_ =	shalt  }
0x63: {  	_ =	shalt  }
0x64: {  	_ =	shalt  }
0x65: {  	_ =	shalt  }
0x66: {  	_ =	shalt  }
0x67: {  	_ =	shalt  }
0x68: {  	_ =	shalt  }
0x69: {  	_ =	shalt  }
0x6a: {  	_ =	shalt  }
0x6b: {  	_ =	shalt  }
0x6c: {  	_ =	shalt  }
0x6d: {  	_ =	shalt  }
0x6e: {  	_ =	shalt  }
0x6f: {  	_ =	shalt  }
0x70: {  	_ =	shalt  }
0x71: {  	_ =	shalt  }
0x72: {  	_ =	shalt  }
0x73: {  	_ =	shalt  }
0x74: {  	_ =	shalt  }
0x75: {  	_ =	shalt  }
0x76: {  	_ =	shalt  }
0x77: {  	_ =	shalt  }
0x78: {  	_ =	shalt  }
0x79: {  	_ =	shalt  }
0x7a: {  	_ =	shalt  }
0x7b: {  	_ =	shalt  }
0x7c: {  	_ =	shalt  }
0x7d: {  	_ =	shalt  }
0x7e: {  	_ =	shalt  }
0x7f: {  	_ =	shalt  }
0x80: {  	_ =	shalt  }
0x81: {  	_ =	shalt  }
0x82: {  	_ =	shalt  }
0x83: {  	_ =	shalt  }
0x84: {  	_ =	shalt  }
0x85: {  	_ =	shalt  }
0x86: {  	_ =	shalt  }
0x87: {  	_ =	shalt  }
.Lfunc_end0:
.L_simem_size_0:
called_computation.2_lowered:
.L_overlay_start_0:
0x88: {  	s2 =	sld [smem:$0x3FD9]  }
0x89: {  	s3 =	sld [smem:$0x3FFE];
	_ =	sdelay $0x1  }
0x8a: {  	s1 =	srdreg.scid  }
0x8b: {  	s0 =	sand.u32 $0x1, s1  }
0x8c: {  	s17 =	sshll.u32 s0, $0xA;
	s2 =	sadd.s32 s3, s2  }
0x8d: {  	s2 =	sadd.s32 s2, s17  }
0x8e: {  	[smem:$0x3FBB] =	sst s2  }
0x8f: {  	_ = 	snop  }
0x90: {  	s2 =	sld [smem:$0x3FD0];
	(tm) =	ssettm $0x1  }
0x91: {  	s18 =	sld [smem:$0x3FFB];
	_ =	sdelay $0x3  }
0x92: {  	_ =	strace s18  }
0x93: {  	s3 =	sld [smem:$0x3FFC];
	_ =	sdelay $0x3  }
0x94: {  	_ =	strace s3  }
0x95: {  	s3 =	sld [smem:$0x3FFD];
	_ =	sdelay $0x3  }
0x96: {  	_ =	strace s3  }
0x97: {  	_ =	strace $0x8FFFFFFF  }
0x98: {  	s19 =	sld [smem:$0x3FDB];
	_ =	sdelay $0x1  }
0x99: {  	s4 =	simm.s32 $_scs_section_size  }
0x9a: {  	s5 =	simm.s32 $_size__tile_overlayer_lowered;
	s6 =	simm.s32 $_tile_overlayer_lowered  }
0x9b: {  	s22 =	simm.s32 $0x1BFF;
	s21 =	sshll.u32 s6, $0x1;
	s3 =	sadd.s32 s4, s19  }
0x9c: {  	s7 =	simm.s32 $0x0;
	s20 =	sshll.u32 s5, $0x1;
	s5 =	sadd.s32 s21, s3  }
0x9d: {  	[timem:s7], [sflag:s22] =	dma.local [hbm:s5], s20  }
0x9e: {  	_ =	swait.ge [sflag:s22], s20  }
0x9f: {  	s4 =	ssub.s32 $0x0, s20;
	[sflag:s22] =	ssyncset.done $0x0  }
0xa0: {  	[sflag:s22] =	ssyncadd.s32 s4;
	_ =	sdelay $0x1  }
0xa1: {  	s23 =	simm.s32 $0x1B8B  }
0xa2: {  	_ =	swait.ge [sflag:s23], $0x1  }
0xa3: {  	[sflag:s23] =	ssyncset.done $0x0  }
0xa4: {  	s25 =	simm.s32 $0x1B8E;
	s24 =	sld [smem:$0x3FFE];
	[sflag:s23] =	ssyncadd.s32 $0xFFFFFFFF  }
0xa5: {  	s26 =	simm.s32 $execute0_lowered;
	[smem:$0x3FD2] =	sst s25  }
0xa6: {  	s5 =	sshll.u32 s26, $0x1;
	_ =	strace $0x8000004C;
	[dreg:$0x1] =	wrdreg $0xFFFFFFFF  }
0xa7: {  	s28 =	simm.s32 $_size_execute0_lowered;
	s3 =	sadd.s32 s3, s5;
	[dreg:$0x0] =	wrdreg $0x0  }
0xa8: {  	s5 =	sshll.u32 s28, $0x1;
	[dreg:$0x2] =	wrdreg s3  }
0xa9: {  	[dreg:$0x3] =	wrdreg s5  }
0xaa: {  	[dreg:$0x4] =	wrdreg $0xC0  }
0xab: {  	_ =	task [dreg:s7], $0x5FFFF  }
0xac: {  	[dreg:$0x1] =	wrdreg $0xFFFFFFFF  }
0xad: {  	[dreg:$0x0] =	wrdreg $0x60  }
0xae: {  	[dreg:$0x2] =	wrdreg s24  }
0xaf: {  	[dreg:$0x3] =	wrdreg s2  }
0xb0: {  	[dreg:$0x4] =	wrdreg $0x4C000  }
0xb1: {  	[dreg:$0x5] =	wrdreg $0x9  }
0xb2: {  	_ =	task.clear_ibuf [dreg:s7], $0x6FFFF;
	_ =	strace $0x9000004C  }
0xb3: {  	s29 =	simm.s32 $0x9;
	_ =	strace $0x8000004E  }
0xb4: {  	_ =	swait.ge [sflag:s29], $0x1  }
0xb5: {  	[sflag:s29] =	ssyncadd.s32 $0xFFFFFFFF  }
0xb6: {  	_ =	strace $0x9000004E  }
0xb7: {  	_ =	sfence  }
0xb8: {  	s30 =	sld [smem:$0x0];
	_ =	sdelay $0x2  }
0xb9: {  	s31 =	sshll.u32 s1, $0xD;
	s1 =	sshrl.u32 s1, $0x2  }
0xba: {  	s3 =	sand.u32 $0x4000, s31;
	s1 =	sadd.s32 s1, s30  }
0xbb: {  	s0 =	sor.u32 s3, s0;
	s1 =	sshll.u32 s1, $0x11  }
0xbc: {  	s0 =	sor.u32 s1, s0  }
0xbd: {  	s0 =	sadd.s32 $0x8F2B, s0  }
0xbe: {  	[sflag:s0] =	ssyncadd.remote.s32 $0x1  }
0xbf: {  	_ =	sfence.sel $0xFFFF  }
0xc0: {  	[dreg:$0x0] =	wrdreg $0xFFFFFFFF;
	(pc) =	sbr.abs _section_cstart, $3  }
0xc1: {  	[dreg:$0x1] =	wrdreg $0xFFFFFFFF  }
0xc2: {  	_ =	task.clear_ibuf [dreg:s7], $0x2FFFF;
	_ =	strace $0x9FFFFFFF  }
0xc3: {  	(tm) =	ssettm $0x7FFFFFFF  }
tec
execute0_lowered:
.L_overlay_start_1:
0x0: {  	(tag) =	ssettag $0x1  }
0x1: {  	s0 =	rddreg [dreg:$0x0];
	s1 =	srdreg.scid  }
0x2: {  	s5 =	rddreg [dreg:$0x1];
	s10 =	stileid.u32  }
0x3: {  	s2 =	rddreg [dreg:$0x2];
	s3 =	simm.s32 $0x0;
	s15 =	simm.s32 $0xC00  }
0x4: {  	s16 =	simm.s32 $0x2;
	s17 =	simm.s32 $0x800;
	s18 =	simm.s32 $0x80  }
0x5: {  	s12 =	simm.s32 $0x880;
	s28 =	simm.s32 $0x500;
	s29 =	simm.s32 $0x180  }
0x6: {  	s30 =	simm.s32 $0x580;
	s31 =	simm.s32 $0x200;
	s6 =	smul.u32 $0x2800, s10  }
0x7: {  	s1 =	sand.u32 $0x1, s1;
	[smem:$0x7FF] =	sst s3;
	s8 =	smul.u32 $0x14000, s10  }
0x8: {  	s11 =	sadd.s32 $0x35C00, s0;
	s20 =	sshll.u32 s10, $0x7;
	s4 =	smul.u32 $0x28000, s1  }
0x9: {  	s10 =	simm.s32 $0x0;
	s19 =	smul.u32 $0x140000, s1;
	s1 =	ssub.s32 $0x2, s1  }
0xa: {  	_ =	strace $0x8000004D;
	[dreg:$0x4] =	wrdreg s11;
	s21 =	sshrl.u32 s1, $0x1  }
0xb: {  	s4 =	sadd.s32 s6, s4;
	s6 =	sadd.s32 s19, s8;
	s8 =	sadd.s32 s20, s0  }
0xc: {  	s1 =	ssub.s32 s1, s21;
	s19 =	simm.s32 $0x900;
	s20 =	simm.s32 $0x980  }
0xd: {  	s7 =	sshrl.u32 s4, $0x3;
	s4 =	sadd.s32 $0xDC00, s0;
	s6 =	sshrl.u32 s6, $0x3  }
0xe: {  	s22 =	sadd.s32 $0x3400, s8;
	s1 =	smax.u32 s1, $0x1;
	s8 =	simm.s32 $0x380  }
0xf: {  	s9 =	sadd.s32 s7, s0;
	s0 =	sadd.s32 s6, s0;
	[dreg:$0x5] =	wrdreg s22  }
0x10: {  	[dreg:$0x6] =	wrdreg s1;
	s14 =	sadd.s32 s7, s5;
	s22 =	simm.s32 $0xA00  }
0x11: {  	s1 =	simm.s32 $0x600;
	s5 =	simm.s32 $0x680;
	s23 =	sadd.s32 $0x36400, s0  }
0x12: {  	s6 =	simm.s32 $0x300;
	s24 =	sadd.s32 $0x36C00, s0;
	[dreg:$0x7] =	wrdreg s23  }
0x13: {  	s7 =	simm.s32 $0x700;
	s25 =	sadd.s32 $0x37400, s0;
	[dreg:$0x8] =	wrdreg s24  }
0x14: {  	s26 =	sadd.s32 $0x37C00, s0;
	s0 =	sadd.s32 $0x38400, s0;
	[dreg:$0x9] =	wrdreg s25  }
0x15: {  	s13 =	sadd.s32 $0x3C00, s9;
	s9 =	simm.s32 $0x780;
	[dreg:$0xa] =	wrdreg s26  }
0x16: {  	[dreg:$0xb] =	wrdreg s0;
	s23 =	simm.s32 $0x400;
	s24 =	simm.s32 $0x1  }
0x17: {  	s25 =	simm.s32 $0x480;
	s26 =	simm.s32 $0x100;
	s0 =	simm.s32 $0x280  }
.LBB2_1:
0x18: {  	s11 =	rddreg [dreg:$0x4]  }
0x19: {  	[tilespmem:s15], [sflag:$0x2] =	stream.linear.gather [hbm4b:s11+s3], $0x4000, $0x38;
	[tilespmem:$0x18C00] =	vst v63  }
0x1a: {  	_ =	swait.ge [sflag:s16], $0x4000  }
0x1b: {  	[sflag:s16] =	ssyncset.done $0x0  }
0x1c: {  	s21 =	rddreg [dreg:$0x5];
	[sflag:s16] =	ssyncadd.s32 $0xFFFFC000  }
0x1d: {  	[tilespmem:s17], [sflag:$0x2] =	stream.linear.gather [hbm4b:s21+s3], $0x280, $0x38;
	[tilespmem:$0x18C00] =	vst v63  }
0x1e: {  	_ =	swait.ge [sflag:s16], $0x280  }
0x1f: {  	[sflag:s16] =	ssyncset.done $0x0  }
0x20: {  	[sflag:s16] =	ssyncadd.s32 $0xFFFFFD80  }
0x21: {  	[spmem:s2] =	stream.indirect.scatter [tilespmem:s15], [sflag:$0x2], $0x80, s17, s18, $0xb8;
	[tilespmem:$0x18C00] =	vst v63  }
0x22: {  	_ =	swait.ge [sflag:s16], $0x4000  }
0x23: {  	[sflag:s16] =	ssyncset.done $0x0  }
0x24: {  	[sflag:s16] =	ssyncadd.s32 $0xFFFFC000  }
0x25: {  	[spmem:s2] =	stream.indirect.scatter [tilespmem:s15], [sflag:$0x2], $0x80, s12, s18, $0xb8;
	[tilespmem:$0x18C00] =	vst v63  }
0x26: {  	_ =	swait.ge [sflag:s16], $0x4000  }
0x27: {  	[sflag:s16] =	ssyncset.done $0x0  }
0x28: {  	[sflag:s16] =	ssyncadd.s32 $0xFFFFC000  }
0x29: {  	[spmem:s2] =	stream.indirect.scatter [tilespmem:s15], [sflag:$0x2], $0x80, s19, s18, $0xb8;
	[tilespmem:$0x18C00] =	vst v63  }
0x2a: {  	_ =	swait.ge [sflag:s16], $0x4000  }
0x2b: {  	[sflag:s16] =	ssyncset.done $0x0  }
0x2c: {  	[sflag:s16] =	ssyncadd.s32 $0xFFFFC000  }
0x2d: {  	[spmem:s2] =	stream.indirect.scatter [tilespmem:s15], [sflag:$0x2], $0x80, s20, s18, $0xb8;
	[tilespmem:$0x18C00] =	vst v63  }
0x2e: {  	_ =	swait.ge [sflag:s16], $0x4000  }
0x2f: {  	[sflag:s16] =	ssyncset.done $0x0  }
0x30: {  	[sflag:s16] =	ssyncadd.s32 $0xFFFFC000  }
0x31: {  	[spmem:s2] =	stream.indirect.scatter [tilespmem:s15], [sflag:$0x2], $0x80, s22, s18, $0xb8;
	[tilespmem:$0x18C00] =	vst v63  }
0x32: {  	_ =	swait.ge [sflag:s16], $0x4000  }
0x33: {  	[sflag:s16] =	ssyncset.done $0x0  }
0x34: {  	[sflag:s16] =	ssyncadd.s32 $0xFFFFC000  }
0x35: {  	s20 =	sadd.s32 $0x0, s14;
	[bflag:$0x0] =	sbarrier.arrive $0xFFFF  }
0x36: {  	[tilespmem:s3], [sflag:$0x2] =	stream.linear.gather [hbm4b:s20+s3], $0x400, $0x38;
	[tilespmem:$0x18C00] =	vst v63  }
0x37: {  	_ =	swait.ge [sflag:s16], $0x400  }
0x38: {  	[sflag:s16] =	ssyncset.done $0x0  }
0x39: {  	s21 =	sadd.s32 $0x0, s13;
	[sflag:s16] =	ssyncadd.s32 $0xFFFFFC00  }
0x3a: {  	[tilespmem:s23], [sflag:$0x2] =	stream.linear.gather [hbm4b:s21+s3], $0x400, $0x38;
	[tilespmem:$0x18C00] =	vst v63  }
0x3b: {  	_ =	swait.ge [sflag:s16], $0x400  }
0x3c: {  	[sflag:s16] =	ssyncset.done $0x0  }
0x3d: {  	[sflag:s16] =	ssyncadd.s32 $0xFFFFFC00  }
0x3e: {  	[tilespmem:s15], [sflag:$0x1] =	stream.indirect.gather [hbm4b:s4+s18], $0x80, s3, s18, $0xb8;
	[tilespmem:$0x18C00] =	vst v63  }
0x3f: {  	_ =	swait.ge [sflag:s24], $0x4000  }
0x40: {  	[sflag:s24] =	ssyncset.done $0x0  }
0x41: {  	[sflag:s24] =	ssyncadd.s32 $0xFFFFC000  }
0x42: {  	[spmem:s2] =	stream.indirect.scatter.add.f32 [tilespmem:s15], [sflag:$0x2], $0x80, s23, s18, $0xb8;
	[tilespmem:$0x18C00] =	vst v63  }
0x43: {  	_ =	swait.ge [sflag:s16], $0x4000  }
0x44: {  	[sflag:s16] =	ssyncset.done $0x0  }
0x45: {  	[sflag:s16] =	ssyncadd.s32 $0xFFFFC000  }
0x46: {  	[tilespmem:s15], [sflag:$0x1] =	stream.indirect.gather [hbm4b:s4+s18], $0x80, s18, s18, $0xb8;
	[tilespmem:$0x18C00] =	vst v63  }
0x47: {  	_ =	swait.ge [sflag:s24], $0x4000  }
0x48: {  	[sflag:s24] =	ssyncset.done $0x0  }
0x49: {  	[sflag:s24] =	ssyncadd.s32 $0xFFFFC000  }
0x4a: {  	[spmem:s2] =	stream.indirect.scatter.add.f32 [tilespmem:s15], [sflag:$0x2], $0x80, s25, s18, $0xb8;
	[tilespmem:$0x18C00] =	vst v63  }
0x4b: {  	_ =	swait.ge [sflag:s16], $0x4000  }
0x4c: {  	[sflag:s16] =	ssyncset.done $0x0  }
0x4d: {  	[sflag:s16] =	ssyncadd.s32 $0xFFFFC000  }
0x4e: {  	[tilespmem:s15], [sflag:$0x1] =	stream.indirect.gather [hbm4b:s4+s18], $0x80, s26, s18, $0xb8;
	[tilespmem:$0x18C00] =	vst v63  }
0x4f: {  	_ =	swait.ge [sflag:s24], $0x4000  }
0x50: {  	[sflag:s24] =	ssyncset.done $0x0  }
0x51: {  	[sflag:s24] =	ssyncadd.s32 $0xFFFFC000  }
0x52: {  	[spmem:s2] =	stream.indirect.scatter.add.f32 [tilespmem:s15], [sflag:$0x2], $0x80, s28, s18, $0xb8;
	[tilespmem:$0x18C00] =	vst v63  }
0x53: {  	_ =	swait.ge [sflag:s16], $0x4000  }
0x54: {  	[sflag:s16] =	ssyncset.done $0x0  }
0x55: {  	[sflag:s16] =	ssyncadd.s32 $0xFFFFC000  }
0x56: {  	[tilespmem:s15], [sflag:$0x1] =	stream.indirect.gather [hbm4b:s4+s18], $0x80, s29, s18, $0xb8;
	[tilespmem:$0x18C00] =	vst v63  }
0x57: {  	_ =	swait.ge [sflag:s24], $0x4000  }
0x58: {  	[sflag:s24] =	ssyncset.done $0x0  }
0x59: {  	[sflag:s24] =	ssyncadd.s32 $0xFFFFC000  }
0x5a: {  	[spmem:s2] =	stream.indirect.scatter.add.f32 [tilespmem:s15], [sflag:$0x2], $0x80, s30, s18, $0xb8;
	[tilespmem:$0x18C00] =	vst v63  }
0x5b: {  	_ =	swait.ge [sflag:s16], $0x4000  }
0x5c: {  	[sflag:s16] =	ssyncset.done $0x0  }
0x5d: {  	[sflag:s16] =	ssyncadd.s32 $0xFFFFC000  }
0x5e: {  	[tilespmem:s15], [sflag:$0x1] =	stream.indirect.gather [hbm4b:s4+s18], $0x80, s31, s18, $0xb8;
	[tilespmem:$0x18C00] =	vst v63  }
0x5f: {  	_ =	swait.ge [sflag:s24], $0x4000  }
0x60: {  	[sflag:s24] =	ssyncset.done $0x0  }
0x61: {  	[sflag:s24] =	ssyncadd.s32 $0xFFFFC000  }
0x62: {  	[spmem:s2] =	stream.indirect.scatter.add.f32 [tilespmem:s15], [sflag:$0x2], $0x80, s1, s18, $0xb8;
	[tilespmem:$0x18C00] =	vst v63  }
0x63: {  	_ =	swait.ge [sflag:s16], $0x4000  }
0x64: {  	[sflag:s16] =	ssyncset.done $0x0  }
0x65: {  	[sflag:s16] =	ssyncadd.s32 $0xFFFFC000  }
0x66: {  	[tilespmem:s15], [sflag:$0x1] =	stream.indirect.gather [hbm4b:s4+s18], $0x80, s0, s18, $0xb8;
	[tilespmem:$0x18C00] =	vst v63  }
0x67: {  	_ =	swait.ge [sflag:s24], $0x4000  }
0x68: {  	[sflag:s24] =	ssyncset.done $0x0  }
0x69: {  	[sflag:s24] =	ssyncadd.s32 $0xFFFFC000  }
0x6a: {  	[spmem:s2] =	stream.indirect.scatter.add.f32 [tilespmem:s15], [sflag:$0x2], $0x80, s5, s18, $0xb8;
	[tilespmem:$0x18C00] =	vst v63  }
0x6b: {  	_ =	swait.ge [sflag:s16], $0x4000  }
0x6c: {  	[sflag:s16] =	ssyncset.done $0x0  }
0x6d: {  	[sflag:s16] =	ssyncadd.s32 $0xFFFFC000  }
0x6e: {  	[tilespmem:s15], [sflag:$0x1] =	stream.indirect.gather [hbm4b:s4+s18], $0x80, s6, s18, $0xb8;
	[tilespmem:$0x18C00] =	vst v63  }
0x6f: {  	_ =	swait.ge [sflag:s24], $0x4000  }
0x70: {  	[sflag:s24] =	ssyncset.done $0x0  }
0x71: {  	[sflag:s24] =	ssyncadd.s32 $0xFFFFC000  }
0x72: {  	[spmem:s2] =	stream.indirect.scatter.add.f32 [tilespmem:s15], [sflag:$0x2], $0x80, s7, s18, $0xb8;
	[tilespmem:$0x18C00] =	vst v63  }
0x73: {  	_ =	swait.ge [sflag:s16], $0x4000  }
0x74: {  	[sflag:s16] =	ssyncset.done $0x0  }
0x75: {  	[sflag:s16] =	ssyncadd.s32 $0xFFFFC000  }
0x76: {  	[tilespmem:s15], [sflag:$0x1] =	stream.indirect.gather [hbm4b:s4+s18], $0x80, s8, s18, $0xb8;
	[tilespmem:$0x18C00] =	vst v63  }
0x77: {  	_ =	swait.ge [sflag:s24], $0x4000  }
0x78: {  	[sflag:s24] =	ssyncset.done $0x0  }
0x79: {  	[sflag:s24] =	ssyncadd.s32 $0xFFFFC000  }
0x7a: {  	[spmem:s2] =	stream.indirect.scatter.add.f32 [tilespmem:s15], [sflag:$0x2], $0x80, s9, s18, $0xb8;
	[tilespmem:$0x18C00] =	vst v63  }
0x7b: {  	_ =	swait.ge [sflag:s16], $0x4000  }
0x7c: {  	s11 =	simm.s32 $0x80;
	s12 =	simm.s32 $0x100;
	[sflag:s16] =	ssyncset.done $0x0  }
.LBB2_2:
0x7d: {  	s20 =	sadd.s32 s11, s14  }
0x7e: {  	[sflag:s16] =	ssyncadd.s32 $0xFFFFC000;
	s21 =	smov.u32 s12;
	s19 =	sadd.s32 $0x80, s12  }
0x7f: {  	[tilespmem:s3], [sflag:$0x2] =	stream.linear.gather [hbm4b:s20+s3], $0x400, $0x38;
	[tilespmem:$0x18C00] =	vst v63  }
0x80: {  	p0 =	sne.s32 s12, $0x480;
	_ =	swait.ge [sflag:s16], $0x400  }
0x81: {  	[sflag:s16] =	ssyncset.done $0x0  }
0x82: {  	s12 =	sadd.s32 s11, s13;
	s11 =	smov.u32 s21;
	[sflag:s16] =	ssyncadd.s32 $0xFFFFFC00  }
0x83: {  	[tilespmem:s23], [sflag:$0x2] =	stream.linear.gather [hbm4b:s12+s3], $0x400, $0x38;
	[tilespmem:$0x18C00] =	vst v63  }
0x84: {  	_ =	swait.ge [sflag:s16], $0x400  }
0x85: {  	[sflag:s16] =	ssyncset.done $0x0  }
0x86: {  	[sflag:s16] =	ssyncadd.s32 $0xFFFFFC00  }
0x87: {  	[tilespmem:s15], [sflag:$0x1] =	stream.indirect.gather [hbm4b:s4+s18], $0x80, s3, s18, $0xb8;
	[tilespmem:$0x18C00] =	vst v63  }
0x88: {  	_ =	swait.ge [sflag:s24], $0x4000  }
0x89: {  	[sflag:s24] =	ssyncset.done $0x0  }
0x8a: {  	[sflag:s24] =	ssyncadd.s32 $0xFFFFC000  }
0x8b: {  	[spmem:s2] =	stream.indirect.scatter.add.f32 [tilespmem:s15], [sflag:$0x2], $0x80, s23, s18, $0xb8;
	[tilespmem:$0x18C00] =	vst v63  }
0x8c: {  	_ =	swait.ge [sflag:s16], $0x4000  }
0x8d: {  	[sflag:s16] =	ssyncset.done $0x0  }
0x8e: {  	[sflag:s16] =	ssyncadd.s32 $0xFFFFC000  }
0x8f: {  	[tilespmem:s15], [sflag:$0x1] =	stream.indirect.gather [hbm4b:s4+s18], $0x80, s18, s18, $0xb8;
	[tilespmem:$0x18C00] =	vst v63  }
0x90: {  	_ =	swait.ge [sflag:s24], $0x4000  }
0x91: {  	[sflag:s24] =	ssyncset.done $0x0  }
0x92: {  	[sflag:s24] =	ssyncadd.s32 $0xFFFFC000  }
0x93: {  	[spmem:s2] =	stream.indirect.scatter.add.f32 [tilespmem:s15], [sflag:$0x2], $0x80, s25, s18, $0xb8;
	[tilespmem:$0x18C00] =	vst v63  }
0x94: {  	_ =	swait.ge [sflag:s16], $0x4000  }
0x95: {  	[sflag:s16] =	ssyncset.done $0x0  }
0x96: {  	[sflag:s16] =	ssyncadd.s32 $0xFFFFC000  }
0x97: {  	[tilespmem:s15], [sflag:$0x1] =	stream.indirect.gather [hbm4b:s4+s18], $0x80, s26, s18, $0xb8;
	[tilespmem:$0x18C00] =	vst v63  }
0x98: {  	_ =	swait.ge [sflag:s24], $0x4000  }
0x99: {  	[sflag:s24] =	ssyncset.done $0x0  }
0x9a: {  	[sflag:s24] =	ssyncadd.s32 $0xFFFFC000  }
0x9b: {  	[spmem:s2] =	stream.indirect.scatter.add.f32 [tilespmem:s15], [sflag:$0x2], $0x80, s28, s18, $0xb8;
	[tilespmem:$0x18C00] =	vst v63  }
0x9c: {  	_ =	swait.ge [sflag:s16], $0x4000  }
0x9d: {  	[sflag:s16] =	ssyncset.done $0x0  }
0x9e: {  	[sflag:s16] =	ssyncadd.s32 $0xFFFFC000  }
0x9f: {  	[tilespmem:s15], [sflag:$0x1] =	stream.indirect.gather [hbm4b:s4+s18], $0x80, s29, s18, $0xb8;
	[tilespmem:$0x18C00] =	vst v63  }
0xa0: {  	_ =	swait.ge [sflag:s24], $0x4000  }
0xa1: {  	[sflag:s24] =	ssyncset.done $0x0  }
0xa2: {  	[sflag:s24] =	ssyncadd.s32 $0xFFFFC000  }
0xa3: {  	[spmem:s2] =	stream.indirect.scatter.add.f32 [tilespmem:s15], [sflag:$0x2], $0x80, s30, s18, $0xb8;
	[tilespmem:$0x18C00] =	vst v63  }
0xa4: {  	_ =	swait.ge [sflag:s16], $0x4000  }
0xa5: {  	[sflag:s16] =	ssyncset.done $0x0  }
0xa6: {  	[sflag:s16] =	ssyncadd.s32 $0xFFFFC000  }
0xa7: {  	[tilespmem:s15], [sflag:$0x1] =	stream.indirect.gather [hbm4b:s4+s18], $0x80, s31, s18, $0xb8;
	[tilespmem:$0x18C00] =	vst v63  }
0xa8: {  	_ =	swait.ge [sflag:s24], $0x4000  }
0xa9: {  	[sflag:s24] =	ssyncset.done $0x0  }
0xaa: {  	[sflag:s24] =	ssyncadd.s32 $0xFFFFC000  }
0xab: {  	[spmem:s2] =	stream.indirect.scatter.add.f32 [tilespmem:s15], [sflag:$0x2], $0x80, s1, s18, $0xb8;
	[tilespmem:$0x18C00] =	vst v63  }
0xac: {  	_ =	swait.ge [sflag:s16], $0x4000  }
0xad: {  	[sflag:s16] =	ssyncset.done $0x0  }
0xae: {  	[sflag:s16] =	ssyncadd.s32 $0xFFFFC000  }
0xaf: {  	[tilespmem:s15], [sflag:$0x1] =	stream.indirect.gather [hbm4b:s4+s18], $0x80, s0, s18, $0xb8;
	[tilespmem:$0x18C00] =	vst v63  }
0xb0: {  	_ =	swait.ge [sflag:s24], $0x4000  }
0xb1: {  	[sflag:s24] =	ssyncset.done $0x0  }
0xb2: {  	[sflag:s24] =	ssyncadd.s32 $0xFFFFC000  }
0xb3: {  	[spmem:s2] =	stream.indirect.scatter.add.f32 [tilespmem:s15], [sflag:$0x2], $0x80, s5, s18, $0xb8;
	[tilespmem:$0x18C00] =	vst v63  }
0xb4: {  	_ =	swait.ge [sflag:s16], $0x4000  }
0xb5: {  	[sflag:s16] =	ssyncset.done $0x0  }
0xb6: {  	[sflag:s16] =	ssyncadd.s32 $0xFFFFC000  }
0xb7: {  	[tilespmem:s15], [sflag:$0x1] =	stream.indirect.gather [hbm4b:s4+s18], $0x80, s6, s18, $0xb8;
	[tilespmem:$0x18C00] =	vst v63  }
0xb8: {  	_ =	swait.ge [sflag:s24], $0x4000  }
0xb9: {  	[sflag:s24] =	ssyncset.done $0x0  }
0xba: {  	[sflag:s24] =	ssyncadd.s32 $0xFFFFC000  }
0xbb: {  	[spmem:s2] =	stream.indirect.scatter.add.f32 [tilespmem:s15], [sflag:$0x2], $0x80, s7, s18, $0xb8;
	[tilespmem:$0x18C00] =	vst v63  }
0xbc: {  	_ =	swait.ge [sflag:s16], $0x4000  }
0xbd: {  	[sflag:s16] =	ssyncset.done $0x0  }
0xbe: {  	[sflag:s16] =	ssyncadd.s32 $0xFFFFC000  }
0xbf: {  	[tilespmem:s15], [sflag:$0x1] =	stream.indirect.gather [hbm4b:s4+s18], $0x80, s8, s18, $0xb8;
	[tilespmem:$0x18C00] =	vst v63  }
0xc0: {  	_ =	swait.ge [sflag:s24], $0x4000  }
.Ltmp0:
0xc1: {  	[sflag:s24] =	ssyncset.done $0x0;
	(pc) =	sbr.rel @p0 .LBB2_2-.Ltmp0, $4  }
0xc2: {  	[sflag:s24] =	ssyncadd.s32 $0xFFFFC000  }
0xc3: {  	[spmem:s2] =	stream.indirect.scatter.add.f32 [tilespmem:s15], [sflag:$0x2], $0x80, s9, s18, $0xb8;
	[tilespmem:$0x18C00] =	vst v63  }
0xc4: {  	_ =	swait.ge [sflag:s16], $0x4000  }
0xc5: {  	s12 =	smov.u32 s19;
	[sflag:s16] =	ssyncset.done $0x0  }
0xc6: {  	s12 =	sadd.s32 s11, s14;
	[sflag:s16] =	ssyncadd.s32 $0xFFFFC000  }
0xc7: {  	[tilespmem:s3], [sflag:$0x2] =	stream.linear.gather [hbm4b:s12+s3], $0x400, $0x38;
	[tilespmem:$0x18C00] =	vst v63  }
0xc8: {  	_ =	swait.ge [sflag:s16], $0x400  }
0xc9: {  	[sflag:s16] =	ssyncset.done $0x0  }
0xca: {  	s21 =	sadd.s32 s11, s13;
	[sflag:s16] =	ssyncadd.s32 $0xFFFFFC00  }
0xcb: {  	[tilespmem:s23], [sflag:$0x2] =	stream.linear.gather [hbm4b:s21+s3], $0x400, $0x38;
	[tilespmem:$0x18C00] =	vst v63  }
0xcc: {  	_ =	swait.ge [sflag:s16], $0x400  }
0xcd: {  	[sflag:s16] =	ssyncset.done $0x0  }
0xce: {  	[sflag:s16] =	ssyncadd.s32 $0xFFFFFC00  }
0xcf: {  	[tilespmem:s15], [sflag:$0x1] =	stream.indirect.gather [hbm4b:s4+s18], $0x80, s3, s18, $0xb8;
	[tilespmem:$0x18C00] =	vst v63  }
0xd0: {  	_ =	swait.ge [sflag:s24], $0x4000  }
0xd1: {  	[sflag:s24] =	ssyncset.done $0x0  }
0xd2: {  	[sflag:s24] =	ssyncadd.s32 $0xFFFFC000  }
0xd3: {  	[spmem:s2] =	stream.indirect.scatter.add.f32 [tilespmem:s15], [sflag:$0x2], $0x80, s23, s18, $0xb8;
	[tilespmem:$0x18C00] =	vst v63  }
0xd4: {  	_ =	swait.ge [sflag:s16], $0x4000  }
0xd5: {  	[sflag:s16] =	ssyncset.done $0x0  }
0xd6: {  	[sflag:s16] =	ssyncadd.s32 $0xFFFFC000  }
0xd7: {  	[tilespmem:s15], [sflag:$0x1] =	stream.indirect.gather [hbm4b:s4+s18], $0x80, s18, s18, $0xb8;
	[tilespmem:$0x18C00] =	vst v63  }
0xd8: {  	_ =	swait.ge [sflag:s24], $0x4000  }
0xd9: {  	[sflag:s24] =	ssyncset.done $0x0  }
0xda: {  	[sflag:s24] =	ssyncadd.s32 $0xFFFFC000  }
0xdb: {  	[spmem:s2] =	stream.indirect.scatter.add.f32 [tilespmem:s15], [sflag:$0x2], $0x80, s25, s18, $0xb8;
	[tilespmem:$0x18C00] =	vst v63  }
0xdc: {  	_ =	swait.ge [sflag:s16], $0x4000  }
0xdd: {  	[sflag:s16] =	ssyncset.done $0x0  }
0xde: {  	[sflag:s16] =	ssyncadd.s32 $0xFFFFC000  }
0xdf: {  	[tilespmem:s15], [sflag:$0x1] =	stream.indirect.gather [hbm4b:s4+s18], $0x80, s26, s18, $0xb8;
	[tilespmem:$0x18C00] =	vst v63  }
0xe0: {  	_ =	swait.ge [sflag:s24], $0x4000  }
0xe1: {  	[sflag:s24] =	ssyncset.done $0x0  }
0xe2: {  	[sflag:s24] =	ssyncadd.s32 $0xFFFFC000  }
0xe3: {  	[spmem:s2] =	stream.indirect.scatter.add.f32 [tilespmem:s15], [sflag:$0x2], $0x80, s28, s18, $0xb8;
	[tilespmem:$0x18C00] =	vst v63  }
0xe4: {  	_ =	swait.ge [sflag:s16], $0x4000  }
0xe5: {  	[sflag:s16] =	ssyncset.done $0x0  }
0xe6: {  	[sflag:s16] =	ssyncadd.s32 $0xFFFFC000  }
0xe7: {  	[tilespmem:s15], [sflag:$0x1] =	stream.indirect.gather [hbm4b:s4+s18], $0x80, s29, s18, $0xb8;
	[tilespmem:$0x18C00] =	vst v63  }
0xe8: {  	_ =	swait.ge [sflag:s24], $0x4000  }
0xe9: {  	[sflag:s24] =	ssyncset.done $0x0  }
0xea: {  	[sflag:s24] =	ssyncadd.s32 $0xFFFFC000  }
0xeb: {  	[spmem:s2] =	stream.indirect.scatter.add.f32 [tilespmem:s15], [sflag:$0x2], $0x80, s30, s18, $0xb8;
	[tilespmem:$0x18C00] =	vst v63  }
0xec: {  	_ =	swait.ge [sflag:s16], $0x4000  }
0xed: {  	[sflag:s16] =	ssyncset.done $0x0  }
0xee: {  	[sflag:s16] =	ssyncadd.s32 $0xFFFFC000  }
0xef: {  	[tilespmem:s15], [sflag:$0x1] =	stream.indirect.gather [hbm4b:s4+s18], $0x80, s31, s18, $0xb8;
	[tilespmem:$0x18C00] =	vst v63  }
0xf0: {  	_ =	swait.ge [sflag:s24], $0x4000  }
0xf1: {  	[sflag:s24] =	ssyncset.done $0x0  }
0xf2: {  	[sflag:s24] =	ssyncadd.s32 $0xFFFFC000  }
0xf3: {  	[spmem:s2] =	stream.indirect.scatter.add.f32 [tilespmem:s15], [sflag:$0x2], $0x80, s1, s18, $0xb8;
	[tilespmem:$0x18C00] =	vst v63  }
0xf4: {  	_ =	swait.ge [sflag:s16], $0x4000  }
0xf5: {  	[sflag:s16] =	ssyncset.done $0x0  }
0xf6: {  	[sflag:s16] =	ssyncadd.s32 $0xFFFFC000  }
0xf7: {  	[tilespmem:s15], [sflag:$0x1] =	stream.indirect.gather [hbm4b:s4+s18], $0x80, s0, s18, $0xb8;
	[tilespmem:$0x18C00] =	vst v63  }
0xf8: {  	_ =	swait.ge [sflag:s24], $0x4000  }
0xf9: {  	[sflag:s24] =	ssyncset.done $0x0  }
0xfa: {  	[sflag:s24] =	ssyncadd.s32 $0xFFFFC000  }
0xfb: {  	[spmem:s2] =	stream.indirect.scatter.add.f32 [tilespmem:s15], [sflag:$0x2], $0x80, s5, s18, $0xb8;
	[tilespmem:$0x18C00] =	vst v63  }
0xfc: {  	_ =	swait.ge [sflag:s16], $0x4000  }
0xfd: {  	[sflag:s16] =	ssyncset.done $0x0  }
0xfe: {  	[sflag:s16] =	ssyncadd.s32 $0xFFFFC000  }
0xff: {  	[tilespmem:s15], [sflag:$0x1] =	stream.indirect.gather [hbm4b:s4+s18], $0x80, s6, s18, $0xb8;
	[tilespmem:$0x18C00] =	vst v63  }
0x100: {  	_ =	swait.ge [sflag:s24], $0x4000  }
0x101: {  	[sflag:s24] =	ssyncset.done $0x0  }
0x102: {  	[sflag:s24] =	ssyncadd.s32 $0xFFFFC000  }
0x103: {  	[spmem:s2] =	stream.indirect.scatter.add.f32 [tilespmem:s15], [sflag:$0x2], $0x80, s7, s18, $0xb8;
	[tilespmem:$0x18C00] =	vst v63  }
0x104: {  	_ =	swait.ge [sflag:s16], $0x4000  }
0x105: {  	[sflag:s16] =	ssyncset.done $0x0  }
0x106: {  	[sflag:s16] =	ssyncadd.s32 $0xFFFFC000  }
0x107: {  	[tilespmem:s15], [sflag:$0x1] =	stream.indirect.gather [hbm4b:s4+s18], $0x80, s8, s18, $0xb8;
	[tilespmem:$0x18C00] =	vst v63  }
0x108: {  	_ =	swait.ge [sflag:s24], $0x4000  }
0x109: {  	[sflag:s24] =	ssyncset.done $0x0  }
0x10a: {  	[sflag:s24] =	ssyncadd.s32 $0xFFFFC000  }
0x10b: {  	[spmem:s2] =	stream.indirect.scatter.add.f32 [tilespmem:s15], [sflag:$0x2], $0x80, s9, s18, $0xb8;
	[tilespmem:$0x18C00] =	vst v63  }
0x10c: {  	_ =	swait.ge [sflag:s16], $0x4000  }
0x10d: {  	[sflag:s16] =	ssyncset.done $0x0  }
0x10e: {  	[sflag:s16] =	ssyncadd.s32 $0xFFFFC000  }
0x10f: {  	[bflag:$0x0] =	sbarrier.arrive $0xFFFF  }
0x110: {  	[tilespmem:s15], [sflag:$0x1] =	stream.indirect.gather [spmem:s2], $0x80, s17, s18, $0xb8;
	[tilespmem:$0x18C00] =	vst v63  }
0x111: {  	_ =	swait.ge [sflag:s24], $0x4000  }
0x112: {  	[sflag:s24] =	ssyncset.done $0x0  }
0x113: {  	s12 =	rddreg [dreg:$0x7];
	[sflag:s24] =	ssyncadd.s32 $0xFFFFC000  }
0x114: {  	[hbm4b:s12+s3] =	stream.linear.scatter [tilespmem:s15], [sflag:$0x2], $0x4000, $0x38;
	[tilespmem:$0x18C00] =	vst v63  }
0x115: {  	_ =	swait.ge [sflag:s16], $0x4000  }
0x116: {  	[sflag:s16] =	ssyncset.done $0x0  }
0x117: {  	s12 =	simm.s32 $0x880;
	[sflag:s16] =	ssyncadd.s32 $0xFFFFC000  }
0x118: {  	[tilespmem:s15], [sflag:$0x1] =	stream.indirect.gather [spmem:s2], $0x80, s12, s18, $0xb8;
	[tilespmem:$0x18C00] =	vst v63  }
0x119: {  	_ =	swait.ge [sflag:s24], $0x4000  }
0x11a: {  	[sflag:s24] =	ssyncset.done $0x0  }
0x11b: {  	s19 =	rddreg [dreg:$0x8];
	[sflag:s24] =	ssyncadd.s32 $0xFFFFC000  }
0x11c: {  	[hbm4b:s19+s3] =	stream.linear.scatter [tilespmem:s15], [sflag:$0x2], $0x4000, $0x38;
	[tilespmem:$0x18C00] =	vst v63  }
0x11d: {  	_ =	swait.ge [sflag:s16], $0x4000  }
0x11e: {  	[sflag:s16] =	ssyncset.done $0x0  }
0x11f: {  	s19 =	simm.s32 $0x900;
	[sflag:s16] =	ssyncadd.s32 $0xFFFFC000  }
0x120: {  	[tilespmem:s15], [sflag:$0x1] =	stream.indirect.gather [spmem:s2], $0x80, s19, s18, $0xb8;
	[tilespmem:$0x18C00] =	vst v63  }
0x121: {  	_ =	swait.ge [sflag:s24], $0x4000  }
0x122: {  	[sflag:s24] =	ssyncset.done $0x0  }
0x123: {  	s20 =	rddreg [dreg:$0x9];
	[sflag:s24] =	ssyncadd.s32 $0xFFFFC000  }
0x124: {  	[hbm4b:s20+s3] =	stream.linear.scatter [tilespmem:s15], [sflag:$0x2], $0x4000, $0x38;
	[tilespmem:$0x18C00] =	vst v63  }
0x125: {  	_ =	swait.ge [sflag:s16], $0x4000  }
0x126: {  	[sflag:s16] =	ssyncset.done $0x0  }
0x127: {  	s20 =	simm.s32 $0x980;
	[sflag:s16] =	ssyncadd.s32 $0xFFFFC000  }
0x128: {  	[tilespmem:s15], [sflag:$0x1] =	stream.indirect.gather [spmem:s2], $0x80, s20, s18, $0xb8;
	[tilespmem:$0x18C00] =	vst v63  }
0x129: {  	_ =	swait.ge [sflag:s24], $0x4000  }
0x12a: {  	[sflag:s24] =	ssyncset.done $0x0  }
0x12b: {  	s21 =	rddreg [dreg:$0xa];
	[sflag:s24] =	ssyncadd.s32 $0xFFFFC000  }
0x12c: {  	[hbm4b:s21+s3] =	stream.linear.scatter [tilespmem:s15], [sflag:$0x2], $0x4000, $0x38;
	[tilespmem:$0x18C00] =	vst v63  }
0x12d: {  	_ =	swait.ge [sflag:s16], $0x4000  }
0x12e: {  	[sflag:s16] =	ssyncset.done $0x0  }
0x12f: {  	[sflag:s16] =	ssyncadd.s32 $0xFFFFC000  }
0x130: {  	[tilespmem:s15], [sflag:$0x1] =	stream.indirect.gather [spmem:s2], $0x80, s22, s18, $0xb8;
	[tilespmem:$0x18C00] =	vst v63  }
0x131: {  	_ =	swait.ge [sflag:s24], $0x4000  }
0x132: {  	[sflag:s24] =	ssyncset.done $0x0  }
0x133: {  	s21 =	rddreg [dreg:$0xb];
	[sflag:s24] =	ssyncadd.s32 $0xFFFFC000  }
0x134: {  	[hbm4b:s21+s3] =	stream.linear.scatter [tilespmem:s15], [sflag:$0x2], $0x4000, $0x38;
	[tilespmem:$0x18C00] =	vst v63  }
0x135: {  	_ =	swait.ge [sflag:s16], $0x4000  }
0x136: {  	s10 =	sadd.s32 $0x1, s10;
	s21 =	rddreg [dreg:$0x6]  }
0x137: {  	p0 =	sne.s32 s10, s21  }
.Ltmp1:
0x138: {  	_ = 	snop;
	(pc) =	sbr.rel @p0 .LBB2_1-.Ltmp1, $3  }
0x139: {  	_ =	sdelay $0x1  }
0x13a: {  	[sflag:s16] =	ssyncset.done $0x0  }
0x13b: {  	[sflag:s16] =	ssyncadd.s32 $0xFFFFC000  }
0x13c: {  	_ =	sfence.sel $0x180000  }
0x13d: {  	[bflag:$0x0] =	sbarrier.arrive $0xFFFF  }
0x13e: {  	_ =	strace $0x9000004D  }
0x13f: {  	s0 =	stileid.u32;
	[bflag:$0x2] =	sbarrier.arrive $0xFFFF  }
0x140: {  	p0 =	sne.s32 s0, $0x0;
	s0 =	rddreg [dreg:$0x3]  }
0x141: {  	s0 =	sadd.s32 @!p0 $0x100000, s0  }
0x142: {  	[sflag:s0] =	ssyncadd.tile.s32 @!p0 $0x1;
	_ =	shalt  }
.Lfunc_end2:
_tile_overlayer_lowered:
.L_overlay_start_2:
0x143: {  	(tag) =	ssettag $0x2  }
0x144: {  	s0 =	rddreg [dreg:$0x0];
	s2 =	stileid.u32  }
0x145: {  	s1 =	rddreg [dreg:$0x1];
	p0 =	sne.s32 s2, $0x0  }
0x146: {  	s3 =	rddreg [dreg:$0x2];
	[bflag:$0x3] =	sbarrier.arrive $0xFFFF;
	s2 =	simm.s32 @!p0 $0x1C02  }
0x147: {  	[timem:s3], [sflag:s2] =	dma.local @!p0 [hbm:s0], s1  }
0x148: {  	s0 =	simm.s32 @!p0 $0x2  }
0x149: {  	_ =	swait.ge @!p0 [sflag:s0], s1  }
0x14a: {  	s1 =	ssub.s32 @!p0 $0x0, s1;
	[sflag:s0] =	ssyncset.done @!p0 $0x0  }
0x14b: {  	[sflag:s0] =	ssyncadd.s32 @!p0 s1  }
0x14c: {  	[bflag:$0x3] =	sbarrier.arrive $0xFFFF  }
0x14d: {  	_ =	shalt  }

// kernel: kernel.19.cloned.1.call-start
scs
__scs_entry_jumppad:
0x0: {  	(pc) =	sbr.rel $0x88, $3  }
0x1: {  	(tag) =	ssettag $0x0;
	lr =	simm.s32 $0x1  }
0x2: {  	[smem:$0x3F94] =	sst lr;
	_ =	strace $0xD0000000  }
0x3: {  	_ = 	snop  }
0x4: {  	_ = 	snop  }
0x5: {  	_ = 	snop  }
0x6: {  	_ = 	snop  }
0x7: {  	_ = 	snop  }
__scs_overlays_trampoline_lowered:
0x8: {  	[smem:$0x3FA3] =	sst s0  }
0x9: {  	[smem:$0x3FA4] =	sst s1  }
0xa: {  	[smem:$0x3FA5] =	sst s2  }
0xb: {  	[smem:$0x3FA6] =	sst s3  }
0xc: {  	[smem:$0x3FA7] =	sst s4  }
0xd: {  	[smem:$0x3FA8] =	sst s5  }
0xe: {  	[smem:$0x3FA9] =	sst s6  }
0xf: {  	[smem:$0x3FAA] =	sst s7  }
0x10: {  	[smem:$0x3FAB] =	sst s8  }
0x11: {  	[smem:$0x3FAC] =	sst s9;
	s0 =	simm.s32 @!p0 $0x0  }
0x12: {  	s1 =	sld [smem:$0x3F92];
	s0 =	simm.s32 @p0 $0x1  }
0x13: {  	[smem:$0x3FAD] =	sst s0;
	s0 =	simm.s32 @!p1 $0x0  }
0x14: {  	s2 =	sld [smem:$0x3F91];
	s0 =	simm.s32 @p1 $0x1  }
0x15: {  	[smem:$0x3FAE] =	sst s0;
	s0 =	simm.s32 @!p2 $0x0  }
0x16: {  	s3 =	sld [smem:$0x3FDB];
	s0 =	simm.s32 @p2 $0x1  }
0x17: {  	s4 =	simm.s32 $0x1BF5;
	[smem:$0x3FB0] =	sst s0  }
0x18: {  	s0 =	sld [smem:$0x3F93];
	_ =	swait.ge [sflag:s4], $0x0  }
0x19: {  	s7 =	sld [smem:$0x3F94]  }
0x1a: {  	s8 =	sadd.s32 $0xFFFFE003, lr  }
0x1b: {  	s9 =	sadd.s32 $0xFFFFFEF7, lr;
	s5 =	simm.s32 $0xFFFFFFFF;
	p2 =	slt.u32 s8, $0xFFFFF086  }
0x1c: {  	p1 =	slt.u32 s9, $0xF7A;
	s5 =	simm.s32 @!p2 $0x0  }
0x1d: {  	s5 =	simm.s32 @p1 $0x1;
	p0 =	seq.s32 s7, s2  }
0x1e: {  	s7 =	smul.u32 @!p0 $0xF7A, s2;
	p2 =	seq.s32 @!p0 s5, $0x0  }
0x1f: {  	s9 =	smul.u32 $0xF7A, s1;
	s8 =	simm.s32 @!p0 $0x1BF5;
	p2 =	por !p2, p0  }
0x20: {  	[sflag:s8] =	ssyncset.s32 @!p0 $0xFFFFF086;
	s6 =	sadd.s32 @!p0 s3, s7;
	s7 =	simm.s32 @!p0 $0x108  }
0x21: {  	s3 =	sadd.s32 s3, s9;
	s6 =	sadd.s32 @!p0 $0x88, s6;
	s7 =	simm.s32 @p2 $0x1082  }
0x22: {  	[simem:s7], [sflag:s8] =	dma.local @!p0 [hbm:s6], $0xF7A  }
0x23: {  	s9 =	sor.u32 $0xD0000000, s2;
	s6 =	simm.s32 $0x108;
	_ =	swait.ge @!p0 [sflag:s8], $0x0  }
0x24: {  	s3 =	sadd.s32 $0x88, s3;
	s6 =	simm.s32 @!p1 $0x1082;
	[sflag:s4] =	ssyncset.s32 $0xFFFFF086  }
0x25: {  	[simem:s6], [sflag:s4] =	dma.local [hbm:s3], $0xF7A  }
0x26: {  	[smem:$0x3F94] =	sst s1;
	(tag) =	ssettag s2;
	_ =	strace s9  }
0x27: {  	s1 =	sld [smem:$0x3FA4]  }
0x28: {  	s2 =	sld [smem:$0x3FA5]  }
0x29: {  	s4 =	sld [smem:$0x3FA7]  }
0x2a: {  	p0 =	seq.s32 s5, $0x0;
	s5 =	sld [smem:$0x3FA8]  }
0x2b: {  	s6 =	sld [smem:$0x3FA9]  }
0x2c: {  	s7 =	sld [smem:$0x3FAA]  }
0x2d: {  	s3 =	simm.s32 $0x108;
	s8 =	sld [smem:$0x3FAB]  }
0x2e: {  	s3 =	simm.s32 @!p0 $0x1082;
	s9 =	sld [smem:$0x3FAC]  }
0x2f: {  	lr =	sadd.s32 s0, s3;
	s0 =	sld [smem:$0x3FA3]  }
0x30: {  	s3 =	sld [smem:$0x3FA6]  }
0x31: {  	[smem:$0x3FAF] =	sst s10  }
0x32: {  	s10 =	sld [smem:$0x3FAD];
	_ =	sdelay $0x3  }
0x33: {  	p0 =	seq.s32 s10, $0x1;
	s10 =	sld [smem:$0x3FAF];
	_ =	sdelay $0x3  }
0x34: {  	[smem:$0x3FAF] =	sst s10  }
0x35: {  	s10 =	sld [smem:$0x3FAE];
	_ =	sdelay $0x3  }
0x36: {  	p1 =	seq.s32 s10, $0x1;
	s10 =	sld [smem:$0x3FAF];
	_ =	sdelay $0x3  }
0x37: {  	[smem:$0x3FAF] =	sst s10  }
0x38: {  	s10 =	sld [smem:$0x3FB0]  }
0x39: {  	_ = 	snop;
	(pc) =	sbr.ind lr, $3  }
0x3a: {  	_ = 	snop  }
0x3b: {  	_ = 	snop  }
0x3c: {  	p2 =	seq.s32 s10, $0x1;
	s10 =	sld [smem:$0x3FAF]  }
0x3d: {  	_ =	shalt  }
0x3e: {  	_ =	shalt  }
0x3f: {  	_ =	shalt  }
0x40: {  	_ =	shalt  }
0x41: {  	_ =	shalt  }
0x42: {  	_ =	shalt  }
0x43: {  	_ =	shalt  }
0x44: {  	_ =	shalt  }
0x45: {  	_ =	shalt  }
0x46: {  	_ =	shalt  }
0x47: {  	_ =	shalt  }
0x48: {  	_ =	shalt  }
0x49: {  	_ =	shalt  }
0x4a: {  	_ =	shalt  }
0x4b: {  	_ =	shalt  }
0x4c: {  	_ =	shalt  }
0x4d: {  	_ =	shalt  }
0x4e: {  	_ =	shalt  }
0x4f: {  	_ =	shalt  }
0x50: {  	_ =	shalt  }
0x51: {  	_ =	shalt  }
0x52: {  	_ =	shalt  }
0x53: {  	_ =	shalt  }
0x54: {  	_ =	shalt  }
0x55: {  	_ =	shalt  }
0x56: {  	_ =	shalt  }
0x57: {  	_ =	shalt  }
0x58: {  	_ =	shalt  }
0x59: {  	_ =	shalt  }
0x5a: {  	_ =	shalt  }
0x5b: {  	_ =	shalt  }
0x5c: {  	_ =	shalt  }
0x5d: {  	_ =	shalt  }
0x5e: {  	_ =	shalt  }
0x5f: {  	_ =	shalt  }
0x60: {  	_ =	shalt  }
0x61: {  	_ =	shalt  }
0x62: {  	_ =	shalt  }
0x63: {  	_ =	shalt  }
0x64: {  	_ =	shalt  }
0x65: {  	_ =	shalt  }
0x66: {  	_ =	shalt  }
0x67: {  	_ =	shalt  }
0x68: {  	_ =	shalt  }
0x69: {  	_ =	shalt  }
0x6a: {  	_ =	shalt  }
0x6b: {  	_ =	shalt  }
0x6c: {  	_ =	shalt  }
0x6d: {  	_ =	shalt  }
0x6e: {  	_ =	shalt  }
0x6f: {  	_ =	shalt  }
0x70: {  	_ =	shalt  }
0x71: {  	_ =	shalt  }
0x72: {  	_ =	shalt  }
0x73: {  	_ =	shalt  }
0x74: {  	_ =	shalt  }
0x75: {  	_ =	shalt  }
0x76: {  	_ =	shalt  }
0x77: {  	_ =	shalt  }
0x78: {  	_ =	shalt  }
0x79: {  	_ =	shalt  }
0x7a: {  	_ =	shalt  }
0x7b: {  	_ =	shalt  }
0x7c: {  	_ =	shalt  }
0x7d: {  	_ =	shalt  }
0x7e: {  	_ =	shalt  }
0x7f: {  	_ =	shalt  }
0x80: {  	_ =	shalt  }
0x81: {  	_ =	shalt  }
0x82: {  	_ =	shalt  }
0x83: {  	_ =	shalt  }
0x84: {  	_ =	shalt  }
0x85: {  	_ =	shalt  }
0x86: {  	_ =	shalt  }
0x87: {  	_ =	shalt  }
.Lfunc_end0:
.L_simem_size_0:
called_computation.3_lowered:
.L_overlay_start_0:
0x88: {  	s2 =	sld [smem:$0x3FD9]  }
0x89: {  	s3 =	sld [smem:$0x3FFE];
	_ =	sdelay $0x1  }
0x8a: {  	s1 =	srdreg.scid  }
0x8b: {  	s0 =	sand.u32 $0x1, s1  }
0x8c: {  	s17 =	sshll.u32 s0, $0xA;
	s2 =	sadd.s32 s3, s2  }
0x8d: {  	s2 =	sadd.s32 s2, s17  }
0x8e: {  	[smem:$0x3FBB] =	sst s2  }
0x8f: {  	_ = 	snop  }
0x90: {  	s2 =	sld [smem:$0x3FD0];
	(tm) =	ssettm $0x1  }
0x91: {  	s18 =	sld [smem:$0x3FFB];
	_ =	sdelay $0x3  }
0x92: {  	_ =	strace s18  }
0x93: {  	s3 =	sld [smem:$0x3FFC];
	_ =	sdelay $0x3  }
0x94: {  	_ =	strace s3  }
0x95: {  	s3 =	sld [smem:$0x3FFD];
	_ =	sdelay $0x3  }
0x96: {  	_ =	strace s3  }
0x97: {  	_ =	strace $0x8FFFFFFF  }
0x98: {  	s19 =	sld [smem:$0x3FDB];
	_ =	sdelay $0x1  }
0x99: {  	s4 =	simm.s32 $_scs_section_size  }
0x9a: {  	s5 =	simm.s32 $_size__tile_overlayer_lowered;
	s6 =	simm.s32 $_tile_overlayer_lowered  }
0x9b: {  	s22 =	simm.s32 $0x1BFF;
	s21 =	sshll.u32 s6, $0x1;
	s3 =	sadd.s32 s4, s19  }
0x9c: {  	s7 =	simm.s32 $0x0;
	s20 =	sshll.u32 s5, $0x1;
	s5 =	sadd.s32 s21, s3  }
0x9d: {  	[timem:s7], [sflag:s22] =	dma.local [hbm:s5], s20  }
0x9e: {  	_ =	swait.ge [sflag:s22], s20  }
0x9f: {  	s4 =	ssub.s32 $0x0, s20;
	[sflag:s22] =	ssyncset.done $0x0  }
0xa0: {  	[sflag:s22] =	ssyncadd.s32 s4;
	_ =	sdelay $0x1  }
0xa1: {  	s23 =	simm.s32 $0x1B8B  }
0xa2: {  	_ =	swait.ge [sflag:s23], $0x1  }
0xa3: {  	[sflag:s23] =	ssyncset.done $0x0  }
0xa4: {  	s25 =	simm.s32 $0x1B8E;
	s24 =	sld [smem:$0x3FFE];
	[sflag:s23] =	ssyncadd.s32 $0xFFFFFFFF  }
0xa5: {  	s26 =	simm.s32 $execute0_lowered;
	[smem:$0x3FD2] =	sst s25  }
0xa6: {  	s5 =	sshll.u32 s26, $0x1;
	_ =	strace $0x8000004F;
	[dreg:$0x1] =	wrdreg $0xFFFFFFFF  }
0xa7: {  	s28 =	simm.s32 $_size_execute0_lowered;
	s3 =	sadd.s32 s3, s5;
	[dreg:$0x0] =	wrdreg $0x0  }
0xa8: {  	s5 =	sshll.u32 s28, $0x1;
	[dreg:$0x2] =	wrdreg s3  }
0xa9: {  	[dreg:$0x3] =	wrdreg s5  }
0xaa: {  	[dreg:$0x4] =	wrdreg $0xC0  }
0xab: {  	_ =	task [dreg:s7], $0x5FFFF  }
0xac: {  	[dreg:$0x1] =	wrdreg $0xFFFFFFFF  }
0xad: {  	[dreg:$0x0] =	wrdreg $0x60  }
0xae: {  	[dreg:$0x2] =	wrdreg s24  }
0xaf: {  	[dreg:$0x3] =	wrdreg s2  }
0xb0: {  	[dreg:$0x4] =	wrdreg $0x4C000  }
0xb1: {  	[dreg:$0x5] =	wrdreg $0x9  }
0xb2: {  	_ =	task.clear_ibuf [dreg:s7], $0x6FFFF;
	_ =	strace $0x9000004F  }
0xb3: {  	s29 =	simm.s32 $0x9;
	_ =	strace $0x80000051  }
0xb4: {  	_ =	swait.ge [sflag:s29], $0x1  }
0xb5: {  	[sflag:s29] =	ssyncadd.s32 $0xFFFFFFFF  }
0xb6: {  	_ =	strace $0x90000051  }
0xb7: {  	_ =	sfence  }
0xb8: {  	s30 =	sld [smem:$0x0];
	_ =	sdelay $0x2  }
0xb9: {  	s31 =	sshll.u32 s1, $0xD;
	s1 =	sshrl.u32 s1, $0x2  }
0xba: {  	s3 =	sand.u32 $0x4000, s31;
	s1 =	sadd.s32 s1, s30  }
0xbb: {  	s0 =	sor.u32 s3, s0;
	s1 =	sshll.u32 s1, $0x11  }
0xbc: {  	s0 =	sor.u32 s1, s0  }
0xbd: {  	s0 =	sadd.s32 $0x8F2B, s0  }
0xbe: {  	[sflag:s0] =	ssyncadd.remote.s32 $0x1  }
0xbf: {  	_ =	sfence.sel $0xFFFF  }
0xc0: {  	[dreg:$0x0] =	wrdreg $0xFFFFFFFF;
	(pc) =	sbr.abs _section_cstart, $3  }
0xc1: {  	[dreg:$0x1] =	wrdreg $0xFFFFFFFF  }
0xc2: {  	_ =	task.clear_ibuf [dreg:s7], $0x2FFFF;
	_ =	strace $0x9FFFFFFF  }
0xc3: {  	(tm) =	ssettm $0x7FFFFFFF  }
tec
execute0_lowered:
.L_overlay_start_1:
0x0: {  	(tag) =	ssettag $0x1  }
0x1: {  	s0 =	rddreg [dreg:$0x0];
	s1 =	srdreg.scid  }
0x2: {  	s5 =	rddreg [dreg:$0x1];
	s10 =	stileid.u32  }
0x3: {  	s2 =	rddreg [dreg:$0x2];
	s3 =	simm.s32 $0x0;
	s15 =	simm.s32 $0xC00  }
0x4: {  	s16 =	simm.s32 $0x2;
	s17 =	simm.s32 $0x800;
	s18 =	simm.s32 $0x80  }
0x5: {  	s12 =	simm.s32 $0x880;
	s28 =	simm.s32 $0x500;
	s29 =	simm.s32 $0x180  }
0x6: {  	s30 =	simm.s32 $0x580;
	s31 =	simm.s32 $0x200;
	s6 =	smul.u32 $0x2800, s10  }
0x7: {  	s1 =	sand.u32 $0x1, s1;
	[smem:$0x7FF] =	sst s3;
	s8 =	smul.u32 $0x14000, s10  }
0x8: {  	s11 =	sadd.s32 $0x35C00, s0;
	s20 =	sshll.u32 s10, $0x7;
	s4 =	smul.u32 $0x28000, s1  }
0x9: {  	s10 =	simm.s32 $0x0;
	s19 =	smul.u32 $0x140000, s1;
	s1 =	ssub.s32 $0x2, s1  }
0xa: {  	_ =	strace $0x80000050;
	[dreg:$0x4] =	wrdreg s11;
	s21 =	sshrl.u32 s1, $0x1  }
0xb: {  	s4 =	sadd.s32 s6, s4;
	s6 =	sadd.s32 s19, s8;
	s8 =	sadd.s32 s20, s0  }
0xc: {  	s1 =	ssub.s32 s1, s21;
	s19 =	simm.s32 $0x900;
	s20 =	simm.s32 $0x980  }
0xd: {  	s7 =	sshrl.u32 s4, $0x3;
	s4 =	sadd.s32 $0xDC00, s0;
	s6 =	sshrl.u32 s6, $0x3  }
0xe: {  	s22 =	sadd.s32 $0x3400, s8;
	s1 =	smax.u32 s1, $0x1;
	s8 =	simm.s32 $0x380  }
0xf: {  	s9 =	sadd.s32 s7, s0;
	s0 =	sadd.s32 s6, s0;
	[dreg:$0x5] =	wrdreg s22  }
0x10: {  	[dreg:$0x6] =	wrdreg s1;
	s14 =	sadd.s32 s7, s5;
	s22 =	simm.s32 $0xA00  }
0x11: {  	s1 =	simm.s32 $0x600;
	s5 =	simm.s32 $0x680;
	s23 =	sadd.s32 $0x36400, s0  }
0x12: {  	s6 =	simm.s32 $0x300;
	s24 =	sadd.s32 $0x36C00, s0;
	[dreg:$0x7] =	wrdreg s23  }
0x13: {  	s7 =	simm.s32 $0x700;
	s25 =	sadd.s32 $0x37400, s0;
	[dreg:$0x8] =	wrdreg s24  }
0x14: {  	s26 =	sadd.s32 $0x37C00, s0;
	s0 =	sadd.s32 $0x38400, s0;
	[dreg:$0x9] =	wrdreg s25  }
0x15: {  	s13 =	sadd.s32 $0x3C00, s9;
	s9 =	simm.s32 $0x780;
	[dreg:$0xa] =	wrdreg s26  }
0x16: {  	[dreg:$0xb] =	wrdreg s0;
	s23 =	simm.s32 $0x400;
	s24 =	simm.s32 $0x1  }
0x17: {  	s25 =	simm.s32 $0x480;
	s26 =	simm.s32 $0x100;
	s0 =	simm.s32 $0x280  }
.LBB2_1:
0x18: {  	s11 =	rddreg [dreg:$0x4]  }
0x19: {  	[tilespmem:s15], [sflag:$0x2] =	stream.linear.gather [hbm4b:s11+s3], $0x4000, $0x38;
	[tilespmem:$0x18C00] =	vst v63  }
0x1a: {  	_ =	swait.ge [sflag:s16], $0x4000  }
0x1b: {  	[sflag:s16] =	ssyncset.done $0x0  }
0x1c: {  	s21 =	rddreg [dreg:$0x5];
	[sflag:s16] =	ssyncadd.s32 $0xFFFFC000  }
0x1d: {  	[tilespmem:s17], [sflag:$0x2] =	stream.linear.gather [hbm4b:s21+s3], $0x280, $0x38;
	[tilespmem:$0x18C00] =	vst v63  }
0x1e: {  	_ =	swait.ge [sflag:s16], $0x280  }
0x1f: {  	[sflag:s16] =	ssyncset.done $0x0  }
0x20: {  	[sflag:s16] =	ssyncadd.s32 $0xFFFFFD80  }
0x21: {  	[spmem:s2] =	stream.indirect.scatter [tilespmem:s15], [sflag:$0x2], $0x80, s17, s18, $0xb8;
	[tilespmem:$0x18C00] =	vst v63  }
0x22: {  	_ =	swait.ge [sflag:s16], $0x4000  }
0x23: {  	[sflag:s16] =	ssyncset.done $0x0  }
0x24: {  	[sflag:s16] =	ssyncadd.s32 $0xFFFFC000  }
0x25: {  	[spmem:s2] =	stream.indirect.scatter [tilespmem:s15], [sflag:$0x2], $0x80, s12, s18, $0xb8;
	[tilespmem:$0x18C00] =	vst v63  }
0x26: {  	_ =	swait.ge [sflag:s16], $0x4000  }
0x27: {  	[sflag:s16] =	ssyncset.done $0x0  }
0x28: {  	[sflag:s16] =	ssyncadd.s32 $0xFFFFC000  }
0x29: {  	[spmem:s2] =	stream.indirect.scatter [tilespmem:s15], [sflag:$0x2], $0x80, s19, s18, $0xb8;
	[tilespmem:$0x18C00] =	vst v63  }
0x2a: {  	_ =	swait.ge [sflag:s16], $0x4000  }
0x2b: {  	[sflag:s16] =	ssyncset.done $0x0  }
0x2c: {  	[sflag:s16] =	ssyncadd.s32 $0xFFFFC000  }
0x2d: {  	[spmem:s2] =	stream.indirect.scatter [tilespmem:s15], [sflag:$0x2], $0x80, s20, s18, $0xb8;
	[tilespmem:$0x18C00] =	vst v63  }
0x2e: {  	_ =	swait.ge [sflag:s16], $0x4000  }
0x2f: {  	[sflag:s16] =	ssyncset.done $0x0  }
0x30: {  	[sflag:s16] =	ssyncadd.s32 $0xFFFFC000  }
0x31: {  	[spmem:s2] =	stream.indirect.scatter [tilespmem:s15], [sflag:$0x2], $0x80, s22, s18, $0xb8;
	[tilespmem:$0x18C00] =	vst v63  }
0x32: {  	_ =	swait.ge [sflag:s16], $0x4000  }
0x33: {  	[sflag:s16] =	ssyncset.done $0x0  }
0x34: {  	[sflag:s16] =	ssyncadd.s32 $0xFFFFC000  }
0x35: {  	s20 =	sadd.s32 $0x0, s14;
	[bflag:$0x0] =	sbarrier.arrive $0xFFFF  }
0x36: {  	[tilespmem:s3], [sflag:$0x2] =	stream.linear.gather [hbm4b:s20+s3], $0x400, $0x38;
	[tilespmem:$0x18C00] =	vst v63  }
0x37: {  	_ =	swait.ge [sflag:s16], $0x400  }
0x38: {  	[sflag:s16] =	ssyncset.done $0x0  }
0x39: {  	s21 =	sadd.s32 $0x0, s13;
	[sflag:s16] =	ssyncadd.s32 $0xFFFFFC00  }
0x3a: {  	[tilespmem:s23], [sflag:$0x2] =	stream.linear.gather [hbm4b:s21+s3], $0x400, $0x38;
	[tilespmem:$0x18C00] =	vst v63  }
0x3b: {  	_ =	swait.ge [sflag:s16], $0x400  }
0x3c: {  	[sflag:s16] =	ssyncset.done $0x0  }
0x3d: {  	[sflag:s16] =	ssyncadd.s32 $0xFFFFFC00  }
0x3e: {  	[tilespmem:s15], [sflag:$0x1] =	stream.indirect.gather [hbm4b:s4+s18], $0x80, s3, s18, $0xb8;
	[tilespmem:$0x18C00] =	vst v63  }
0x3f: {  	_ =	swait.ge [sflag:s24], $0x4000  }
0x40: {  	[sflag:s24] =	ssyncset.done $0x0  }
0x41: {  	[sflag:s24] =	ssyncadd.s32 $0xFFFFC000  }
0x42: {  	[spmem:s2] =	stream.indirect.scatter.add.f32 [tilespmem:s15], [sflag:$0x2], $0x80, s23, s18, $0xb8;
	[tilespmem:$0x18C00] =	vst v63  }
0x43: {  	_ =	swait.ge [sflag:s16], $0x4000  }
0x44: {  	[sflag:s16] =	ssyncset.done $0x0  }
0x45: {  	[sflag:s16] =	ssyncadd.s32 $0xFFFFC000  }
0x46: {  	[tilespmem:s15], [sflag:$0x1] =	stream.indirect.gather [hbm4b:s4+s18], $0x80, s18, s18, $0xb8;
	[tilespmem:$0x18C00] =	vst v63  }
0x47: {  	_ =	swait.ge [sflag:s24], $0x4000  }
0x48: {  	[sflag:s24] =	ssyncset.done $0x0  }
0x49: {  	[sflag:s24] =	ssyncadd.s32 $0xFFFFC000  }
0x4a: {  	[spmem:s2] =	stream.indirect.scatter.add.f32 [tilespmem:s15], [sflag:$0x2], $0x80, s25, s18, $0xb8;
	[tilespmem:$0x18C00] =	vst v63  }
0x4b: {  	_ =	swait.ge [sflag:s16], $0x4000  }
0x4c: {  	[sflag:s16] =	ssyncset.done $0x0  }
0x4d: {  	[sflag:s16] =	ssyncadd.s32 $0xFFFFC000  }
0x4e: {  	[tilespmem:s15], [sflag:$0x1] =	stream.indirect.gather [hbm4b:s4+s18], $0x80, s26, s18, $0xb8;
	[tilespmem:$0x18C00] =	vst v63  }
0x4f: {  	_ =	swait.ge [sflag:s24], $0x4000  }
0x50: {  	[sflag:s24] =	ssyncset.done $0x0  }
0x51: {  	[sflag:s24] =	ssyncadd.s32 $0xFFFFC000  }
0x52: {  	[spmem:s2] =	stream.indirect.scatter.add.f32 [tilespmem:s15], [sflag:$0x2], $0x80, s28, s18, $0xb8;
	[tilespmem:$0x18C00] =	vst v63  }
0x53: {  	_ =	swait.ge [sflag:s16], $0x4000  }
0x54: {  	[sflag:s16] =	ssyncset.done $0x0  }
0x55: {  	[sflag:s16] =	ssyncadd.s32 $0xFFFFC000  }
0x56: {  	[tilespmem:s15], [sflag:$0x1] =	stream.indirect.gather [hbm4b:s4+s18], $0x80, s29, s18, $0xb8;
	[tilespmem:$0x18C00] =	vst v63  }
0x57: {  	_ =	swait.ge [sflag:s24], $0x4000  }
0x58: {  	[sflag:s24] =	ssyncset.done $0x0  }
0x59: {  	[sflag:s24] =	ssyncadd.s32 $0xFFFFC000  }
0x5a: {  	[spmem:s2] =	stream.indirect.scatter.add.f32 [tilespmem:s15], [sflag:$0x2], $0x80, s30, s18, $0xb8;
	[tilespmem:$0x18C00] =	vst v63  }
0x5b: {  	_ =	swait.ge [sflag:s16], $0x4000  }
0x5c: {  	[sflag:s16] =	ssyncset.done $0x0  }
0x5d: {  	[sflag:s16] =	ssyncadd.s32 $0xFFFFC000  }
0x5e: {  	[tilespmem:s15], [sflag:$0x1] =	stream.indirect.gather [hbm4b:s4+s18], $0x80, s31, s18, $0xb8;
	[tilespmem:$0x18C00] =	vst v63  }
0x5f: {  	_ =	swait.ge [sflag:s24], $0x4000  }
0x60: {  	[sflag:s24] =	ssyncset.done $0x0  }
0x61: {  	[sflag:s24] =	ssyncadd.s32 $0xFFFFC000  }
0x62: {  	[spmem:s2] =	stream.indirect.scatter.add.f32 [tilespmem:s15], [sflag:$0x2], $0x80, s1, s18, $0xb8;
	[tilespmem:$0x18C00] =	vst v63  }
0x63: {  	_ =	swait.ge [sflag:s16], $0x4000  }
0x64: {  	[sflag:s16] =	ssyncset.done $0x0  }
0x65: {  	[sflag:s16] =	ssyncadd.s32 $0xFFFFC000  }
0x66: {  	[tilespmem:s15], [sflag:$0x1] =	stream.indirect.gather [hbm4b:s4+s18], $0x80, s0, s18, $0xb8;
	[tilespmem:$0x18C00] =	vst v63  }
0x67: {  	_ =	swait.ge [sflag:s24], $0x4000  }
0x68: {  	[sflag:s24] =	ssyncset.done $0x0  }
0x69: {  	[sflag:s24] =	ssyncadd.s32 $0xFFFFC000  }
0x6a: {  	[spmem:s2] =	stream.indirect.scatter.add.f32 [tilespmem:s15], [sflag:$0x2], $0x80, s5, s18, $0xb8;
	[tilespmem:$0x18C00] =	vst v63  }
0x6b: {  	_ =	swait.ge [sflag:s16], $0x4000  }
0x6c: {  	[sflag:s16] =	ssyncset.done $0x0  }
0x6d: {  	[sflag:s16] =	ssyncadd.s32 $0xFFFFC000  }
0x6e: {  	[tilespmem:s15], [sflag:$0x1] =	stream.indirect.gather [hbm4b:s4+s18], $0x80, s6, s18, $0xb8;
	[tilespmem:$0x18C00] =	vst v63  }
0x6f: {  	_ =	swait.ge [sflag:s24], $0x4000  }
0x70: {  	[sflag:s24] =	ssyncset.done $0x0  }
0x71: {  	[sflag:s24] =	ssyncadd.s32 $0xFFFFC000  }
0x72: {  	[spmem:s2] =	stream.indirect.scatter.add.f32 [tilespmem:s15], [sflag:$0x2], $0x80, s7, s18, $0xb8;
	[tilespmem:$0x18C00] =	vst v63  }
0x73: {  	_ =	swait.ge [sflag:s16], $0x4000  }
0x74: {  	[sflag:s16] =	ssyncset.done $0x0  }
0x75: {  	[sflag:s16] =	ssyncadd.s32 $0xFFFFC000  }
0x76: {  	[tilespmem:s15], [sflag:$0x1] =	stream.indirect.gather [hbm4b:s4+s18], $0x80, s8, s18, $0xb8;
	[tilespmem:$0x18C00] =	vst v63  }
0x77: {  	_ =	swait.ge [sflag:s24], $0x4000  }
0x78: {  	[sflag:s24] =	ssyncset.done $0x0  }
0x79: {  	[sflag:s24] =	ssyncadd.s32 $0xFFFFC000  }
0x7a: {  	[spmem:s2] =	stream.indirect.scatter.add.f32 [tilespmem:s15], [sflag:$0x2], $0x80, s9, s18, $0xb8;
	[tilespmem:$0x18C00] =	vst v63  }
0x7b: {  	_ =	swait.ge [sflag:s16], $0x4000  }
0x7c: {  	s11 =	simm.s32 $0x80;
	s12 =	simm.s32 $0x100;
	[sflag:s16] =	ssyncset.done $0x0  }
.LBB2_2:
0x7d: {  	s20 =	sadd.s32 s11, s14  }
0x7e: {  	[sflag:s16] =	ssyncadd.s32 $0xFFFFC000;
	s21 =	smov.u32 s12;
	s19 =	sadd.s32 $0x80, s12  }
0x7f: {  	[tilespmem:s3], [sflag:$0x2] =	stream.linear.gather [hbm4b:s20+s3], $0x400, $0x38;
	[tilespmem:$0x18C00] =	vst v63  }
0x80: {  	p0 =	sne.s32 s12, $0x480;
	_ =	swait.ge [sflag:s16], $0x400  }
0x81: {  	[sflag:s16] =	ssyncset.done $0x0  }
0x82: {  	s12 =	sadd.s32 s11, s13;
	s11 =	smov.u32 s21;
	[sflag:s16] =	ssyncadd.s32 $0xFFFFFC00  }
0x83: {  	[tilespmem:s23], [sflag:$0x2] =	stream.linear.gather [hbm4b:s12+s3], $0x400, $0x38;
	[tilespmem:$0x18C00] =	vst v63  }
0x84: {  	_ =	swait.ge [sflag:s16], $0x400  }
0x85: {  	[sflag:s16] =	ssyncset.done $0x0  }
0x86: {  	[sflag:s16] =	ssyncadd.s32 $0xFFFFFC00  }
0x87: {  	[tilespmem:s15], [sflag:$0x1] =	stream.indirect.gather [hbm4b:s4+s18], $0x80, s3, s18, $0xb8;
	[tilespmem:$0x18C00] =	vst v63  }
0x88: {  	_ =	swait.ge [sflag:s24], $0x4000  }
0x89: {  	[sflag:s24] =	ssyncset.done $0x0  }
0x8a: {  	[sflag:s24] =	ssyncadd.s32 $0xFFFFC000  }
0x8b: {  	[spmem:s2] =	stream.indirect.scatter.add.f32 [tilespmem:s15], [sflag:$0x2], $0x80, s23, s18, $0xb8;
	[tilespmem:$0x18C00] =	vst v63  }
0x8c: {  	_ =	swait.ge [sflag:s16], $0x4000  }
0x8d: {  	[sflag:s16] =	ssyncset.done $0x0  }
0x8e: {  	[sflag:s16] =	ssyncadd.s32 $0xFFFFC000  }
0x8f: {  	[tilespmem:s15], [sflag:$0x1] =	stream.indirect.gather [hbm4b:s4+s18], $0x80, s18, s18, $0xb8;
	[tilespmem:$0x18C00] =	vst v63  }
0x90: {  	_ =	swait.ge [sflag:s24], $0x4000  }
0x91: {  	[sflag:s24] =	ssyncset.done $0x0  }
0x92: {  	[sflag:s24] =	ssyncadd.s32 $0xFFFFC000  }
0x93: {  	[spmem:s2] =	stream.indirect.scatter.add.f32 [tilespmem:s15], [sflag:$0x2], $0x80, s25, s18, $0xb8;
	[tilespmem:$0x18C00] =	vst v63  }
0x94: {  	_ =	swait.ge [sflag:s16], $0x4000  }
0x95: {  	[sflag:s16] =	ssyncset.done $0x0  }
0x96: {  	[sflag:s16] =	ssyncadd.s32 $0xFFFFC000  }
0x97: {  	[tilespmem:s15], [sflag:$0x1] =	stream.indirect.gather [hbm4b:s4+s18], $0x80, s26, s18, $0xb8;
	[tilespmem:$0x18C00] =	vst v63  }
0x98: {  	_ =	swait.ge [sflag:s24], $0x4000  }
0x99: {  	[sflag:s24] =	ssyncset.done $0x0  }
0x9a: {  	[sflag:s24] =	ssyncadd.s32 $0xFFFFC000  }
0x9b: {  	[spmem:s2] =	stream.indirect.scatter.add.f32 [tilespmem:s15], [sflag:$0x2], $0x80, s28, s18, $0xb8;
	[tilespmem:$0x18C00] =	vst v63  }
0x9c: {  	_ =	swait.ge [sflag:s16], $0x4000  }
0x9d: {  	[sflag:s16] =	ssyncset.done $0x0  }
0x9e: {  	[sflag:s16] =	ssyncadd.s32 $0xFFFFC000  }
0x9f: {  	[tilespmem:s15], [sflag:$0x1] =	stream.indirect.gather [hbm4b:s4+s18], $0x80, s29, s18, $0xb8;
	[tilespmem:$0x18C00] =	vst v63  }
0xa0: {  	_ =	swait.ge [sflag:s24], $0x4000  }
0xa1: {  	[sflag:s24] =	ssyncset.done $0x0  }
0xa2: {  	[sflag:s24] =	ssyncadd.s32 $0xFFFFC000  }
0xa3: {  	[spmem:s2] =	stream.indirect.scatter.add.f32 [tilespmem:s15], [sflag:$0x2], $0x80, s30, s18, $0xb8;
	[tilespmem:$0x18C00] =	vst v63  }
0xa4: {  	_ =	swait.ge [sflag:s16], $0x4000  }
0xa5: {  	[sflag:s16] =	ssyncset.done $0x0  }
0xa6: {  	[sflag:s16] =	ssyncadd.s32 $0xFFFFC000  }
0xa7: {  	[tilespmem:s15], [sflag:$0x1] =	stream.indirect.gather [hbm4b:s4+s18], $0x80, s31, s18, $0xb8;
	[tilespmem:$0x18C00] =	vst v63  }
0xa8: {  	_ =	swait.ge [sflag:s24], $0x4000  }
0xa9: {  	[sflag:s24] =	ssyncset.done $0x0  }
0xaa: {  	[sflag:s24] =	ssyncadd.s32 $0xFFFFC000  }
0xab: {  	[spmem:s2] =	stream.indirect.scatter.add.f32 [tilespmem:s15], [sflag:$0x2], $0x80, s1, s18, $0xb8;
	[tilespmem:$0x18C00] =	vst v63  }
0xac: {  	_ =	swait.ge [sflag:s16], $0x4000  }
0xad: {  	[sflag:s16] =	ssyncset.done $0x0  }
0xae: {  	[sflag:s16] =	ssyncadd.s32 $0xFFFFC000  }
0xaf: {  	[tilespmem:s15], [sflag:$0x1] =	stream.indirect.gather [hbm4b:s4+s18], $0x80, s0, s18, $0xb8;
	[tilespmem:$0x18C00] =	vst v63  }
0xb0: {  	_ =	swait.ge [sflag:s24], $0x4000  }
0xb1: {  	[sflag:s24] =	ssyncset.done $0x0  }
0xb2: {  	[sflag:s24] =	ssyncadd.s32 $0xFFFFC000  }
0xb3: {  	[spmem:s2] =	stream.indirect.scatter.add.f32 [tilespmem:s15], [sflag:$0x2], $0x80, s5, s18, $0xb8;
	[tilespmem:$0x18C00] =	vst v63  }
0xb4: {  	_ =	swait.ge [sflag:s16], $0x4000  }
0xb5: {  	[sflag:s16] =	ssyncset.done $0x0  }
0xb6: {  	[sflag:s16] =	ssyncadd.s32 $0xFFFFC000  }
0xb7: {  	[tilespmem:s15], [sflag:$0x1] =	stream.indirect.gather [hbm4b:s4+s18], $0x80, s6, s18, $0xb8;
	[tilespmem:$0x18C00] =	vst v63  }
0xb8: {  	_ =	swait.ge [sflag:s24], $0x4000  }
0xb9: {  	[sflag:s24] =	ssyncset.done $0x0  }
0xba: {  	[sflag:s24] =	ssyncadd.s32 $0xFFFFC000  }
0xbb: {  	[spmem:s2] =	stream.indirect.scatter.add.f32 [tilespmem:s15], [sflag:$0x2], $0x80, s7, s18, $0xb8;
	[tilespmem:$0x18C00] =	vst v63  }
0xbc: {  	_ =	swait.ge [sflag:s16], $0x4000  }
0xbd: {  	[sflag:s16] =	ssyncset.done $0x0  }
0xbe: {  	[sflag:s16] =	ssyncadd.s32 $0xFFFFC000  }
0xbf: {  	[tilespmem:s15], [sflag:$0x1] =	stream.indirect.gather [hbm4b:s4+s18], $0x80, s8, s18, $0xb8;
	[tilespmem:$0x18C00] =	vst v63  }
0xc0: {  	_ =	swait.ge [sflag:s24], $0x4000  }
.Ltmp0:
0xc1: {  	[sflag:s24] =	ssyncset.done $0x0;
	(pc) =	sbr.rel @p0 .LBB2_2-.Ltmp0, $4  }
0xc2: {  	[sflag:s24] =	ssyncadd.s32 $0xFFFFC000  }
0xc3: {  	[spmem:s2] =	stream.indirect.scatter.add.f32 [tilespmem:s15], [sflag:$0x2], $0x80, s9, s18, $0xb8;
	[tilespmem:$0x18C00] =	vst v63  }
0xc4: {  	_ =	swait.ge [sflag:s16], $0x4000  }
0xc5: {  	s12 =	smov.u32 s19;
	[sflag:s16] =	ssyncset.done $0x0  }
0xc6: {  	s12 =	sadd.s32 s11, s14;
	[sflag:s16] =	ssyncadd.s32 $0xFFFFC000  }
0xc7: {  	[tilespmem:s3], [sflag:$0x2] =	stream.linear.gather [hbm4b:s12+s3], $0x400, $0x38;
	[tilespmem:$0x18C00] =	vst v63  }
0xc8: {  	_ =	swait.ge [sflag:s16], $0x400  }
0xc9: {  	[sflag:s16] =	ssyncset.done $0x0  }
0xca: {  	s21 =	sadd.s32 s11, s13;
	[sflag:s16] =	ssyncadd.s32 $0xFFFFFC00  }
0xcb: {  	[tilespmem:s23], [sflag:$0x2] =	stream.linear.gather [hbm4b:s21+s3], $0x400, $0x38;
	[tilespmem:$0x18C00] =	vst v63  }
0xcc: {  	_ =	swait.ge [sflag:s16], $0x400  }
0xcd: {  	[sflag:s16] =	ssyncset.done $0x0  }
0xce: {  	[sflag:s16] =	ssyncadd.s32 $0xFFFFFC00  }
0xcf: {  	[tilespmem:s15], [sflag:$0x1] =	stream.indirect.gather [hbm4b:s4+s18], $0x80, s3, s18, $0xb8;
	[tilespmem:$0x18C00] =	vst v63  }
0xd0: {  	_ =	swait.ge [sflag:s24], $0x4000  }
0xd1: {  	[sflag:s24] =	ssyncset.done $0x0  }
0xd2: {  	[sflag:s24] =	ssyncadd.s32 $0xFFFFC000  }
0xd3: {  	[spmem:s2] =	stream.indirect.scatter.add.f32 [tilespmem:s15], [sflag:$0x2], $0x80, s23, s18, $0xb8;
	[tilespmem:$0x18C00] =	vst v63  }
0xd4: {  	_ =	swait.ge [sflag:s16], $0x4000  }
0xd5: {  	[sflag:s16] =	ssyncset.done $0x0  }
0xd6: {  	[sflag:s16] =	ssyncadd.s32 $0xFFFFC000  }
0xd7: {  	[tilespmem:s15], [sflag:$0x1] =	stream.indirect.gather [hbm4b:s4+s18], $0x80, s18, s18, $0xb8;
	[tilespmem:$0x18C00] =	vst v63  }
0xd8: {  	_ =	swait.ge [sflag:s24], $0x4000  }
0xd9: {  	[sflag:s24] =	ssyncset.done $0x0  }
0xda: {  	[sflag:s24] =	ssyncadd.s32 $0xFFFFC000  }
0xdb: {  	[spmem:s2] =	stream.indirect.scatter.add.f32 [tilespmem:s15], [sflag:$0x2], $0x80, s25, s18, $0xb8;
	[tilespmem:$0x18C00] =	vst v63  }
0xdc: {  	_ =	swait.ge [sflag:s16], $0x4000  }
0xdd: {  	[sflag:s16] =	ssyncset.done $0x0  }
0xde: {  	[sflag:s16] =	ssyncadd.s32 $0xFFFFC000  }
0xdf: {  	[tilespmem:s15], [sflag:$0x1] =	stream.indirect.gather [hbm4b:s4+s18], $0x80, s26, s18, $0xb8;
	[tilespmem:$0x18C00] =	vst v63  }
0xe0: {  	_ =	swait.ge [sflag:s24], $0x4000  }
0xe1: {  	[sflag:s24] =	ssyncset.done $0x0  }
0xe2: {  	[sflag:s24] =	ssyncadd.s32 $0xFFFFC000  }
0xe3: {  	[spmem:s2] =	stream.indirect.scatter.add.f32 [tilespmem:s15], [sflag:$0x2], $0x80, s28, s18, $0xb8;
	[tilespmem:$0x18C00] =	vst v63  }
0xe4: {  	_ =	swait.ge [sflag:s16], $0x4000  }
0xe5: {  	[sflag:s16] =	ssyncset.done $0x0  }
0xe6: {  	[sflag:s16] =	ssyncadd.s32 $0xFFFFC000  }
0xe7: {  	[tilespmem:s15], [sflag:$0x1] =	stream.indirect.gather [hbm4b:s4+s18], $0x80, s29, s18, $0xb8;
	[tilespmem:$0x18C00] =	vst v63  }
0xe8: {  	_ =	swait.ge [sflag:s24], $0x4000  }
0xe9: {  	[sflag:s24] =	ssyncset.done $0x0  }
0xea: {  	[sflag:s24] =	ssyncadd.s32 $0xFFFFC000  }
0xeb: {  	[spmem:s2] =	stream.indirect.scatter.add.f32 [tilespmem:s15], [sflag:$0x2], $0x80, s30, s18, $0xb8;
	[tilespmem:$0x18C00] =	vst v63  }
0xec: {  	_ =	swait.ge [sflag:s16], $0x4000  }
0xed: {  	[sflag:s16] =	ssyncset.done $0x0  }
0xee: {  	[sflag:s16] =	ssyncadd.s32 $0xFFFFC000  }
0xef: {  	[tilespmem:s15], [sflag:$0x1] =	stream.indirect.gather [hbm4b:s4+s18], $0x80, s31, s18, $0xb8;
	[tilespmem:$0x18C00] =	vst v63  }
0xf0: {  	_ =	swait.ge [sflag:s24], $0x4000  }
0xf1: {  	[sflag:s24] =	ssyncset.done $0x0  }
0xf2: {  	[sflag:s24] =	ssyncadd.s32 $0xFFFFC000  }
0xf3: {  	[spmem:s2] =	stream.indirect.scatter.add.f32 [tilespmem:s15], [sflag:$0x2], $0x80, s1, s18, $0xb8;
	[tilespmem:$0x18C00] =	vst v63  }
0xf4: {  	_ =	swait.ge [sflag:s16], $0x4000  }
0xf5: {  	[sflag:s16] =	ssyncset.done $0x0  }
0xf6: {  	[sflag:s16] =	ssyncadd.s32 $0xFFFFC000  }
0xf7: {  	[tilespmem:s15], [sflag:$0x1] =	stream.indirect.gather [hbm4b:s4+s18], $0x80, s0, s18, $0xb8;
	[tilespmem:$0x18C00] =	vst v63  }
0xf8: {  	_ =	swait.ge [sflag:s24], $0x4000  }
0xf9: {  	[sflag:s24] =	ssyncset.done $0x0  }
0xfa: {  	[sflag:s24] =	ssyncadd.s32 $0xFFFFC000  }
0xfb: {  	[spmem:s2] =	stream.indirect.scatter.add.f32 [tilespmem:s15], [sflag:$0x2], $0x80, s5, s18, $0xb8;
	[tilespmem:$0x18C00] =	vst v63  }
0xfc: {  	_ =	swait.ge [sflag:s16], $0x4000  }
0xfd: {  	[sflag:s16] =	ssyncset.done $0x0  }
0xfe: {  	[sflag:s16] =	ssyncadd.s32 $0xFFFFC000  }
0xff: {  	[tilespmem:s15], [sflag:$0x1] =	stream.indirect.gather [hbm4b:s4+s18], $0x80, s6, s18, $0xb8;
	[tilespmem:$0x18C00] =	vst v63  }
0x100: {  	_ =	swait.ge [sflag:s24], $0x4000  }
0x101: {  	[sflag:s24] =	ssyncset.done $0x0  }
0x102: {  	[sflag:s24] =	ssyncadd.s32 $0xFFFFC000  }
0x103: {  	[spmem:s2] =	stream.indirect.scatter.add.f32 [tilespmem:s15], [sflag:$0x2], $0x80, s7, s18, $0xb8;
	[tilespmem:$0x18C00] =	vst v63  }
0x104: {  	_ =	swait.ge [sflag:s16], $0x4000  }
0x105: {  	[sflag:s16] =	ssyncset.done $0x0  }
0x106: {  	[sflag:s16] =	ssyncadd.s32 $0xFFFFC000  }
0x107: {  	[tilespmem:s15], [sflag:$0x1] =	stream.indirect.gather [hbm4b:s4+s18], $0x80, s8, s18, $0xb8;
	[tilespmem:$0x18C00] =	vst v63  }
0x108: {  	_ =	swait.ge [sflag:s24], $0x4000  }
0x109: {  	[sflag:s24] =	ssyncset.done $0x0  }
0x10a: {  	[sflag:s24] =	ssyncadd.s32 $0xFFFFC000  }
0x10b: {  	[spmem:s2] =	stream.indirect.scatter.add.f32 [tilespmem:s15], [sflag:$0x2], $0x80, s9, s18, $0xb8;
	[tilespmem:$0x18C00] =	vst v63  }
0x10c: {  	_ =	swait.ge [sflag:s16], $0x4000  }
0x10d: {  	[sflag:s16] =	ssyncset.done $0x0  }
0x10e: {  	[sflag:s16] =	ssyncadd.s32 $0xFFFFC000  }
0x10f: {  	[bflag:$0x0] =	sbarrier.arrive $0xFFFF  }
0x110: {  	[tilespmem:s15], [sflag:$0x1] =	stream.indirect.gather [spmem:s2], $0x80, s17, s18, $0xb8;
	[tilespmem:$0x18C00] =	vst v63  }
0x111: {  	_ =	swait.ge [sflag:s24], $0x4000  }
0x112: {  	[sflag:s24] =	ssyncset.done $0x0  }
0x113: {  	s12 =	rddreg [dreg:$0x7];
	[sflag:s24] =	ssyncadd.s32 $0xFFFFC000  }
0x114: {  	[hbm4b:s12+s3] =	stream.linear.scatter [tilespmem:s15], [sflag:$0x2], $0x4000, $0x38;
	[tilespmem:$0x18C00] =	vst v63  }
0x115: {  	_ =	swait.ge [sflag:s16], $0x4000  }
0x116: {  	[sflag:s16] =	ssyncset.done $0x0  }
0x117: {  	s12 =	simm.s32 $0x880;
	[sflag:s16] =	ssyncadd.s32 $0xFFFFC000  }
0x118: {  	[tilespmem:s15], [sflag:$0x1] =	stream.indirect.gather [spmem:s2], $0x80, s12, s18, $0xb8;
	[tilespmem:$0x18C00] =	vst v63  }
0x119: {  	_ =	swait.ge [sflag:s24], $0x4000  }
0x11a: {  	[sflag:s24] =	ssyncset.done $0x0  }
0x11b: {  	s19 =	rddreg [dreg:$0x8];
	[sflag:s24] =	ssyncadd.s32 $0xFFFFC000  }
0x11c: {  	[hbm4b:s19+s3] =	stream.linear.scatter [tilespmem:s15], [sflag:$0x2], $0x4000, $0x38;
	[tilespmem:$0x18C00] =	vst v63  }
0x11d: {  	_ =	swait.ge [sflag:s16], $0x4000  }
0x11e: {  	[sflag:s16] =	ssyncset.done $0x0  }
0x11f: {  	s19 =	simm.s32 $0x900;
	[sflag:s16] =	ssyncadd.s32 $0xFFFFC000  }
0x120: {  	[tilespmem:s15], [sflag:$0x1] =	stream.indirect.gather [spmem:s2], $0x80, s19, s18, $0xb8;
	[tilespmem:$0x18C00] =	vst v63  }
0x121: {  	_ =	swait.ge [sflag:s24], $0x4000  }
0x122: {  	[sflag:s24] =	ssyncset.done $0x0  }
0x123: {  	s20 =	rddreg [dreg:$0x9];
	[sflag:s24] =	ssyncadd.s32 $0xFFFFC000  }
0x124: {  	[hbm4b:s20+s3] =	stream.linear.scatter [tilespmem:s15], [sflag:$0x2], $0x4000, $0x38;
	[tilespmem:$0x18C00] =	vst v63  }
0x125: {  	_ =	swait.ge [sflag:s16], $0x4000  }
0x126: {  	[sflag:s16] =	ssyncset.done $0x0  }
0x127: {  	s20 =	simm.s32 $0x980;
	[sflag:s16] =	ssyncadd.s32 $0xFFFFC000  }
0x128: {  	[tilespmem:s15], [sflag:$0x1] =	stream.indirect.gather [spmem:s2], $0x80, s20, s18, $0xb8;
	[tilespmem:$0x18C00] =	vst v63  }
0x129: {  	_ =	swait.ge [sflag:s24], $0x4000  }
0x12a: {  	[sflag:s24] =	ssyncset.done $0x0  }
0x12b: {  	s21 =	rddreg [dreg:$0xa];
	[sflag:s24] =	ssyncadd.s32 $0xFFFFC000  }
0x12c: {  	[hbm4b:s21+s3] =	stream.linear.scatter [tilespmem:s15], [sflag:$0x2], $0x4000, $0x38;
	[tilespmem:$0x18C00] =	vst v63  }
0x12d: {  	_ =	swait.ge [sflag:s16], $0x4000  }
0x12e: {  	[sflag:s16] =	ssyncset.done $0x0  }
0x12f: {  	[sflag:s16] =	ssyncadd.s32 $0xFFFFC000  }
0x130: {  	[tilespmem:s15], [sflag:$0x1] =	stream.indirect.gather [spmem:s2], $0x80, s22, s18, $0xb8;
	[tilespmem:$0x18C00] =	vst v63  }
0x131: {  	_ =	swait.ge [sflag:s24], $0x4000  }
0x132: {  	[sflag:s24] =	ssyncset.done $0x0  }
0x133: {  	s21 =	rddreg [dreg:$0xb];
	[sflag:s24] =	ssyncadd.s32 $0xFFFFC000  }
0x134: {  	[hbm4b:s21+s3] =	stream.linear.scatter [tilespmem:s15], [sflag:$0x2], $0x4000, $0x38;
	[tilespmem:$0x18C00] =	vst v63  }
0x135: {  	_ =	swait.ge [sflag:s16], $0x4000  }
0x136: {  	s10 =	sadd.s32 $0x1, s10;
	s21 =	rddreg [dreg:$0x6]  }
0x137: {  	p0 =	sne.s32 s10, s21  }
.Ltmp1:
0x138: {  	_ = 	snop;
	(pc) =	sbr.rel @p0 .LBB2_1-.Ltmp1, $3  }
0x139: {  	_ =	sdelay $0x1  }
0x13a: {  	[sflag:s16] =	ssyncset.done $0x0  }
0x13b: {  	[sflag:s16] =	ssyncadd.s32 $0xFFFFC000  }
0x13c: {  	_ =	sfence.sel $0x180000  }
0x13d: {  	[bflag:$0x0] =	sbarrier.arrive $0xFFFF  }
0x13e: {  	_ =	strace $0x90000050  }
0x13f: {  	s0 =	stileid.u32;
	[bflag:$0x2] =	sbarrier.arrive $0xFFFF  }
0x140: {  	p0 =	sne.s32 s0, $0x0;
	s0 =	rddreg [dreg:$0x3]  }
0x141: {  	s0 =	sadd.s32 @!p0 $0x100000, s0  }
0x142: {  	[sflag:s0] =	ssyncadd.tile.s32 @!p0 $0x1;
	_ =	shalt  }
.Lfunc_end2:
_tile_overlayer_lowered:
.L_overlay_start_2:
0x143: {  	(tag) =	ssettag $0x2  }
0x144: {  	s0 =	rddreg [dreg:$0x0];
	s2 =	stileid.u32  }
0x145: {  	s1 =	rddreg [dreg:$0x1];
	p0 =	sne.s32 s2, $0x0  }
0x146: {  	s3 =	rddreg [dreg:$0x2];
	[bflag:$0x3] =	sbarrier.arrive $0xFFFF;
	s2 =	simm.s32 @!p0 $0x1C02  }
0x147: {  	[timem:s3], [sflag:s2] =	dma.local @!p0 [hbm:s0], s1  }
0x148: {  	s0 =	simm.s32 @!p0 $0x2  }
0x149: {  	_ =	swait.ge @!p0 [sflag:s0], s1  }
0x14a: {  	s1 =	ssub.s32 @!p0 $0x0, s1;
	[sflag:s0] =	ssyncset.done @!p0 $0x0  }
0x14b: {  	[sflag:s0] =	ssyncadd.s32 @!p0 s1  }
0x14c: {  	[bflag:$0x3] =	sbarrier.arrive $0xFFFF  }
0x14d: {  	_ =	shalt  }

</sc_bundles>
